<compile_context>
chip_gen: v7x
topology: tpu7x:2x2x1
jax: 0.10.2.dev20260603
libtpu: 0.0.44.dev20260713+nightly
codegen_flags: <defaults>
</compile_context>

<pallas_src>
import functools

import jax
import jax.numpy as jnp
from jax import lax
from jax.experimental import pallas as pl
from jax.experimental.pallas import tpu as pltpu
from jax.experimental.pallas import tpu_sc as plsc

_N = 10000
_E = 320000
_D = 128

_NC = 2
_NS = 16
_NW = _NC * _NS

_GRP = 128
_GPW = 80
_GC = 8
_NCHUNK = _GPW // _GC
_EPW = _GPW * _GRP
_E_PAD = _NW * _EPW
_ACC_ROWS = 10112
_RPS_INIT = _ACC_ROWS // _NS
_RPS_OUT = 632
_RPS_LAST = _N - (_NS - 1) * _RPS_OUT


def _sc_aggregate(h, src1d, dst2d, zeros):
    mesh = plsc.VectorSubcoreMesh(core_axis_name="c", subcore_axis_name="s")

    @functools.partial(
        pl.kernel,
        mesh=mesh,
        out_type=jax.ShapeDtypeStruct((_NC, _N, _D), jnp.float32),
        scratch_types=[
            pltpu.VMEM((2, _GC, _GRP), jnp.int32),
            pltpu.VMEM((2, _GC, _GRP), jnp.int32),
            pltpu.VMEM((2 * _GRP, _D), jnp.float32),
            pltpu.VMEM_SHARED((_ACC_ROWS, _D), jnp.float32),
            pltpu.SemaphoreType.DMA,
            pltpu.SemaphoreType.DMA,
            pltpu.SemaphoreType.DMA,
            pltpu.SemaphoreType.DMA,
        ],
    )
    def agg(h_hbm, src_hbm, dst_hbm, z_hbm, out_hbm,
            src_v, dst_v, rows_v, acc_sh, gsem0, gsem1, isem, zsem):
        gsems = (gsem0, gsem1)
        cid = lax.axis_index("c")
        sid = lax.axis_index("s")
        zcopy = pltpu.async_copy(
            z_hbm.at[pl.ds(sid * _RPS_INIT, _RPS_INIT)],
            acc_sh.at[pl.ds(sid * _RPS_INIT, _RPS_INIT)], zsem)
        gbase = (cid * _NS + sid) * _GPW

        def fire_chunk(c, buf):
            pltpu.async_copy(src_hbm.at[pl.ds(gbase + c * _GC, _GC)],
                             src_v.at[buf], isem)
            pltpu.async_copy(dst_hbm.at[pl.ds(gbase + c * _GC, _GC)],
                             dst_v.at[buf], isem)

        def wait_chunk():
            pltpu.make_async_copy(src_hbm.at[pl.ds(gbase, _GC)],
                                  src_v.at[0], isem).wait()
            pltpu.make_async_copy(dst_hbm.at[pl.ds(gbase, _GC)],
                                  dst_v.at[0], isem).wait()

        def rbuf(slot):
            return rows_v.at[pl.ds(slot * _GRP, _GRP)]

        def fire(slot, buf, row):
            pltpu.async_copy(h_hbm.at[src_v.at[buf, row]], rbuf(slot),
                             gsems[slot])

        def wait_gather(slot):
            pltpu.make_async_copy(h_hbm.at[src_v.at[0, 0]], rbuf(slot),
                                  gsems[slot]).wait()

        def scatter(slot, buf, row):
            pltpu.sync_copy(rbuf(slot), acc_sh.at[dst_v.at[buf, row]], add=True)

        fire_chunk(0, 0)
        wait_chunk()
        fire_chunk(1, 1)
        fire(0, 0, 0)
        fire(1, 0, 1)
        zcopy.wait()
        plsc.subcore_barrier()

        def superstep(s, p, last):
            for b in range(_GC):
                wait_gather(b % 2)
                scatter(b % 2, p, b)
                if not last:
                    if b < _GC - 2:
                        fire(b % 2, p, b + 2)
                    elif b == _GC - 2:
                        wait_chunk()
                        fire(b % 2, 1 - p, 0)
                    else:
                        fire(b % 2, 1 - p, 1)
                elif b < _GC - 2:
                    fire(b % 2, p, b + 2)

        @pl.loop(0, _NCHUNK - 1)
        def _(s):
            p = lax.rem(s, 2)
            superstep(s, p, last=False)

            @pl.when(s < _NCHUNK - 2)
            def _():
                fire_chunk(s + 2, p)

        superstep(_NCHUNK - 1, (_NCHUNK - 1) % 2, last=True)

        plsc.subcore_barrier()
        @pl.when(sid < _NS - 1)
        def _():
            pltpu.sync_copy(acc_sh.at[pl.ds(sid * _RPS_OUT, _RPS_OUT)],
                            out_hbm.at[cid, pl.ds(sid * _RPS_OUT, _RPS_OUT)])

        @pl.when(sid == _NS - 1)
        def _():
            base = (_NS - 1) * _RPS_OUT
            pltpu.sync_copy(acc_sh.at[pl.ds(base, _RPS_LAST)],
                            out_hbm.at[cid, pl.ds(base, _RPS_LAST)])

    return agg(h, src1d, dst2d, zeros)


def _tc_mm_bias(p, W, b, relu):
    def body(p_ref, w_ref, b_ref, o_ref):
        s = jnp.dot(p_ref[0] + p_ref[1], w_ref[...],
                    preferred_element_type=jnp.float32,
                    precision=lax.Precision.HIGHEST) + b_ref[...]
        o_ref[...] = jax.nn.relu(s) if relu else s

    return pl.pallas_call(
        body,
        out_shape=jax.ShapeDtypeStruct((_N, _D), jnp.float32),
    )(p, W, b.reshape(1, _D))


def kernel(x, edge_index, W1, b1, W2, b2):
    src = edge_index[0]
    dst = edge_index[1]
    pad = _EPW - _E // _NW
    psrc = (jnp.arange(pad, dtype=jnp.int32) * 41) % _N
    pdst = _N + jnp.arange(pad, dtype=jnp.int32) % (_ACC_ROWS - _N)
    src2d = jnp.concatenate(
        [src.reshape(_NW, -1), jnp.broadcast_to(psrc, (_NW, pad))],
        axis=1).reshape(-1, _GRP)
    dst2d = jnp.concatenate(
        [dst.reshape(_NW, -1), jnp.broadcast_to(pdst, (_NW, pad))],
        axis=1).reshape(-1, _GRP)
    zeros = jnp.zeros((_ACC_ROWS, _D), jnp.float32)

    p = _sc_aggregate(x, src2d, dst2d, zeros)
    h = _tc_mm_bias(p, W1, b1, relu=True)
    q = _sc_aggregate(h, src2d, dst2d, zeros)
    return _tc_mm_bias(q, W2, b2, relu=False)

# --- scband reference (transcript-rebuilt; emitter-appended) ---
"""Pipeline reference for scband-gcn-36283883717147 (READ-ONLY COPY).

The authoritative reference and input builder live on the scoring server;
editing this copy changes nothing except your own understanding.
"""

import jax, jax.numpy as jnp
import numpy as np

N = 10000
E = 320000
D_IN = 128
D_HID = 128
D_OUT = 128


def setup_inputs(seed: int = 0) -> dict:
    key = jax.random.key(seed)
    k1, k2, k3, k4, k5, k6 = jax.random.split(key, 6)
    x = jax.random.normal(k1, (N, D_IN), dtype=jnp.float32)
    edge_index = jax.random.randint(k2, (2, E), 0, N, dtype=jnp.int32)
    # GCNConv layer 1 params (glorot-style init)
    s1 = 1.0 / np.sqrt(D_IN)
    W1 = jax.random.uniform(k3, (D_IN, D_HID), dtype=jnp.float32, minval=-s1, maxval=s1)
    b1 = jnp.zeros((D_HID,), dtype=jnp.float32)
    # GCNConv layer 2 params
    s2 = 1.0 / np.sqrt(D_HID)
    W2 = jax.random.uniform(k4, (D_HID, D_OUT), dtype=jnp.float32, minval=-s2, maxval=s2)
    b2 = jnp.zeros((D_OUT,), dtype=jnp.float32)
    return {"x": x, "edge_index": edge_index, "W1": W1, "b1": b1, "W2": W2, "b2": b2}


def gcn_conv(x, src, dst, W, b, n_nodes):
    # GCNConv with normalize=False (hence add_self_loops=False), edge_weight=None:
    # h = x @ W; out[dst] += h[src]; out = out + b
    h = x @ W
    msgs = jnp.take(h, src, axis=0)
    out = jax.ops.segment_sum(msgs, dst, num_segments=n_nodes)
    return out + b


def reference(x, edge_index, W1, b1, W2, b2):
    # eval mode: dropout(p=0.5, training=False) is identity
    src = edge_index[0]
    dst = edge_index[1]
    h = gcn_conv(x, src, dst, W1, b1, N)
    h = jax.nn.relu(h)
    out = gcn_conv(h, src, dst, W2, b2, N)
    return out

if __name__ == "__main__":
    import jax
    _d = setup_inputs()
    print(jax.jit(kernel)(*tuple(_d.values())))

</pallas_src>

<mosaic_0001>
#map = affine_map<(d0, d1) -> (0, 0)>
#map1 = affine_map<(d0, d1) -> (0, 0, 0)>
module attributes {stable_mosaic.version = 14 : i64} {
  func.func @agg(%arg0: i32, %arg1: i32, %arg2: memref<10000x128xf32, #tpu.memory_space<hbm>>, %arg3: memref<2560x128xi32, #tpu.memory_space<hbm>>, %arg4: memref<2560x128xi32, #tpu.memory_space<hbm>>, %arg5: memref<10112x128xf32, #tpu.memory_space<hbm>>, %arg6: memref<2x10000x128xf32, #tpu.memory_space<hbm>>, %arg7: memref<2x8x128xi32, #tpu.memory_space<vmem>>, %arg8: memref<2x8x128xi32, #tpu.memory_space<vmem>>, %arg9: memref<256x128xf32, #tpu.memory_space<vmem>>, %arg10: memref<10112x128xf32, #tpu.memory_space<vmem_shared>>, %arg11: memref<!tpu.dma_semaphore, #tpu.memory_space<semaphore_mem>>, %arg12: memref<!tpu.dma_semaphore, #tpu.memory_space<semaphore_mem>>, %arg13: memref<!tpu.dma_semaphore, #tpu.memory_space<semaphore_mem>>, %arg14: memref<!tpu.dma_semaphore, #tpu.memory_space<semaphore_mem>>) attributes {dimension_semantics = [#tpu.dimension_semantics<core_parallel>, #tpu.dimension_semantics<subcore_parallel>], iteration_bounds = array<i64: 2, 16>, scalar_prefetch = 0 : i64, scratch_operands = 8 : i64, tpu.core_type = #tpu.core_type<sc_vector_subcore>, window_params = [{transform_indices = #map}, {transform_indices = #map}, {transform_indices = #map}, {transform_indices = #map}, {transform_indices = #map1}]} {
    %mul3A = arith.constant 632 : i32
    %mul3A_0 = arith.muli %arg1, %mul3A : i32
    %mul3A_1 = arith.constant 632 : i32
    %mul3A_2 = arith.muli %arg1, %mul3A_1 : i32
    %dma_start3A = arith.constant 0 : i32
    %dma_start3A_3 = tpu.memref_slice %arg10[%mul3A_2, %dma_start3A] : memref<10112x128xf32, #tpu.memory_space<vmem_shared>> -> memref<632x128xf32, #tpu.memory_space<vmem_shared>>
    %dma_start3A_4 = arith.constant 0 : i32
    %dma_start3A_5 = tpu.memref_slice %arg5[%mul3A_0, %dma_start3A_4] : memref<10112x128xf32, #tpu.memory_space<hbm>> -> memref<632x128xf32, #tpu.memory_space<hbm>>
    tpu.enqueue_dma source(%dma_start3A_5 : memref<632x128xf32, #tpu.memory_space<hbm>>) target(%dma_start3A_3 : memref<632x128xf32, #tpu.memory_space<vmem_shared>>) target_semaphore(%arg14 : memref<!tpu.dma_semaphore, #tpu.memory_space<semaphore_mem>>)
    %mul3A_6 = arith.constant 16 : i32
    %mul3A_7 = arith.muli %arg0, %mul3A_6 : i32
    %add3A = arith.addi %mul3A_7, %arg1 : i32
    %mul3A_8 = arith.constant 80 : i32
    %mul3A_9 = arith.muli %add3A, %mul3A_8 : i32
    %add3A_10 = arith.constant 0 : i32
    %add3A_11 = arith.addi %mul3A_9, %add3A_10 : i32
    %dma_start3A_12 = arith.constant 0 : i32
    %dma_start3A_13 = arith.constant 0 : i32
    %dma_start3A_14 = arith.constant 0 : i32
    %dma_start3A_15 = tpu.memref_slice %arg7[%dma_start3A_12, %dma_start3A_13, %dma_start3A_14] : memref<2x8x128xi32, #tpu.memory_space<vmem>> -> memref<1x8x128xi32, #tpu.memory_space<vmem>>
    %dma_start3A_16 = tpu.memref_squeeze %dma_start3A_15 : memref<1x8x128xi32, #tpu.memory_space<vmem>> -> memref<8x128xi32, #tpu.memory_space<vmem>>
    %dma_start3A_17 = arith.constant 0 : i32
    %dma_start3A_18 = tpu.memref_slice %arg3[%add3A_11, %dma_start3A_17] : memref<2560x128xi32, #tpu.memory_space<hbm>> -> memref<8x128xi32, #tpu.memory_space<hbm>>
    %dma_start3A_19 = arith.constant 0 : i32
    %dma_start3A_20 = arith.constant 0 : i32
    %dma_start3A_21 = tpu.memref_slice %arg7[%dma_start3A_12, %dma_start3A_19, %dma_start3A_20] : memref<2x8x128xi32, #tpu.memory_space<vmem>> -> memref<1x8x128xi32, #tpu.memory_space<vmem>>
    %dma_start3A_22 = tpu.memref_squeeze %dma_start3A_21 : memref<1x8x128xi32, #tpu.memory_space<vmem>> -> memref<8x128xi32, #tpu.memory_space<vmem>>
    %dma_start3A_23 = arith.constant 0 : i32
    %dma_start3A_24 = tpu.memref_slice %arg3[%add3A_11, %dma_start3A_23] : memref<2560x128xi32, #tpu.memory_space<hbm>> -> memref<8x128xi32, #tpu.memory_space<hbm>>
    tpu.enqueue_dma source(%dma_start3A_24 : memref<8x128xi32, #tpu.memory_space<hbm>>) target(%dma_start3A_22 : memref<8x128xi32, #tpu.memory_space<vmem>>) target_semaphore(%arg13 : memref<!tpu.dma_semaphore, #tpu.memory_space<semaphore_mem>>)
    %add3A_25 = arith.constant 0 : i32
    %add3A_26 = arith.addi %mul3A_9, %add3A_25 : i32
    %dma_start3A_27 = arith.constant 0 : i32
    %dma_start3A_28 = arith.constant 0 : i32
    %dma_start3A_29 = arith.constant 0 : i32
    %dma_start3A_30 = tpu.memref_slice %arg8[%dma_start3A_27, %dma_start3A_28, %dma_start3A_29] : memref<2x8x128xi32, #tpu.memory_space<vmem>> -> memref<1x8x128xi32, #tpu.memory_space<vmem>>
    %dma_start3A_31 = tpu.memref_squeeze %dma_start3A_30 : memref<1x8x128xi32, #tpu.memory_space<vmem>> -> memref<8x128xi32, #tpu.memory_space<vmem>>
    %dma_start3A_32 = arith.constant 0 : i32
    %dma_start3A_33 = tpu.memref_slice %arg4[%add3A_26, %dma_start3A_32] : memref<2560x128xi32, #tpu.memory_space<hbm>> -> memref<8x128xi32, #tpu.memory_space<hbm>>
    %dma_start3A_34 = arith.constant 0 : i32
    %dma_start3A_35 = arith.constant 0 : i32
    %dma_start3A_36 = tpu.memref_slice %arg8[%dma_start3A_27, %dma_start3A_34, %dma_start3A_35] : memref<2x8x128xi32, #tpu.memory_space<vmem>> -> memref<1x8x128xi32, #tpu.memory_space<vmem>>
    %dma_start3A_37 = tpu.memref_squeeze %dma_start3A_36 : memref<1x8x128xi32, #tpu.memory_space<vmem>> -> memref<8x128xi32, #tpu.memory_space<vmem>>
    %dma_start3A_38 = arith.constant 0 : i32
    %dma_start3A_39 = tpu.memref_slice %arg4[%add3A_26, %dma_start3A_38] : memref<2560x128xi32, #tpu.memory_space<hbm>> -> memref<8x128xi32, #tpu.memory_space<hbm>>
    tpu.enqueue_dma source(%dma_start3A_39 : memref<8x128xi32, #tpu.memory_space<hbm>>) target(%dma_start3A_37 : memref<8x128xi32, #tpu.memory_space<vmem>>) target_semaphore(%arg13 : memref<!tpu.dma_semaphore, #tpu.memory_space<semaphore_mem>>)
    %dma_wait3A = arith.constant 0 : i32
    %dma_wait3A_40 = arith.constant 0 : i32
    %dma_wait3A_41 = arith.constant 0 : i32
    %dma_wait3A_42 = tpu.memref_slice %arg7[%dma_wait3A, %dma_wait3A_40, %dma_wait3A_41] : memref<2x8x128xi32, #tpu.memory_space<vmem>> -> memref<1x8x128xi32, #tpu.memory_space<vmem>>
    %dma_wait3A_43 = tpu.memref_squeeze %dma_wait3A_42 : memref<1x8x128xi32, #tpu.memory_space<vmem>> -> memref<8x128xi32, #tpu.memory_space<vmem>>
    %dma_wait3A_44 = arith.constant 0 : i32
    %dma_wait3A_45 = tpu.memref_slice %arg3[%mul3A_9, %dma_wait3A_44] : memref<2560x128xi32, #tpu.memory_space<hbm>> -> memref<8x128xi32, #tpu.memory_space<hbm>>
    %dma_wait3A_46 = arith.constant 0 : i32
    %dma_wait3A_47 = arith.constant 0 : i32
    %dma_wait3A_48 = tpu.memref_slice %arg7[%dma_wait3A, %dma_wait3A_46, %dma_wait3A_47] : memref<2x8x128xi32, #tpu.memory_space<vmem>> -> memref<1x8x128xi32, #tpu.memory_space<vmem>>
    %dma_wait3A_49 = tpu.memref_squeeze %dma_wait3A_48 : memref<1x8x128xi32, #tpu.memory_space<vmem>> -> memref<8x128xi32, #tpu.memory_space<vmem>>
    %dma_wait3A_50 = arith.constant 0 : i32
    %dma_wait3A_51 = tpu.memref_slice %arg3[%mul3A_9, %dma_wait3A_50] : memref<2560x128xi32, #tpu.memory_space<hbm>> -> memref<8x128xi32, #tpu.memory_space<hbm>>
    tpu.wait_dma2 semaphore(%arg13 : memref<!tpu.dma_semaphore, #tpu.memory_space<semaphore_mem>>) src(%dma_wait3A_51 : memref<8x128xi32, #tpu.memory_space<hbm>>) dst(%dma_wait3A_49 : memref<8x128xi32, #tpu.memory_space<vmem>>)
    %dma_wait3A_52 = arith.constant 0 : i32
    %dma_wait3A_53 = arith.constant 0 : i32
    %dma_wait3A_54 = arith.constant 0 : i32
    %dma_wait3A_55 = tpu.memref_slice %arg8[%dma_wait3A_52, %dma_wait3A_53, %dma_wait3A_54] : memref<2x8x128xi32, #tpu.memory_space<vmem>> -> memref<1x8x128xi32, #tpu.memory_space<vmem>>
    %dma_wait3A_56 = tpu.memref_squeeze %dma_wait3A_55 : memref<1x8x128xi32, #tpu.memory_space<vmem>> -> memref<8x128xi32, #tpu.memory_space<vmem>>
    %dma_wait3A_57 = arith.constant 0 : i32
    %dma_wait3A_58 = tpu.memref_slice %arg4[%mul3A_9, %dma_wait3A_57] : memref<2560x128xi32, #tpu.memory_space<hbm>> -> memref<8x128xi32, #tpu.memory_space<hbm>>
    %dma_wait3A_59 = arith.constant 0 : i32
    %dma_wait3A_60 = arith.constant 0 : i32
    %dma_wait3A_61 = tpu.memref_slice %arg8[%dma_wait3A_52, %dma_wait3A_59, %dma_wait3A_60] : memref<2x8x128xi32, #tpu.memory_space<vmem>> -> memref<1x8x128xi32, #tpu.memory_space<vmem>>
    %dma_wait3A_62 = tpu.memref_squeeze %dma_wait3A_61 : memref<1x8x128xi32, #tpu.memory_space<vmem>> -> memref<8x128xi32, #tpu.memory_space<vmem>>
    %dma_wait3A_63 = arith.constant 0 : i32
    %dma_wait3A_64 = tpu.memref_slice %arg4[%mul3A_9, %dma_wait3A_63] : memref<2560x128xi32, #tpu.memory_space<hbm>> -> memref<8x128xi32, #tpu.memory_space<hbm>>
    tpu.wait_dma2 semaphore(%arg13 : memref<!tpu.dma_semaphore, #tpu.memory_space<semaphore_mem>>) src(%dma_wait3A_64 : memref<8x128xi32, #tpu.memory_space<hbm>>) dst(%dma_wait3A_62 : memref<8x128xi32, #tpu.memory_space<vmem>>)
    %add3A_65 = arith.constant 8 : i32
    %add3A_66 = arith.addi %mul3A_9, %add3A_65 : i32
    %dma_start3A_67 = arith.constant 1 : i32
    %dma_start3A_68 = arith.constant 0 : i32
    %dma_start3A_69 = arith.constant 0 : i32
    %dma_start3A_70 = tpu.memref_slice %arg7[%dma_start3A_67, %dma_start3A_68, %dma_start3A_69] : memref<2x8x128xi32, #tpu.memory_space<vmem>> -> memref<1x8x128xi32, #tpu.memory_space<vmem>>
    %dma_start3A_71 = tpu.memref_squeeze %dma_start3A_70 : memref<1x8x128xi32, #tpu.memory_space<vmem>> -> memref<8x128xi32, #tpu.memory_space<vmem>>
    %dma_start3A_72 = arith.constant 0 : i32
    %dma_start3A_73 = tpu.memref_slice %arg3[%add3A_66, %dma_start3A_72] : memref<2560x128xi32, #tpu.memory_space<hbm>> -> memref<8x128xi32, #tpu.memory_space<hbm>>
    %dma_start3A_74 = arith.constant 0 : i32
    %dma_start3A_75 = arith.constant 0 : i32
    %dma_start3A_76 = tpu.memref_slice %arg7[%dma_start3A_67, %dma_start3A_74, %dma_start3A_75] : memref<2x8x128xi32, #tpu.memory_space<vmem>> -> memref<1x8x128xi32, #tpu.memory_space<vmem>>
    %dma_start3A_77 = tpu.memref_squeeze %dma_start3A_76 : memref<1x8x128xi32, #tpu.memory_space<vmem>> -> memref<8x128xi32, #tpu.memory_space<vmem>>
    %dma_start3A_78 = arith.constant 0 : i32
    %dma_start3A_79 = tpu.memref_slice %arg3[%add3A_66, %dma_start3A_78] : memref<2560x128xi32, #tpu.memory_space<hbm>> -> memref<8x128xi32, #tpu.memory_space<hbm>>
    tpu.enqueue_dma source(%dma_start3A_79 : memref<8x128xi32, #tpu.memory_space<hbm>>) target(%dma_start3A_77 : memref<8x128xi32, #tpu.memory_space<vmem>>) target_semaphore(%arg13 : memref<!tpu.dma_semaphore, #tpu.memory_space<semaphore_mem>>)
    %add3A_80 = arith.constant 8 : i32
    %add3A_81 = arith.addi %mul3A_9, %add3A_80 : i32
    %dma_start3A_82 = arith.constant 1 : i32
    %dma_start3A_83 = arith.constant 0 : i32
    %dma_start3A_84 = arith.constant 0 : i32
    %dma_start3A_85 = tpu.memref_slice %arg8[%dma_start3A_82, %dma_start3A_83, %dma_start3A_84] : memref<2x8x128xi32, #tpu.memory_space<vmem>> -> memref<1x8x128xi32, #tpu.memory_space<vmem>>
    %dma_start3A_86 = tpu.memref_squeeze %dma_start3A_85 : memref<1x8x128xi32, #tpu.memory_space<vmem>> -> memref<8x128xi32, #tpu.memory_space<vmem>>
    %dma_start3A_87 = arith.constant 0 : i32
    %dma_start3A_88 = tpu.memref_slice %arg4[%add3A_81, %dma_start3A_87] : memref<2560x128xi32, #tpu.memory_space<hbm>> -> memref<8x128xi32, #tpu.memory_space<hbm>>
    %dma_start3A_89 = arith.constant 0 : i32
    %dma_start3A_90 = arith.constant 0 : i32
    %dma_start3A_91 = tpu.memref_slice %arg8[%dma_start3A_82, %dma_start3A_89, %dma_start3A_90] : memref<2x8x128xi32, #tpu.memory_space<vmem>> -> memref<1x8x128xi32, #tpu.memory_space<vmem>>
    %dma_start3A_92 = tpu.memref_squeeze %dma_start3A_91 : memref<1x8x128xi32, #tpu.memory_space<vmem>> -> memref<8x128xi32, #tpu.memory_space<vmem>>
    %dma_start3A_93 = arith.constant 0 : i32
    %dma_start3A_94 = tpu.memref_slice %arg4[%add3A_81, %dma_start3A_93] : memref<2560x128xi32, #tpu.memory_space<hbm>> -> memref<8x128xi32, #tpu.memory_space<hbm>>
    tpu.enqueue_dma source(%dma_start3A_94 : memref<8x128xi32, #tpu.memory_space<hbm>>) target(%dma_start3A_92 : memref<8x128xi32, #tpu.memory_space<vmem>>) target_semaphore(%arg13 : memref<!tpu.dma_semaphore, #tpu.memory_space<semaphore_mem>>)
    %dma_start3A_95 = arith.constant 0 : i32
    %dma_start3A_96 = arith.constant 0 : i32
    %dma_start3A_97 = arith.constant 0 : i32
    %dma_start3A_98 = arith.constant 0 : i32
    %dma_start3A_99 = tpu.memref_slice %arg9[%dma_start3A_97, %dma_start3A_98] : memref<256x128xf32, #tpu.memory_space<vmem>> -> memref<128x128xf32, #tpu.memory_space<vmem>>
    %dma_start3A_100 = arith.constant 0 : i32
    %dma_start3A_101 = tpu.memref_slice %arg7[%dma_start3A_95, %dma_start3A_96, %dma_start3A_100] : memref<2x8x128xi32, #tpu.memory_space<vmem>> -> memref<1x1x128xi32, #tpu.memory_space<vmem>>
    %dma_start3A_102 = tpu.memref_squeeze %dma_start3A_101 : memref<1x1x128xi32, #tpu.memory_space<vmem>> -> memref<128xi32, #tpu.memory_space<vmem>>
    %dma_start3A_103 = arith.constant 0 : i32
    %dma_start3A_104 = arith.constant 0 : i32
    %dma_start3A_105 = tpu.memref_slice %arg2[%dma_start3A_103, %dma_start3A_104] : memref<10000x128xf32, #tpu.memory_space<hbm>> -> memref<10000x128xf32, #tpu.memory_space<hbm>>
    tpu.enqueue_indirect_dma source(%dma_start3A_105 : memref<10000x128xf32, #tpu.memory_space<hbm>>) target(%dma_start3A_99 : memref<128x128xf32, #tpu.memory_space<vmem>>) offsets(%dma_start3A_102 : memref<128xi32, #tpu.memory_space<vmem>>) semaphore(%arg11 : memref<!tpu.dma_semaphore, #tpu.memory_space<semaphore_mem>>)
    %dma_start3A_106 = arith.constant 0 : i32
    %dma_start3A_107 = arith.constant 1 : i32
    %dma_start3A_108 = arith.constant 128 : i32
    %dma_start3A_109 = arith.constant 0 : i32
    %dma_start3A_110 = tpu.memref_slice %arg9[%dma_start3A_108, %dma_start3A_109] : memref<256x128xf32, #tpu.memory_space<vmem>> -> memref<128x128xf32, #tpu.memory_space<vmem>>
    %dma_start3A_111 = arith.constant 0 : i32
    %dma_start3A_112 = tpu.memref_slice %arg7[%dma_start3A_106, %dma_start3A_107, %dma_start3A_111] : memref<2x8x128xi32, #tpu.memory_space<vmem>> -> memref<1x1x128xi32, #tpu.memory_space<vmem>>
    %dma_start3A_113 = tpu.memref_squeeze %dma_start3A_112 : memref<1x1x128xi32, #tpu.memory_space<vmem>> -> memref<128xi32, #tpu.memory_space<vmem>>
    %dma_start3A_114 = arith.constant 0 : i32
    %dma_start3A_115 = arith.constant 0 : i32
    %dma_start3A_116 = tpu.memref_slice %arg2[%dma_start3A_114, %dma_start3A_115] : memref<10000x128xf32, #tpu.memory_space<hbm>> -> memref<10000x128xf32, #tpu.memory_space<hbm>>
    tpu.enqueue_indirect_dma source(%dma_start3A_116 : memref<10000x128xf32, #tpu.memory_space<hbm>>) target(%dma_start3A_110 : memref<128x128xf32, #tpu.memory_space<vmem>>) offsets(%dma_start3A_113 : memref<128xi32, #tpu.memory_space<vmem>>) semaphore(%arg12 : memref<!tpu.dma_semaphore, #tpu.memory_space<semaphore_mem>>)
    %dma_wait3A_117 = arith.constant 0 : i32
    %dma_wait3A_118 = tpu.memref_slice %arg10[%mul3A_2, %dma_wait3A_117] : memref<10112x128xf32, #tpu.memory_space<vmem_shared>> -> memref<632x128xf32, #tpu.memory_space<vmem_shared>>
    %dma_wait3A_119 = arith.constant 0 : i32
    %dma_wait3A_120 = tpu.memref_slice %arg5[%mul3A_0, %dma_wait3A_119] : memref<10112x128xf32, #tpu.memory_space<hbm>> -> memref<632x128xf32, #tpu.memory_space<hbm>>
    tpu.wait_dma2 semaphore(%arg14 : memref<!tpu.dma_semaphore, #tpu.memory_space<semaphore_mem>>) src(%dma_wait3A_120 : memref<632x128xf32, #tpu.memory_space<hbm>>) dst(%dma_wait3A_118 : memref<632x128xf32, #tpu.memory_space<vmem_shared>>)
    %barrier3A = arith.constant 0 : index
    tpu.barrier barrier_id(%barrier3A)
    %scan3A = arith.constant 0 : i32
    %scan3A_121 = arith.constant 9 : i32
    %scan3A_122 = arith.addi %scan3A, %scan3A_121 : i32
    %scan3A_123 = arith.constant 1 : i32
    scf.for %scan3A_301 = %scan3A to %scan3A_122 step %scan3A_123  : i32 {
      %mul3A_302 = arith.constant 1 : i32
      %mul3A_303 = arith.muli %scan3A_301, %mul3A_302 : i32
      %add3A_304 = arith.constant 0 : i32
      %add3A_305 = arith.addi %add3A_304, %mul3A_303 : i32
      %rem3A = arith.constant 2 : i32
      %rem3A_306 = arith.remsi %add3A_305, %rem3A : i32
      %dma_wait3A_307 = arith.constant 0 : i32
      %dma_wait3A_308 = arith.constant 0 : i32
      %dma_wait3A_309 = arith.constant 0 : i32
      %dma_wait3A_310 = arith.constant 0 : i32
      %dma_wait3A_311 = tpu.memref_slice %arg9[%dma_wait3A_309, %dma_wait3A_310] : memref<256x128xf32, #tpu.memory_space<vmem>> -> memref<128x128xf32, #tpu.memory_space<vmem>>
      %dma_wait3A_312 = arith.constant 0 : i32
      %dma_wait3A_313 = tpu.memref_slice %arg7[%dma_wait3A_307, %dma_wait3A_308, %dma_wait3A_312] : memref<2x8x128xi32, #tpu.memory_space<vmem>> -> memref<1x1x128xi32, #tpu.memory_space<vmem>>
      %dma_wait3A_314 = tpu.memref_squeeze %dma_wait3A_313 : memref<1x1x128xi32, #tpu.memory_space<vmem>> -> memref<128xi32, #tpu.memory_space<vmem>>
      %dma_wait3A_315 = arith.constant 0 : i32
      %dma_wait3A_316 = arith.constant 0 : i32
      %dma_wait3A_317 = tpu.memref_slice %arg2[%dma_wait3A_315, %dma_wait3A_316] : memref<10000x128xf32, #tpu.memory_space<hbm>> -> memref<10000x128xf32, #tpu.memory_space<hbm>>
      tpu.wait_indirect_dma semaphore(%arg11 : memref<!tpu.dma_semaphore, #tpu.memory_space<semaphore_mem>>) src(%dma_wait3A_317 : memref<10000x128xf32, #tpu.memory_space<hbm>>) dst(%dma_wait3A_311 : memref<128x128xf32, #tpu.memory_space<vmem>>)
      %run_scoped3A_318 = arith.constant 0 : i32
      "tpu.region"() ({
        %run_scoped3A_517 = tpu.sem_alloc : memref<!tpu.dma_semaphore, #tpu.memory_space<semaphore_mem>>
        %dma_start3A_518 = arith.constant 0 : i32
        %dma_start3A_519 = arith.constant 0 : i32
        %dma_start3A_520 = tpu.memref_slice %arg9[%dma_start3A_518, %dma_start3A_519] : memref<256x128xf32, #tpu.memory_space<vmem>> -> memref<128x128xf32, #tpu.memory_space<vmem>>
        %dma_start3A_521 = arith.constant 0 : i32
        %dma_start3A_522 = tpu.memref_slice %arg8[%rem3A_306, %run_scoped3A_318, %dma_start3A_521] : memref<2x8x128xi32, #tpu.memory_space<vmem>> -> memref<1x1x128xi32, #tpu.memory_space<vmem>>
        %dma_start3A_523 = tpu.memref_squeeze %dma_start3A_522 : memref<1x1x128xi32, #tpu.memory_space<vmem>> -> memref<128xi32, #tpu.memory_space<vmem>>
        %dma_start3A_524 = arith.constant 0 : i32
        %dma_start3A_525 = arith.constant 0 : i32
        %dma_start3A_526 = tpu.memref_slice %arg10[%dma_start3A_524, %dma_start3A_525] : memref<10112x128xf32, #tpu.memory_space<vmem_shared>> -> memref<10112x128xf32, #tpu.memory_space<vmem_shared>>
        tpu.enqueue_indirect_dma source(%dma_start3A_520 : memref<128x128xf32, #tpu.memory_space<vmem>>) target(%dma_start3A_526 : memref<10112x128xf32, #tpu.memory_space<vmem_shared>>) offsets(%dma_start3A_523 : memref<128xi32, #tpu.memory_space<vmem>>) semaphore(%run_scoped3A_517 : memref<!tpu.dma_semaphore, #tpu.memory_space<semaphore_mem>>) {add = true}
        %dma_wait3A_527 = arith.constant 0 : i32
        %dma_wait3A_528 = arith.constant 0 : i32
        %dma_wait3A_529 = tpu.memref_slice %arg9[%dma_wait3A_527, %dma_wait3A_528] : memref<256x128xf32, #tpu.memory_space<vmem>> -> memref<128x128xf32, #tpu.memory_space<vmem>>
        %dma_wait3A_530 = arith.constant 0 : i32
        %dma_wait3A_531 = tpu.memref_slice %arg8[%rem3A_306, %run_scoped3A_318, %dma_wait3A_530] : memref<2x8x128xi32, #tpu.memory_space<vmem>> -> memref<1x1x128xi32, #tpu.memory_space<vmem>>
        %dma_wait3A_532 = tpu.memref_squeeze %dma_wait3A_531 : memref<1x1x128xi32, #tpu.memory_space<vmem>> -> memref<128xi32, #tpu.memory_space<vmem>>
        %dma_wait3A_533 = arith.constant 0 : i32
        %dma_wait3A_534 = arith.constant 0 : i32
        %dma_wait3A_535 = tpu.memref_slice %arg10[%dma_wait3A_533, %dma_wait3A_534] : memref<10112x128xf32, #tpu.memory_space<vmem_shared>> -> memref<10112x128xf32, #tpu.memory_space<vmem_shared>>
        tpu.wait_indirect_dma semaphore(%run_scoped3A_517 : memref<!tpu.dma_semaphore, #tpu.memory_space<semaphore_mem>>) src(%dma_wait3A_529 : memref<128x128xf32, #tpu.memory_space<vmem>>) dst(%dma_wait3A_535 : memref<10112x128xf32, #tpu.memory_space<vmem_shared>>)
        tpu.yield
      }) : () -> ()
      %dma_start3A_319 = arith.constant 2 : i32
      %dma_start3A_320 = arith.constant 0 : i32
      %dma_start3A_321 = arith.constant 0 : i32
      %dma_start3A_322 = tpu.memref_slice %arg9[%dma_start3A_320, %dma_start3A_321] : memref<256x128xf32, #tpu.memory_space<vmem>> -> memref<128x128xf32, #tpu.memory_space<vmem>>
      %dma_start3A_323 = arith.constant 0 : i32
      %dma_start3A_324 = tpu.memref_slice %arg7[%rem3A_306, %dma_start3A_319, %dma_start3A_323] : memref<2x8x128xi32, #tpu.memory_space<vmem>> -> memref<1x1x128xi32, #tpu.memory_space<vmem>>
      %dma_start3A_325 = tpu.memref_squeeze %dma_start3A_324 : memref<1x1x128xi32, #tpu.memory_space<vmem>> -> memref<128xi32, #tpu.memory_space<vmem>>
      %dma_start3A_326 = arith.constant 0 : i32
      %dma_start3A_327 = arith.constant 0 : i32
      %dma_start3A_328 = tpu.memref_slice %arg2[%dma_start3A_326, %dma_start3A_327] : memref<10000x128xf32, #tpu.memory_space<hbm>> -> memref<10000x128xf32, #tpu.memory_space<hbm>>
      tpu.enqueue_indirect_dma source(%dma_start3A_328 : memref<10000x128xf32, #tpu.memory_space<hbm>>) target(%dma_start3A_322 : memref<128x128xf32, #tpu.memory_space<vmem>>) offsets(%dma_start3A_325 : memref<128xi32, #tpu.memory_space<vmem>>) semaphore(%arg11 : memref<!tpu.dma_semaphore, #tpu.memory_space<semaphore_mem>>)
      %dma_wait3A_329 = arith.constant 0 : i32
      %dma_wait3A_330 = arith.constant 0 : i32
      %dma_wait3A_331 = arith.constant 128 : i32
      %dma_wait3A_332 = arith.constant 0 : i32
      %dma_wait3A_333 = tpu.memref_slice %arg9[%dma_wait3A_331, %dma_wait3A_332] : memref<256x128xf32, #tpu.memory_space<vmem>> -> memref<128x128xf32, #tpu.memory_space<vmem>>
      %dma_wait3A_334 = arith.constant 0 : i32
      %dma_wait3A_335 = tpu.memref_slice %arg7[%dma_wait3A_329, %dma_wait3A_330, %dma_wait3A_334] : memref<2x8x128xi32, #tpu.memory_space<vmem>> -> memref<1x1x128xi32, #tpu.memory_space<vmem>>
      %dma_wait3A_336 = tpu.memref_squeeze %dma_wait3A_335 : memref<1x1x128xi32, #tpu.memory_space<vmem>> -> memref<128xi32, #tpu.memory_space<vmem>>
      %dma_wait3A_337 = arith.constant 0 : i32
      %dma_wait3A_338 = arith.constant 0 : i32
      %dma_wait3A_339 = tpu.memref_slice %arg2[%dma_wait3A_337, %dma_wait3A_338] : memref<10000x128xf32, #tpu.memory_space<hbm>> -> memref<10000x128xf32, #tpu.memory_space<hbm>>
      tpu.wait_indirect_dma semaphore(%arg12 : memref<!tpu.dma_semaphore, #tpu.memory_space<semaphore_mem>>) src(%dma_wait3A_339 : memref<10000x128xf32, #tpu.memory_space<hbm>>) dst(%dma_wait3A_333 : memref<128x128xf32, #tpu.memory_space<vmem>>)
      %run_scoped3A_340 = arith.constant 1 : i32
      "tpu.region"() ({
        %run_scoped3A_517 = tpu.sem_alloc : memref<!tpu.dma_semaphore, #tpu.memory_space<semaphore_mem>>
        %dma_start3A_518 = arith.constant 128 : i32
        %dma_start3A_519 = arith.constant 0 : i32
        %dma_start3A_520 = tpu.memref_slice %arg9[%dma_start3A_518, %dma_start3A_519] : memref<256x128xf32, #tpu.memory_space<vmem>> -> memref<128x128xf32, #tpu.memory_space<vmem>>
        %dma_start3A_521 = arith.constant 0 : i32
        %dma_start3A_522 = tpu.memref_slice %arg8[%rem3A_306, %run_scoped3A_340, %dma_start3A_521] : memref<2x8x128xi32, #tpu.memory_space<vmem>> -> memref<1x1x128xi32, #tpu.memory_space<vmem>>
        %dma_start3A_523 = tpu.memref_squeeze %dma_start3A_522 : memref<1x1x128xi32, #tpu.memory_space<vmem>> -> memref<128xi32, #tpu.memory_space<vmem>>
        %dma_start3A_524 = arith.constant 0 : i32
        %dma_start3A_525 = arith.constant 0 : i32
        %dma_start3A_526 = tpu.memref_slice %arg10[%dma_start3A_524, %dma_start3A_525] : memref<10112x128xf32, #tpu.memory_space<vmem_shared>> -> memref<10112x128xf32, #tpu.memory_space<vmem_shared>>
        tpu.enqueue_indirect_dma source(%dma_start3A_520 : memref<128x128xf32, #tpu.memory_space<vmem>>) target(%dma_start3A_526 : memref<10112x128xf32, #tpu.memory_space<vmem_shared>>) offsets(%dma_start3A_523 : memref<128xi32, #tpu.memory_space<vmem>>) semaphore(%run_scoped3A_517 : memref<!tpu.dma_semaphore, #tpu.memory_space<semaphore_mem>>) {add = true}
        %dma_wait3A_527 = arith.constant 128 : i32
        %dma_wait3A_528 = arith.constant 0 : i32
        %dma_wait3A_529 = tpu.memref_slice %arg9[%dma_wait3A_527, %dma_wait3A_528] : memref<256x128xf32, #tpu.memory_space<vmem>> -> memref<128x128xf32, #tpu.memory_space<vmem>>
        %dma_wait3A_530 = arith.constant 0 : i32
        %dma_wait3A_531 = tpu.memref_slice %arg8[%rem3A_306, %run_scoped3A_340, %dma_wait3A_530] : memref<2x8x128xi32, #tpu.memory_space<vmem>> -> memref<1x1x128xi32, #tpu.memory_space<vmem>>
        %dma_wait3A_532 = tpu.memref_squeeze %dma_wait3A_531 : memref<1x1x128xi32, #tpu.memory_space<vmem>> -> memref<128xi32, #tpu.memory_space<vmem>>
        %dma_wait3A_533 = arith.constant 0 : i32
        %dma_wait3A_534 = arith.constant 0 : i32
        %dma_wait3A_535 = tpu.memref_slice %arg10[%dma_wait3A_533, %dma_wait3A_534] : memref<10112x128xf32, #tpu.memory_space<vmem_shared>> -> memref<10112x128xf32, #tpu.memory_space<vmem_shared>>
        tpu.wait_indirect_dma semaphore(%run_scoped3A_517 : memref<!tpu.dma_semaphore, #tpu.memory_space<semaphore_mem>>) src(%dma_wait3A_529 : memref<128x128xf32, #tpu.memory_space<vmem>>) dst(%dma_wait3A_535 : memref<10112x128xf32, #tpu.memory_space<vmem_shared>>)
        tpu.yield
      }) : () -> ()
      %dma_start3A_341 = arith.constant 3 : i32
      %dma_start3A_342 = arith.constant 128 : i32
      %dma_start3A_343 = arith.constant 0 : i32
      %dma_start3A_344 = tpu.memref_slice %arg9[%dma_start3A_342, %dma_start3A_343] : memref<256x128xf32, #tpu.memory_space<vmem>> -> memref<128x128xf32, #tpu.memory_space<vmem>>
      %dma_start3A_345 = arith.constant 0 : i32
      %dma_start3A_346 = tpu.memref_slice %arg7[%rem3A_306, %dma_start3A_341, %dma_start3A_345] : memref<2x8x128xi32, #tpu.memory_space<vmem>> -> memref<1x1x128xi32, #tpu.memory_space<vmem>>
      %dma_start3A_347 = tpu.memref_squeeze %dma_start3A_346 : memref<1x1x128xi32, #tpu.memory_space<vmem>> -> memref<128xi32, #tpu.memory_space<vmem>>
      %dma_start3A_348 = arith.constant 0 : i32
      %dma_start3A_349 = arith.constant 0 : i32
      %dma_start3A_350 = tpu.memref_slice %arg2[%dma_start3A_348, %dma_start3A_349] : memref<10000x128xf32, #tpu.memory_space<hbm>> -> memref<10000x128xf32, #tpu.memory_space<hbm>>
      tpu.enqueue_indirect_dma source(%dma_start3A_350 : memref<10000x128xf32, #tpu.memory_space<hbm>>) target(%dma_start3A_344 : memref<128x128xf32, #tpu.memory_space<vmem>>) offsets(%dma_start3A_347 : memref<128xi32, #tpu.memory_space<vmem>>) semaphore(%arg12 : memref<!tpu.dma_semaphore, #tpu.memory_space<semaphore_mem>>)
      %dma_wait3A_351 = arith.constant 0 : i32
      %dma_wait3A_352 = arith.constant 0 : i32
      %dma_wait3A_353 = arith.constant 0 : i32
      %dma_wait3A_354 = arith.constant 0 : i32
      %dma_wait3A_355 = tpu.memref_slice %arg9[%dma_wait3A_353, %dma_wait3A_354] : memref<256x128xf32, #tpu.memory_space<vmem>> -> memref<128x128xf32, #tpu.memory_space<vmem>>
      %dma_wait3A_356 = arith.constant 0 : i32
      %dma_wait3A_357 = tpu.memref_slice %arg7[%dma_wait3A_351, %dma_wait3A_352, %dma_wait3A_356] : memref<2x8x128xi32, #tpu.memory_space<vmem>> -> memref<1x1x128xi32, #tpu.memory_space<vmem>>
      %dma_wait3A_358 = tpu.memref_squeeze %dma_wait3A_357 : memref<1x1x128xi32, #tpu.memory_space<vmem>> -> memref<128xi32, #tpu.memory_space<vmem>>
      %dma_wait3A_359 = arith.constant 0 : i32
      %dma_wait3A_360 = arith.constant 0 : i32
      %dma_wait3A_361 = tpu.memref_slice %arg2[%dma_wait3A_359, %dma_wait3A_360] : memref<10000x128xf32, #tpu.memory_space<hbm>> -> memref<10000x128xf32, #tpu.memory_space<hbm>>
      tpu.wait_indirect_dma semaphore(%arg11 : memref<!tpu.dma_semaphore, #tpu.memory_space<semaphore_mem>>) src(%dma_wait3A_361 : memref<10000x128xf32, #tpu.memory_space<hbm>>) dst(%dma_wait3A_355 : memref<128x128xf32, #tpu.memory_space<vmem>>)
      %run_scoped3A_362 = arith.constant 2 : i32
      "tpu.region"() ({
        %run_scoped3A_517 = tpu.sem_alloc : memref<!tpu.dma_semaphore, #tpu.memory_space<semaphore_mem>>
        %dma_start3A_518 = arith.constant 0 : i32
        %dma_start3A_519 = arith.constant 0 : i32
        %dma_start3A_520 = tpu.memref_slice %arg9[%dma_start3A_518, %dma_start3A_519] : memref<256x128xf32, #tpu.memory_space<vmem>> -> memref<128x128xf32, #tpu.memory_space<vmem>>
        %dma_start3A_521 = arith.constant 0 : i32
        %dma_start3A_522 = tpu.memref_slice %arg8[%rem3A_306, %run_scoped3A_362, %dma_start3A_521] : memref<2x8x128xi32, #tpu.memory_space<vmem>> -> memref<1x1x128xi32, #tpu.memory_space<vmem>>
        %dma_start3A_523 = tpu.memref_squeeze %dma_start3A_522 : memref<1x1x128xi32, #tpu.memory_space<vmem>> -> memref<128xi32, #tpu.memory_space<vmem>>
        %dma_start3A_524 = arith.constant 0 : i32
        %dma_start3A_525 = arith.constant 0 : i32
        %dma_start3A_526 = tpu.memref_slice %arg10[%dma_start3A_524, %dma_start3A_525] : memref<10112x128xf32, #tpu.memory_space<vmem_shared>> -> memref<10112x128xf32, #tpu.memory_space<vmem_shared>>
        tpu.enqueue_indirect_dma source(%dma_start3A_520 : memref<128x128xf32, #tpu.memory_space<vmem>>) target(%dma_start3A_526 : memref<10112x128xf32, #tpu.memory_space<vmem_shared>>) offsets(%dma_start3A_523 : memref<128xi32, #tpu.memory_space<vmem>>) semaphore(%run_scoped3A_517 : memref<!tpu.dma_semaphore, #tpu.memory_space<semaphore_mem>>) {add = true}
        %dma_wait3A_527 = arith.constant 0 : i32
        %dma_wait3A_528 = arith.constant 0 : i32
        %dma_wait3A_529 = tpu.memref_slice %arg9[%dma_wait3A_527, %dma_wait3A_528] : memref<256x128xf32, #tpu.memory_space<vmem>> -> memref<128x128xf32, #tpu.memory_space<vmem>>
        %dma_wait3A_530 = arith.constant 0 : i32
        %dma_wait3A_531 = tpu.memref_slice %arg8[%rem3A_306, %run_scoped3A_362, %dma_wait3A_530] : memref<2x8x128xi32, #tpu.memory_space<vmem>> -> memref<1x1x128xi32, #tpu.memory_space<vmem>>
        %dma_wait3A_532 = tpu.memref_squeeze %dma_wait3A_531 : memref<1x1x128xi32, #tpu.memory_space<vmem>> -> memref<128xi32, #tpu.memory_space<vmem>>
        %dma_wait3A_533 = arith.constant 0 : i32
        %dma_wait3A_534 = arith.constant 0 : i32
        %dma_wait3A_535 = tpu.memref_slice %arg10[%dma_wait3A_533, %dma_wait3A_534] : memref<10112x128xf32, #tpu.memory_space<vmem_shared>> -> memref<10112x128xf32, #tpu.memory_space<vmem_shared>>
        tpu.wait_indirect_dma semaphore(%run_scoped3A_517 : memref<!tpu.dma_semaphore, #tpu.memory_space<semaphore_mem>>) src(%dma_wait3A_529 : memref<128x128xf32, #tpu.memory_space<vmem>>) dst(%dma_wait3A_535 : memref<10112x128xf32, #tpu.memory_space<vmem_shared>>)
        tpu.yield
      }) : () -> ()
      %dma_start3A_363 = arith.constant 4 : i32
      %dma_start3A_364 = arith.constant 0 : i32
      %dma_start3A_365 = arith.constant 0 : i32
      %dma_start3A_366 = tpu.memref_slice %arg9[%dma_start3A_364, %dma_start3A_365] : memref<256x128xf32, #tpu.memory_space<vmem>> -> memref<128x128xf32, #tpu.memory_space<vmem>>
      %dma_start3A_367 = arith.constant 0 : i32
      %dma_start3A_368 = tpu.memref_slice %arg7[%rem3A_306, %dma_start3A_363, %dma_start3A_367] : memref<2x8x128xi32, #tpu.memory_space<vmem>> -> memref<1x1x128xi32, #tpu.memory_space<vmem>>
      %dma_start3A_369 = tpu.memref_squeeze %dma_start3A_368 : memref<1x1x128xi32, #tpu.memory_space<vmem>> -> memref<128xi32, #tpu.memory_space<vmem>>
      %dma_start3A_370 = arith.constant 0 : i32
      %dma_start3A_371 = arith.constant 0 : i32
      %dma_start3A_372 = tpu.memref_slice %arg2[%dma_start3A_370, %dma_start3A_371] : memref<10000x128xf32, #tpu.memory_space<hbm>> -> memref<10000x128xf32, #tpu.memory_space<hbm>>
      tpu.enqueue_indirect_dma source(%dma_start3A_372 : memref<10000x128xf32, #tpu.memory_space<hbm>>) target(%dma_start3A_366 : memref<128x128xf32, #tpu.memory_space<vmem>>) offsets(%dma_start3A_369 : memref<128xi32, #tpu.memory_space<vmem>>) semaphore(%arg11 : memref<!tpu.dma_semaphore, #tpu.memory_space<semaphore_mem>>)
      %dma_wait3A_373 = arith.constant 0 : i32
      %dma_wait3A_374 = arith.constant 0 : i32
      %dma_wait3A_375 = arith.constant 128 : i32
      %dma_wait3A_376 = arith.constant 0 : i32
      %dma_wait3A_377 = tpu.memref_slice %arg9[%dma_wait3A_375, %dma_wait3A_376] : memref<256x128xf32, #tpu.memory_space<vmem>> -> memref<128x128xf32, #tpu.memory_space<vmem>>
      %dma_wait3A_378 = arith.constant 0 : i32
      %dma_wait3A_379 = tpu.memref_slice %arg7[%dma_wait3A_373, %dma_wait3A_374, %dma_wait3A_378] : memref<2x8x128xi32, #tpu.memory_space<vmem>> -> memref<1x1x128xi32, #tpu.memory_space<vmem>>
      %dma_wait3A_380 = tpu.memref_squeeze %dma_wait3A_379 : memref<1x1x128xi32, #tpu.memory_space<vmem>> -> memref<128xi32, #tpu.memory_space<vmem>>
      %dma_wait3A_381 = arith.constant 0 : i32
      %dma_wait3A_382 = arith.constant 0 : i32
      %dma_wait3A_383 = tpu.memref_slice %arg2[%dma_wait3A_381, %dma_wait3A_382] : memref<10000x128xf32, #tpu.memory_space<hbm>> -> memref<10000x128xf32, #tpu.memory_space<hbm>>
      tpu.wait_indirect_dma semaphore(%arg12 : memref<!tpu.dma_semaphore, #tpu.memory_space<semaphore_mem>>) src(%dma_wait3A_383 : memref<10000x128xf32, #tpu.memory_space<hbm>>) dst(%dma_wait3A_377 : memref<128x128xf32, #tpu.memory_space<vmem>>)
      %run_scoped3A_384 = arith.constant 3 : i32
      "tpu.region"() ({
        %run_scoped3A_517 = tpu.sem_alloc : memref<!tpu.dma_semaphore, #tpu.memory_space<semaphore_mem>>
        %dma_start3A_518 = arith.constant 128 : i32
        %dma_start3A_519 = arith.constant 0 : i32
        %dma_start3A_520 = tpu.memref_slice %arg9[%dma_start3A_518, %dma_start3A_519] : memref<256x128xf32, #tpu.memory_space<vmem>> -> memref<128x128xf32, #tpu.memory_space<vmem>>
        %dma_start3A_521 = arith.constant 0 : i32
        %dma_start3A_522 = tpu.memref_slice %arg8[%rem3A_306, %run_scoped3A_384, %dma_start3A_521] : memref<2x8x128xi32, #tpu.memory_space<vmem>> -> memref<1x1x128xi32, #tpu.memory_space<vmem>>
        %dma_start3A_523 = tpu.memref_squeeze %dma_start3A_522 : memref<1x1x128xi32, #tpu.memory_space<vmem>> -> memref<128xi32, #tpu.memory_space<vmem>>
        %dma_start3A_524 = arith.constant 0 : i32
        %dma_start3A_525 = arith.constant 0 : i32
        %dma_start3A_526 = tpu.memref_slice %arg10[%dma_start3A_524, %dma_start3A_525] : memref<10112x128xf32, #tpu.memory_space<vmem_shared>> -> memref<10112x128xf32, #tpu.memory_space<vmem_shared>>
        tpu.enqueue_indirect_dma source(%dma_start3A_520 : memref<128x128xf32, #tpu.memory_space<vmem>>) target(%dma_start3A_526 : memref<10112x128xf32, #tpu.memory_space<vmem_shared>>) offsets(%dma_start3A_523 : memref<128xi32, #tpu.memory_space<vmem>>) semaphore(%run_scoped3A_517 : memref<!tpu.dma_semaphore, #tpu.memory_space<semaphore_mem>>) {add = true}
        %dma_wait3A_527 = arith.constant 128 : i32
        %dma_wait3A_528 = arith.constant 0 : i32
        %dma_wait3A_529 = tpu.memref_slice %arg9[%dma_wait3A_527, %dma_wait3A_528] : memref<256x128xf32, #tpu.memory_space<vmem>> -> memref<128x128xf32, #tpu.memory_space<vmem>>
        %dma_wait3A_530 = arith.constant 0 : i32
        %dma_wait3A_531 = tpu.memref_slice %arg8[%rem3A_306, %run_scoped3A_384, %dma_wait3A_530] : memref<2x8x128xi32, #tpu.memory_space<vmem>> -> memref<1x1x128xi32, #tpu.memory_space<vmem>>
        %dma_wait3A_532 = tpu.memref_squeeze %dma_wait3A_531 : memref<1x1x128xi32, #tpu.memory_space<vmem>> -> memref<128xi32, #tpu.memory_space<vmem>>
        %dma_wait3A_533 = arith.constant 0 : i32
        %dma_wait3A_534 = arith.constant 0 : i32
        %dma_wait3A_535 = tpu.memref_slice %arg10[%dma_wait3A_533, %dma_wait3A_534] : memref<10112x128xf32, #tpu.memory_space<vmem_shared>> -> memref<10112x128xf32, #tpu.memory_space<vmem_shared>>
        tpu.wait_indirect_dma semaphore(%run_scoped3A_517 : memref<!tpu.dma_semaphore, #tpu.memory_space<semaphore_mem>>) src(%dma_wait3A_529 : memref<128x128xf32, #tpu.memory_space<vmem>>) dst(%dma_wait3A_535 : memref<10112x128xf32, #tpu.memory_space<vmem_shared>>)
        tpu.yield
      }) : () -> ()
      %dma_start3A_385 = arith.constant 5 : i32
      %dma_start3A_386 = arith.constant 128 : i32
      %dma_start3A_387 = arith.constant 0 : i32
      %dma_start3A_388 = tpu.memref_slice %arg9[%dma_start3A_386, %dma_start3A_387] : memref<256x128xf32, #tpu.memory_space<vmem>> -> memref<128x128xf32, #tpu.memory_space<vmem>>
      %dma_start3A_389 = arith.constant 0 : i32
      %dma_start3A_390 = tpu.memref_slice %arg7[%rem3A_306, %dma_start3A_385, %dma_start3A_389] : memref<2x8x128xi32, #tpu.memory_space<vmem>> -> memref<1x1x128xi32, #tpu.memory_space<vmem>>
      %dma_start3A_391 = tpu.memref_squeeze %dma_start3A_390 : memref<1x1x128xi32, #tpu.memory_space<vmem>> -> memref<128xi32, #tpu.memory_space<vmem>>
      %dma_start3A_392 = arith.constant 0 : i32
      %dma_start3A_393 = arith.constant 0 : i32
      %dma_start3A_394 = tpu.memref_slice %arg2[%dma_start3A_392, %dma_start3A_393] : memref<10000x128xf32, #tpu.memory_space<hbm>> -> memref<10000x128xf32, #tpu.memory_space<hbm>>
      tpu.enqueue_indirect_dma source(%dma_start3A_394 : memref<10000x128xf32, #tpu.memory_space<hbm>>) target(%dma_start3A_388 : memref<128x128xf32, #tpu.memory_space<vmem>>) offsets(%dma_start3A_391 : memref<128xi32, #tpu.memory_space<vmem>>) semaphore(%arg12 : memref<!tpu.dma_semaphore, #tpu.memory_space<semaphore_mem>>)
      %dma_wait3A_395 = arith.constant 0 : i32
      %dma_wait3A_396 = arith.constant 0 : i32
      %dma_wait3A_397 = arith.constant 0 : i32
      %dma_wait3A_398 = arith.constant 0 : i32
      %dma_wait3A_399 = tpu.memref_slice %arg9[%dma_wait3A_397, %dma_wait3A_398] : memref<256x128xf32, #tpu.memory_space<vmem>> -> memref<128x128xf32, #tpu.memory_space<vmem>>
      %dma_wait3A_400 = arith.constant 0 : i32
      %dma_wait3A_401 = tpu.memref_slice %arg7[%dma_wait3A_395, %dma_wait3A_396, %dma_wait3A_400] : memref<2x8x128xi32, #tpu.memory_space<vmem>> -> memref<1x1x128xi32, #tpu.memory_space<vmem>>
      %dma_wait3A_402 = tpu.memref_squeeze %dma_wait3A_401 : memref<1x1x128xi32, #tpu.memory_space<vmem>> -> memref<128xi32, #tpu.memory_space<vmem>>
      %dma_wait3A_403 = arith.constant 0 : i32
      %dma_wait3A_404 = arith.constant 0 : i32
      %dma_wait3A_405 = tpu.memref_slice %arg2[%dma_wait3A_403, %dma_wait3A_404] : memref<10000x128xf32, #tpu.memory_space<hbm>> -> memref<10000x128xf32, #tpu.memory_space<hbm>>
      tpu.wait_indirect_dma semaphore(%arg11 : memref<!tpu.dma_semaphore, #tpu.memory_space<semaphore_mem>>) src(%dma_wait3A_405 : memref<10000x128xf32, #tpu.memory_space<hbm>>) dst(%dma_wait3A_399 : memref<128x128xf32, #tpu.memory_space<vmem>>)
      %run_scoped3A_406 = arith.constant 4 : i32
      "tpu.region"() ({
        %run_scoped3A_517 = tpu.sem_alloc : memref<!tpu.dma_semaphore, #tpu.memory_space<semaphore_mem>>
        %dma_start3A_518 = arith.constant 0 : i32
        %dma_start3A_519 = arith.constant 0 : i32
        %dma_start3A_520 = tpu.memref_slice %arg9[%dma_start3A_518, %dma_start3A_519] : memref<256x128xf32, #tpu.memory_space<vmem>> -> memref<128x128xf32, #tpu.memory_space<vmem>>
        %dma_start3A_521 = arith.constant 0 : i32
        %dma_start3A_522 = tpu.memref_slice %arg8[%rem3A_306, %run_scoped3A_406, %dma_start3A_521] : memref<2x8x128xi32, #tpu.memory_space<vmem>> -> memref<1x1x128xi32, #tpu.memory_space<vmem>>
        %dma_start3A_523 = tpu.memref_squeeze %dma_start3A_522 : memref<1x1x128xi32, #tpu.memory_space<vmem>> -> memref<128xi32, #tpu.memory_space<vmem>>
        %dma_start3A_524 = arith.constant 0 : i32
        %dma_start3A_525 = arith.constant 0 : i32
        %dma_start3A_526 = tpu.memref_slice %arg10[%dma_start3A_524, %dma_start3A_525] : memref<10112x128xf32, #tpu.memory_space<vmem_shared>> -> memref<10112x128xf32, #tpu.memory_space<vmem_shared>>
        tpu.enqueue_indirect_dma source(%dma_start3A_520 : memref<128x128xf32, #tpu.memory_space<vmem>>) target(%dma_start3A_526 : memref<10112x128xf32, #tpu.memory_space<vmem_shared>>) offsets(%dma_start3A_523 : memref<128xi32, #tpu.memory_space<vmem>>) semaphore(%run_scoped3A_517 : memref<!tpu.dma_semaphore, #tpu.memory_space<semaphore_mem>>) {add = true}
        %dma_wait3A_527 = arith.constant 0 : i32
        %dma_wait3A_528 = arith.constant 0 : i32
        %dma_wait3A_529 = tpu.memref_slice %arg9[%dma_wait3A_527, %dma_wait3A_528] : memref<256x128xf32, #tpu.memory_space<vmem>> -> memref<128x128xf32, #tpu.memory_space<vmem>>
        %dma_wait3A_530 = arith.constant 0 : i32
        %dma_wait3A_531 = tpu.memref_slice %arg8[%rem3A_306, %run_scoped3A_406, %dma_wait3A_530] : memref<2x8x128xi32, #tpu.memory_space<vmem>> -> memref<1x1x128xi32, #tpu.memory_space<vmem>>
        %dma_wait3A_532 = tpu.memref_squeeze %dma_wait3A_531 : memref<1x1x128xi32, #tpu.memory_space<vmem>> -> memref<128xi32, #tpu.memory_space<vmem>>
        %dma_wait3A_533 = arith.constant 0 : i32
        %dma_wait3A_534 = arith.constant 0 : i32
        %dma_wait3A_535 = tpu.memref_slice %arg10[%dma_wait3A_533, %dma_wait3A_534] : memref<10112x128xf32, #tpu.memory_space<vmem_shared>> -> memref<10112x128xf32, #tpu.memory_space<vmem_shared>>
        tpu.wait_indirect_dma semaphore(%run_scoped3A_517 : memref<!tpu.dma_semaphore, #tpu.memory_space<semaphore_mem>>) src(%dma_wait3A_529 : memref<128x128xf32, #tpu.memory_space<vmem>>) dst(%dma_wait3A_535 : memref<10112x128xf32, #tpu.memory_space<vmem_shared>>)
        tpu.yield
      }) : () -> ()
      %dma_start3A_407 = arith.constant 6 : i32
      %dma_start3A_408 = arith.constant 0 : i32
      %dma_start3A_409 = arith.constant 0 : i32
      %dma_start3A_410 = tpu.memref_slice %arg9[%dma_start3A_408, %dma_start3A_409] : memref<256x128xf32, #tpu.memory_space<vmem>> -> memref<128x128xf32, #tpu.memory_space<vmem>>
      %dma_start3A_411 = arith.constant 0 : i32
      %dma_start3A_412 = tpu.memref_slice %arg7[%rem3A_306, %dma_start3A_407, %dma_start3A_411] : memref<2x8x128xi32, #tpu.memory_space<vmem>> -> memref<1x1x128xi32, #tpu.memory_space<vmem>>
      %dma_start3A_413 = tpu.memref_squeeze %dma_start3A_412 : memref<1x1x128xi32, #tpu.memory_space<vmem>> -> memref<128xi32, #tpu.memory_space<vmem>>
      %dma_start3A_414 = arith.constant 0 : i32
      %dma_start3A_415 = arith.constant 0 : i32
      %dma_start3A_416 = tpu.memref_slice %arg2[%dma_start3A_414, %dma_start3A_415] : memref<10000x128xf32, #tpu.memory_space<hbm>> -> memref<10000x128xf32, #tpu.memory_space<hbm>>
      tpu.enqueue_indirect_dma source(%dma_start3A_416 : memref<10000x128xf32, #tpu.memory_space<hbm>>) target(%dma_start3A_410 : memref<128x128xf32, #tpu.memory_space<vmem>>) offsets(%dma_start3A_413 : memref<128xi32, #tpu.memory_space<vmem>>) semaphore(%arg11 : memref<!tpu.dma_semaphore, #tpu.memory_space<semaphore_mem>>)
      %dma_wait3A_417 = arith.constant 0 : i32
      %dma_wait3A_418 = arith.constant 0 : i32
      %dma_wait3A_419 = arith.constant 128 : i32
      %dma_wait3A_420 = arith.constant 0 : i32
      %dma_wait3A_421 = tpu.memref_slice %arg9[%dma_wait3A_419, %dma_wait3A_420] : memref<256x128xf32, #tpu.memory_space<vmem>> -> memref<128x128xf32, #tpu.memory_space<vmem>>
      %dma_wait3A_422 = arith.constant 0 : i32
      %dma_wait3A_423 = tpu.memref_slice %arg7[%dma_wait3A_417, %dma_wait3A_418, %dma_wait3A_422] : memref<2x8x128xi32, #tpu.memory_space<vmem>> -> memref<1x1x128xi32, #tpu.memory_space<vmem>>
      %dma_wait3A_424 = tpu.memref_squeeze %dma_wait3A_423 : memref<1x1x128xi32, #tpu.memory_space<vmem>> -> memref<128xi32, #tpu.memory_space<vmem>>
      %dma_wait3A_425 = arith.constant 0 : i32
      %dma_wait3A_426 = arith.constant 0 : i32
      %dma_wait3A_427 = tpu.memref_slice %arg2[%dma_wait3A_425, %dma_wait3A_426] : memref<10000x128xf32, #tpu.memory_space<hbm>> -> memref<10000x128xf32, #tpu.memory_space<hbm>>
      tpu.wait_indirect_dma semaphore(%arg12 : memref<!tpu.dma_semaphore, #tpu.memory_space<semaphore_mem>>) src(%dma_wait3A_427 : memref<10000x128xf32, #tpu.memory_space<hbm>>) dst(%dma_wait3A_421 : memref<128x128xf32, #tpu.memory_space<vmem>>)
      %run_scoped3A_428 = arith.constant 5 : i32
      "tpu.region"() ({
        %run_scoped3A_517 = tpu.sem_alloc : memref<!tpu.dma_semaphore, #tpu.memory_space<semaphore_mem>>
        %dma_start3A_518 = arith.constant 128 : i32
        %dma_start3A_519 = arith.constant 0 : i32
        %dma_start3A_520 = tpu.memref_slice %arg9[%dma_start3A_518, %dma_start3A_519] : memref<256x128xf32, #tpu.memory_space<vmem>> -> memref<128x128xf32, #tpu.memory_space<vmem>>
        %dma_start3A_521 = arith.constant 0 : i32
        %dma_start3A_522 = tpu.memref_slice %arg8[%rem3A_306, %run_scoped3A_428, %dma_start3A_521] : memref<2x8x128xi32, #tpu.memory_space<vmem>> -> memref<1x1x128xi32, #tpu.memory_space<vmem>>
        %dma_start3A_523 = tpu.memref_squeeze %dma_start3A_522 : memref<1x1x128xi32, #tpu.memory_space<vmem>> -> memref<128xi32, #tpu.memory_space<vmem>>
        %dma_start3A_524 = arith.constant 0 : i32
        %dma_start3A_525 = arith.constant 0 : i32
        %dma_start3A_526 = tpu.memref_slice %arg10[%dma_start3A_524, %dma_start3A_525] : memref<10112x128xf32, #tpu.memory_space<vmem_shared>> -> memref<10112x128xf32, #tpu.memory_space<vmem_shared>>
        tpu.enqueue_indirect_dma source(%dma_start3A_520 : memref<128x128xf32, #tpu.memory_space<vmem>>) target(%dma_start3A_526 : memref<10112x128xf32, #tpu.memory_space<vmem_shared>>) offsets(%dma_start3A_523 : memref<128xi32, #tpu.memory_space<vmem>>) semaphore(%run_scoped3A_517 : memref<!tpu.dma_semaphore, #tpu.memory_space<semaphore_mem>>) {add = true}
        %dma_wait3A_527 = arith.constant 128 : i32
        %dma_wait3A_528 = arith.constant 0 : i32
        %dma_wait3A_529 = tpu.memref_slice %arg9[%dma_wait3A_527, %dma_wait3A_528] : memref<256x128xf32, #tpu.memory_space<vmem>> -> memref<128x128xf32, #tpu.memory_space<vmem>>
        %dma_wait3A_530 = arith.constant 0 : i32
        %dma_wait3A_531 = tpu.memref_slice %arg8[%rem3A_306, %run_scoped3A_428, %dma_wait3A_530] : memref<2x8x128xi32, #tpu.memory_space<vmem>> -> memref<1x1x128xi32, #tpu.memory_space<vmem>>
        %dma_wait3A_532 = tpu.memref_squeeze %dma_wait3A_531 : memref<1x1x128xi32, #tpu.memory_space<vmem>> -> memref<128xi32, #tpu.memory_space<vmem>>
        %dma_wait3A_533 = arith.constant 0 : i32
        %dma_wait3A_534 = arith.constant 0 : i32
        %dma_wait3A_535 = tpu.memref_slice %arg10[%dma_wait3A_533, %dma_wait3A_534] : memref<10112x128xf32, #tpu.memory_space<vmem_shared>> -> memref<10112x128xf32, #tpu.memory_space<vmem_shared>>
        tpu.wait_indirect_dma semaphore(%run_scoped3A_517 : memref<!tpu.dma_semaphore, #tpu.memory_space<semaphore_mem>>) src(%dma_wait3A_529 : memref<128x128xf32, #tpu.memory_space<vmem>>) dst(%dma_wait3A_535 : memref<10112x128xf32, #tpu.memory_space<vmem_shared>>)
        tpu.yield
      }) : () -> ()
      %dma_start3A_429 = arith.constant 7 : i32
      %dma_start3A_430 = arith.constant 128 : i32
      %dma_start3A_431 = arith.constant 0 : i32
      %dma_start3A_432 = tpu.memref_slice %arg9[%dma_start3A_430, %dma_start3A_431] : memref<256x128xf32, #tpu.memory_space<vmem>> -> memref<128x128xf32, #tpu.memory_space<vmem>>
      %dma_start3A_433 = arith.constant 0 : i32
      %dma_start3A_434 = tpu.memref_slice %arg7[%rem3A_306, %dma_start3A_429, %dma_start3A_433] : memref<2x8x128xi32, #tpu.memory_space<vmem>> -> memref<1x1x128xi32, #tpu.memory_space<vmem>>
      %dma_start3A_435 = tpu.memref_squeeze %dma_start3A_434 : memref<1x1x128xi32, #tpu.memory_space<vmem>> -> memref<128xi32, #tpu.memory_space<vmem>>
      %dma_start3A_436 = arith.constant 0 : i32
      %dma_start3A_437 = arith.constant 0 : i32
      %dma_start3A_438 = tpu.memref_slice %arg2[%dma_start3A_436, %dma_start3A_437] : memref<10000x128xf32, #tpu.memory_space<hbm>> -> memref<10000x128xf32, #tpu.memory_space<hbm>>
      tpu.enqueue_indirect_dma source(%dma_start3A_438 : memref<10000x128xf32, #tpu.memory_space<hbm>>) target(%dma_start3A_432 : memref<128x128xf32, #tpu.memory_space<vmem>>) offsets(%dma_start3A_435 : memref<128xi32, #tpu.memory_space<vmem>>) semaphore(%arg12 : memref<!tpu.dma_semaphore, #tpu.memory_space<semaphore_mem>>)
      %dma_wait3A_439 = arith.constant 0 : i32
      %dma_wait3A_440 = arith.constant 0 : i32
      %dma_wait3A_441 = arith.constant 0 : i32
      %dma_wait3A_442 = arith.constant 0 : i32
      %dma_wait3A_443 = tpu.memref_slice %arg9[%dma_wait3A_441, %dma_wait3A_442] : memref<256x128xf32, #tpu.memory_space<vmem>> -> memref<128x128xf32, #tpu.memory_space<vmem>>
      %dma_wait3A_444 = arith.constant 0 : i32
      %dma_wait3A_445 = tpu.memref_slice %arg7[%dma_wait3A_439, %dma_wait3A_440, %dma_wait3A_444] : memref<2x8x128xi32, #tpu.memory_space<vmem>> -> memref<1x1x128xi32, #tpu.memory_space<vmem>>
      %dma_wait3A_446 = tpu.memref_squeeze %dma_wait3A_445 : memref<1x1x128xi32, #tpu.memory_space<vmem>> -> memref<128xi32, #tpu.memory_space<vmem>>
      %dma_wait3A_447 = arith.constant 0 : i32
      %dma_wait3A_448 = arith.constant 0 : i32
      %dma_wait3A_449 = tpu.memref_slice %arg2[%dma_wait3A_447, %dma_wait3A_448] : memref<10000x128xf32, #tpu.memory_space<hbm>> -> memref<10000x128xf32, #tpu.memory_space<hbm>>
      tpu.wait_indirect_dma semaphore(%arg11 : memref<!tpu.dma_semaphore, #tpu.memory_space<semaphore_mem>>) src(%dma_wait3A_449 : memref<10000x128xf32, #tpu.memory_space<hbm>>) dst(%dma_wait3A_443 : memref<128x128xf32, #tpu.memory_space<vmem>>)
      %run_scoped3A_450 = arith.constant 6 : i32
      "tpu.region"() ({
        %run_scoped3A_517 = tpu.sem_alloc : memref<!tpu.dma_semaphore, #tpu.memory_space<semaphore_mem>>
        %dma_start3A_518 = arith.constant 0 : i32
        %dma_start3A_519 = arith.constant 0 : i32
        %dma_start3A_520 = tpu.memref_slice %arg9[%dma_start3A_518, %dma_start3A_519] : memref<256x128xf32, #tpu.memory_space<vmem>> -> memref<128x128xf32, #tpu.memory_space<vmem>>
        %dma_start3A_521 = arith.constant 0 : i32
        %dma_start3A_522 = tpu.memref_slice %arg8[%rem3A_306, %run_scoped3A_450, %dma_start3A_521] : memref<2x8x128xi32, #tpu.memory_space<vmem>> -> memref<1x1x128xi32, #tpu.memory_space<vmem>>
        %dma_start3A_523 = tpu.memref_squeeze %dma_start3A_522 : memref<1x1x128xi32, #tpu.memory_space<vmem>> -> memref<128xi32, #tpu.memory_space<vmem>>
        %dma_start3A_524 = arith.constant 0 : i32
        %dma_start3A_525 = arith.constant 0 : i32
        %dma_start3A_526 = tpu.memref_slice %arg10[%dma_start3A_524, %dma_start3A_525] : memref<10112x128xf32, #tpu.memory_space<vmem_shared>> -> memref<10112x128xf32, #tpu.memory_space<vmem_shared>>
        tpu.enqueue_indirect_dma source(%dma_start3A_520 : memref<128x128xf32, #tpu.memory_space<vmem>>) target(%dma_start3A_526 : memref<10112x128xf32, #tpu.memory_space<vmem_shared>>) offsets(%dma_start3A_523 : memref<128xi32, #tpu.memory_space<vmem>>) semaphore(%run_scoped3A_517 : memref<!tpu.dma_semaphore, #tpu.memory_space<semaphore_mem>>) {add = true}
        %dma_wait3A_527 = arith.constant 0 : i32
        %dma_wait3A_528 = arith.constant 0 : i32
        %dma_wait3A_529 = tpu.memref_slice %arg9[%dma_wait3A_527, %dma_wait3A_528] : memref<256x128xf32, #tpu.memory_space<vmem>> -> memref<128x128xf32, #tpu.memory_space<vmem>>
        %dma_wait3A_530 = arith.constant 0 : i32
        %dma_wait3A_531 = tpu.memref_slice %arg8[%rem3A_306, %run_scoped3A_450, %dma_wait3A_530] : memref<2x8x128xi32, #tpu.memory_space<vmem>> -> memref<1x1x128xi32, #tpu.memory_space<vmem>>
        %dma_wait3A_532 = tpu.memref_squeeze %dma_wait3A_531 : memref<1x1x128xi32, #tpu.memory_space<vmem>> -> memref<128xi32, #tpu.memory_space<vmem>>
        %dma_wait3A_533 = arith.constant 0 : i32
        %dma_wait3A_534 = arith.constant 0 : i32
        %dma_wait3A_535 = tpu.memref_slice %arg10[%dma_wait3A_533, %dma_wait3A_534] : memref<10112x128xf32, #tpu.memory_space<vmem_shared>> -> memref<10112x128xf32, #tpu.memory_space<vmem_shared>>
        tpu.wait_indirect_dma semaphore(%run_scoped3A_517 : memref<!tpu.dma_semaphore, #tpu.memory_space<semaphore_mem>>) src(%dma_wait3A_529 : memref<128x128xf32, #tpu.memory_space<vmem>>) dst(%dma_wait3A_535 : memref<10112x128xf32, #tpu.memory_space<vmem_shared>>)
        tpu.yield
      }) : () -> ()
      %dma_wait3A_451 = arith.constant 0 : i32
      %dma_wait3A_452 = arith.constant 0 : i32
      %dma_wait3A_453 = arith.constant 0 : i32
      %dma_wait3A_454 = tpu.memref_slice %arg7[%dma_wait3A_451, %dma_wait3A_452, %dma_wait3A_453] : memref<2x8x128xi32, #tpu.memory_space<vmem>> -> memref<1x8x128xi32, #tpu.memory_space<vmem>>
      %dma_wait3A_455 = tpu.memref_squeeze %dma_wait3A_454 : memref<1x8x128xi32, #tpu.memory_space<vmem>> -> memref<8x128xi32, #tpu.memory_space<vmem>>
      %dma_wait3A_456 = arith.constant 0 : i32
      %dma_wait3A_457 = tpu.memref_slice %arg3[%mul3A_9, %dma_wait3A_456] : memref<2560x128xi32, #tpu.memory_space<hbm>> -> memref<8x128xi32, #tpu.memory_space<hbm>>
      %dma_wait3A_458 = arith.constant 0 : i32
      %dma_wait3A_459 = arith.constant 0 : i32
      %dma_wait3A_460 = tpu.memref_slice %arg7[%dma_wait3A_451, %dma_wait3A_458, %dma_wait3A_459] : memref<2x8x128xi32, #tpu.memory_space<vmem>> -> memref<1x8x128xi32, #tpu.memory_space<vmem>>
      %dma_wait3A_461 = tpu.memref_squeeze %dma_wait3A_460 : memref<1x8x128xi32, #tpu.memory_space<vmem>> -> memref<8x128xi32, #tpu.memory_space<vmem>>
      %dma_wait3A_462 = arith.constant 0 : i32
      %dma_wait3A_463 = tpu.memref_slice %arg3[%mul3A_9, %dma_wait3A_462] : memref<2560x128xi32, #tpu.memory_space<hbm>> -> memref<8x128xi32, #tpu.memory_space<hbm>>
      tpu.wait_dma2 semaphore(%arg13 : memref<!tpu.dma_semaphore, #tpu.memory_space<semaphore_mem>>) src(%dma_wait3A_463 : memref<8x128xi32, #tpu.memory_space<hbm>>) dst(%dma_wait3A_461 : memref<8x128xi32, #tpu.memory_space<vmem>>)
      %dma_wait3A_464 = arith.constant 0 : i32
      %dma_wait3A_465 = arith.constant 0 : i32
      %dma_wait3A_466 = arith.constant 0 : i32
      %dma_wait3A_467 = tpu.memref_slice %arg8[%dma_wait3A_464, %dma_wait3A_465, %dma_wait3A_466] : memref<2x8x128xi32, #tpu.memory_space<vmem>> -> memref<1x8x128xi32, #tpu.memory_space<vmem>>
      %dma_wait3A_468 = tpu.memref_squeeze %dma_wait3A_467 : memref<1x8x128xi32, #tpu.memory_space<vmem>> -> memref<8x128xi32, #tpu.memory_space<vmem>>
      %dma_wait3A_469 = arith.constant 0 : i32
      %dma_wait3A_470 = tpu.memref_slice %arg4[%mul3A_9, %dma_wait3A_469] : memref<2560x128xi32, #tpu.memory_space<hbm>> -> memref<8x128xi32, #tpu.memory_space<hbm>>
      %dma_wait3A_471 = arith.constant 0 : i32
      %dma_wait3A_472 = arith.constant 0 : i32
      %dma_wait3A_473 = tpu.memref_slice %arg8[%dma_wait3A_464, %dma_wait3A_471, %dma_wait3A_472] : memref<2x8x128xi32, #tpu.memory_space<vmem>> -> memref<1x8x128xi32, #tpu.memory_space<vmem>>
      %dma_wait3A_474 = tpu.memref_squeeze %dma_wait3A_473 : memref<1x8x128xi32, #tpu.memory_space<vmem>> -> memref<8x128xi32, #tpu.memory_space<vmem>>
      %dma_wait3A_475 = arith.constant 0 : i32
      %dma_wait3A_476 = tpu.memref_slice %arg4[%mul3A_9, %dma_wait3A_475] : memref<2560x128xi32, #tpu.memory_space<hbm>> -> memref<8x128xi32, #tpu.memory_space<hbm>>
      tpu.wait_dma2 semaphore(%arg13 : memref<!tpu.dma_semaphore, #tpu.memory_space<semaphore_mem>>) src(%dma_wait3A_476 : memref<8x128xi32, #tpu.memory_space<hbm>>) dst(%dma_wait3A_474 : memref<8x128xi32, #tpu.memory_space<vmem>>)
      %sub3A = arith.constant 1 : i32
      %sub3A_477 = arith.subi %sub3A, %rem3A_306 : i32
      %dma_start3A_478 = arith.constant 0 : i32
      %dma_start3A_479 = arith.constant 0 : i32
      %dma_start3A_480 = arith.constant 0 : i32
      %dma_start3A_481 = tpu.memref_slice %arg9[%dma_start3A_479, %dma_start3A_480] : memref<256x128xf32, #tpu.memory_space<vmem>> -> memref<128x128xf32, #tpu.memory_space<vmem>>
      %dma_start3A_482 = arith.constant 0 : i32
      %dma_start3A_483 = tpu.memref_slice %arg7[%sub3A_477, %dma_start3A_478, %dma_start3A_482] : memref<2x8x128xi32, #tpu.memory_space<vmem>> -> memref<1x1x128xi32, #tpu.memory_space<vmem>>
      %dma_start3A_484 = tpu.memref_squeeze %dma_start3A_483 : memref<1x1x128xi32, #tpu.memory_space<vmem>> -> memref<128xi32, #tpu.memory_space<vmem>>
      %dma_start3A_485 = arith.constant 0 : i32
      %dma_start3A_486 = arith.constant 0 : i32
      %dma_start3A_487 = tpu.memref_slice %arg2[%dma_start3A_485, %dma_start3A_486] : memref<10000x128xf32, #tpu.memory_space<hbm>> -> memref<10000x128xf32, #tpu.memory_space<hbm>>
      tpu.enqueue_indirect_dma source(%dma_start3A_487 : memref<10000x128xf32, #tpu.memory_space<hbm>>) target(%dma_start3A_481 : memref<128x128xf32, #tpu.memory_space<vmem>>) offsets(%dma_start3A_484 : memref<128xi32, #tpu.memory_space<vmem>>) semaphore(%arg11 : memref<!tpu.dma_semaphore, #tpu.memory_space<semaphore_mem>>)
      %dma_wait3A_488 = arith.constant 0 : i32
      %dma_wait3A_489 = arith.constant 0 : i32
      %dma_wait3A_490 = arith.constant 128 : i32
      %dma_wait3A_491 = arith.constant 0 : i32
      %dma_wait3A_492 = tpu.memref_slice %arg9[%dma_wait3A_490, %dma_wait3A_491] : memref<256x128xf32, #tpu.memory_space<vmem>> -> memref<128x128xf32, #tpu.memory_space<vmem>>
      %dma_wait3A_493 = arith.constant 0 : i32
      %dma_wait3A_494 = tpu.memref_slice %arg7[%dma_wait3A_488, %dma_wait3A_489, %dma_wait3A_493] : memref<2x8x128xi32, #tpu.memory_space<vmem>> -> memref<1x1x128xi32, #tpu.memory_space<vmem>>
      %dma_wait3A_495 = tpu.memref_squeeze %dma_wait3A_494 : memref<1x1x128xi32, #tpu.memory_space<vmem>> -> memref<128xi32, #tpu.memory_space<vmem>>
      %dma_wait3A_496 = arith.constant 0 : i32
      %dma_wait3A_497 = arith.constant 0 : i32
      %dma_wait3A_498 = tpu.memref_slice %arg2[%dma_wait3A_496, %dma_wait3A_497] : memref<10000x128xf32, #tpu.memory_space<hbm>> -> memref<10000x128xf32, #tpu.memory_space<hbm>>
      tpu.wait_indirect_dma semaphore(%arg12 : memref<!tpu.dma_semaphore, #tpu.memory_space<semaphore_mem>>) src(%dma_wait3A_498 : memref<10000x128xf32, #tpu.memory_space<hbm>>) dst(%dma_wait3A_492 : memref<128x128xf32, #tpu.memory_space<vmem>>)
      %run_scoped3A_499 = arith.constant 7 : i32
      "tpu.region"() ({
        %run_scoped3A_517 = tpu.sem_alloc : memref<!tpu.dma_semaphore, #tpu.memory_space<semaphore_mem>>
        %dma_start3A_518 = arith.constant 128 : i32
        %dma_start3A_519 = arith.constant 0 : i32
        %dma_start3A_520 = tpu.memref_slice %arg9[%dma_start3A_518, %dma_start3A_519] : memref<256x128xf32, #tpu.memory_space<vmem>> -> memref<128x128xf32, #tpu.memory_space<vmem>>
        %dma_start3A_521 = arith.constant 0 : i32
        %dma_start3A_522 = tpu.memref_slice %arg8[%rem3A_306, %run_scoped3A_499, %dma_start3A_521] : memref<2x8x128xi32, #tpu.memory_space<vmem>> -> memref<1x1x128xi32, #tpu.memory_space<vmem>>
        %dma_start3A_523 = tpu.memref_squeeze %dma_start3A_522 : memref<1x1x128xi32, #tpu.memory_space<vmem>> -> memref<128xi32, #tpu.memory_space<vmem>>
        %dma_start3A_524 = arith.constant 0 : i32
        %dma_start3A_525 = arith.constant 0 : i32
        %dma_start3A_526 = tpu.memref_slice %arg10[%dma_start3A_524, %dma_start3A_525] : memref<10112x128xf32, #tpu.memory_space<vmem_shared>> -> memref<10112x128xf32, #tpu.memory_space<vmem_shared>>
        tpu.enqueue_indirect_dma source(%dma_start3A_520 : memref<128x128xf32, #tpu.memory_space<vmem>>) target(%dma_start3A_526 : memref<10112x128xf32, #tpu.memory_space<vmem_shared>>) offsets(%dma_start3A_523 : memref<128xi32, #tpu.memory_space<vmem>>) semaphore(%run_scoped3A_517 : memref<!tpu.dma_semaphore, #tpu.memory_space<semaphore_mem>>) {add = true}
        %dma_wait3A_527 = arith.constant 128 : i32
        %dma_wait3A_528 = arith.constant 0 : i32
        %dma_wait3A_529 = tpu.memref_slice %arg9[%dma_wait3A_527, %dma_wait3A_528] : memref<256x128xf32, #tpu.memory_space<vmem>> -> memref<128x128xf32, #tpu.memory_space<vmem>>
        %dma_wait3A_530 = arith.constant 0 : i32
        %dma_wait3A_531 = tpu.memref_slice %arg8[%rem3A_306, %run_scoped3A_499, %dma_wait3A_530] : memref<2x8x128xi32, #tpu.memory_space<vmem>> -> memref<1x1x128xi32, #tpu.memory_space<vmem>>
        %dma_wait3A_532 = tpu.memref_squeeze %dma_wait3A_531 : memref<1x1x128xi32, #tpu.memory_space<vmem>> -> memref<128xi32, #tpu.memory_space<vmem>>
        %dma_wait3A_533 = arith.constant 0 : i32
        %dma_wait3A_534 = arith.constant 0 : i32
        %dma_wait3A_535 = tpu.memref_slice %arg10[%dma_wait3A_533, %dma_wait3A_534] : memref<10112x128xf32, #tpu.memory_space<vmem_shared>> -> memref<10112x128xf32, #tpu.memory_space<vmem_shared>>
        tpu.wait_indirect_dma semaphore(%run_scoped3A_517 : memref<!tpu.dma_semaphore, #tpu.memory_space<semaphore_mem>>) src(%dma_wait3A_529 : memref<128x128xf32, #tpu.memory_space<vmem>>) dst(%dma_wait3A_535 : memref<10112x128xf32, #tpu.memory_space<vmem_shared>>)
        tpu.yield
      }) : () -> ()
      %sub3A_500 = arith.constant 1 : i32
      %sub3A_501 = arith.subi %sub3A_500, %rem3A_306 : i32
      %dma_start3A_502 = arith.constant 1 : i32
      %dma_start3A_503 = arith.constant 128 : i32
      %dma_start3A_504 = arith.constant 0 : i32
      %dma_start3A_505 = tpu.memref_slice %arg9[%dma_start3A_503, %dma_start3A_504] : memref<256x128xf32, #tpu.memory_space<vmem>> -> memref<128x128xf32, #tpu.memory_space<vmem>>
      %dma_start3A_506 = arith.constant 0 : i32
      %dma_start3A_507 = tpu.memref_slice %arg7[%sub3A_501, %dma_start3A_502, %dma_start3A_506] : memref<2x8x128xi32, #tpu.memory_space<vmem>> -> memref<1x1x128xi32, #tpu.memory_space<vmem>>
      %dma_start3A_508 = tpu.memref_squeeze %dma_start3A_507 : memref<1x1x128xi32, #tpu.memory_space<vmem>> -> memref<128xi32, #tpu.memory_space<vmem>>
      %dma_start3A_509 = arith.constant 0 : i32
      %dma_start3A_510 = arith.constant 0 : i32
      %dma_start3A_511 = tpu.memref_slice %arg2[%dma_start3A_509, %dma_start3A_510] : memref<10000x128xf32, #tpu.memory_space<hbm>> -> memref<10000x128xf32, #tpu.memory_space<hbm>>
      tpu.enqueue_indirect_dma source(%dma_start3A_511 : memref<10000x128xf32, #tpu.memory_space<hbm>>) target(%dma_start3A_505 : memref<128x128xf32, #tpu.memory_space<vmem>>) offsets(%dma_start3A_508 : memref<128xi32, #tpu.memory_space<vmem>>) semaphore(%arg12 : memref<!tpu.dma_semaphore, #tpu.memory_space<semaphore_mem>>)
      %lt3A_512 = arith.constant 8 : i32
      %lt3A_513 = arith.cmpi slt, %add3A_305, %lt3A_512 : i32
      %convert_element_type3A_514 = arith.extui %lt3A_513 : i1 to i32
      %cond3A_515 = arith.constant 0 : i32
      %cond3A_516 = arith.cmpi ne, %convert_element_type3A_514, %cond3A_515 : i32
      scf.if %cond3A_516 {
        %add3A_517 = arith.constant 2 : i32
        %add3A_518 = arith.addi %add3A_305, %add3A_517 : i32
        %mul3A_519 = arith.constant 8 : i32
        %mul3A_520 = arith.muli %add3A_518, %mul3A_519 : i32
        %add3A_521 = arith.addi %mul3A_9, %mul3A_520 : i32
        %dma_start3A_522 = arith.constant 0 : i32
        %dma_start3A_523 = arith.constant 0 : i32
        %dma_start3A_524 = tpu.memref_slice %arg7[%rem3A_306, %dma_start3A_522, %dma_start3A_523] : memref<2x8x128xi32, #tpu.memory_space<vmem>> -> memref<1x8x128xi32, #tpu.memory_space<vmem>>
        %dma_start3A_525 = tpu.memref_squeeze %dma_start3A_524 : memref<1x8x128xi32, #tpu.memory_space<vmem>> -> memref<8x128xi32, #tpu.memory_space<vmem>>
        %dma_start3A_526 = arith.constant 0 : i32
        %dma_start3A_527 = tpu.memref_slice %arg3[%add3A_521, %dma_start3A_526] : memref<2560x128xi32, #tpu.memory_space<hbm>> -> memref<8x128xi32, #tpu.memory_space<hbm>>
        %dma_start3A_528 = arith.constant 0 : i32
        %dma_start3A_529 = arith.constant 0 : i32
        %dma_start3A_530 = tpu.memref_slice %arg7[%rem3A_306, %dma_start3A_528, %dma_start3A_529] : memref<2x8x128xi32, #tpu.memory_space<vmem>> -> memref<1x8x128xi32, #tpu.memory_space<vmem>>
        %dma_start3A_531 = tpu.memref_squeeze %dma_start3A_530 : memref<1x8x128xi32, #tpu.memory_space<vmem>> -> memref<8x128xi32, #tpu.memory_space<vmem>>
        %dma_start3A_532 = arith.constant 0 : i32
        %dma_start3A_533 = tpu.memref_slice %arg3[%add3A_521, %dma_start3A_532] : memref<2560x128xi32, #tpu.memory_space<hbm>> -> memref<8x128xi32, #tpu.memory_space<hbm>>
        tpu.enqueue_dma source(%dma_start3A_533 : memref<8x128xi32, #tpu.memory_space<hbm>>) target(%dma_start3A_531 : memref<8x128xi32, #tpu.memory_space<vmem>>) target_semaphore(%arg13 : memref<!tpu.dma_semaphore, #tpu.memory_space<semaphore_mem>>)
        %mul3A_534 = arith.constant 8 : i32
        %mul3A_535 = arith.muli %add3A_518, %mul3A_534 : i32
        %add3A_536 = arith.addi %mul3A_9, %mul3A_535 : i32
        %dma_start3A_537 = arith.constant 0 : i32
        %dma_start3A_538 = arith.constant 0 : i32
        %dma_start3A_539 = tpu.memref_slice %arg8[%rem3A_306, %dma_start3A_537, %dma_start3A_538] : memref<2x8x128xi32, #tpu.memory_space<vmem>> -> memref<1x8x128xi32, #tpu.memory_space<vmem>>
        %dma_start3A_540 = tpu.memref_squeeze %dma_start3A_539 : memref<1x8x128xi32, #tpu.memory_space<vmem>> -> memref<8x128xi32, #tpu.memory_space<vmem>>
        %dma_start3A_541 = arith.constant 0 : i32
        %dma_start3A_542 = tpu.memref_slice %arg4[%add3A_536, %dma_start3A_541] : memref<2560x128xi32, #tpu.memory_space<hbm>> -> memref<8x128xi32, #tpu.memory_space<hbm>>
        %dma_start3A_543 = arith.constant 0 : i32
        %dma_start3A_544 = arith.constant 0 : i32
        %dma_start3A_545 = tpu.memref_slice %arg8[%rem3A_306, %dma_start3A_543, %dma_start3A_544] : memref<2x8x128xi32, #tpu.memory_space<vmem>> -> memref<1x8x128xi32, #tpu.memory_space<vmem>>
        %dma_start3A_546 = tpu.memref_squeeze %dma_start3A_545 : memref<1x8x128xi32, #tpu.memory_space<vmem>> -> memref<8x128xi32, #tpu.memory_space<vmem>>
        %dma_start3A_547 = arith.constant 0 : i32
        %dma_start3A_548 = tpu.memref_slice %arg4[%add3A_536, %dma_start3A_547] : memref<2560x128xi32, #tpu.memory_space<hbm>> -> memref<8x128xi32, #tpu.memory_space<hbm>>
        tpu.enqueue_dma source(%dma_start3A_548 : memref<8x128xi32, #tpu.memory_space<hbm>>) target(%dma_start3A_546 : memref<8x128xi32, #tpu.memory_space<vmem>>) target_semaphore(%arg13 : memref<!tpu.dma_semaphore, #tpu.memory_space<semaphore_mem>>)
      } else {
      }
    }
    %scan3A_124 = arith.constant 9 : i32
    %dma_wait3A_125 = arith.constant 0 : i32
    %dma_wait3A_126 = arith.constant 0 : i32
    %dma_wait3A_127 = arith.constant 0 : i32
    %dma_wait3A_128 = arith.constant 0 : i32
    %dma_wait3A_129 = tpu.memref_slice %arg9[%dma_wait3A_127, %dma_wait3A_128] : memref<256x128xf32, #tpu.memory_space<vmem>> -> memref<128x128xf32, #tpu.memory_space<vmem>>
    %dma_wait3A_130 = arith.constant 0 : i32
    %dma_wait3A_131 = tpu.memref_slice %arg7[%dma_wait3A_125, %dma_wait3A_126, %dma_wait3A_130] : memref<2x8x128xi32, #tpu.memory_space<vmem>> -> memref<1x1x128xi32, #tpu.memory_space<vmem>>
    %dma_wait3A_132 = tpu.memref_squeeze %dma_wait3A_131 : memref<1x1x128xi32, #tpu.memory_space<vmem>> -> memref<128xi32, #tpu.memory_space<vmem>>
    %dma_wait3A_133 = arith.constant 0 : i32
    %dma_wait3A_134 = arith.constant 0 : i32
    %dma_wait3A_135 = tpu.memref_slice %arg2[%dma_wait3A_133, %dma_wait3A_134] : memref<10000x128xf32, #tpu.memory_space<hbm>> -> memref<10000x128xf32, #tpu.memory_space<hbm>>
    tpu.wait_indirect_dma semaphore(%arg11 : memref<!tpu.dma_semaphore, #tpu.memory_space<semaphore_mem>>) src(%dma_wait3A_135 : memref<10000x128xf32, #tpu.memory_space<hbm>>) dst(%dma_wait3A_129 : memref<128x128xf32, #tpu.memory_space<vmem>>)
    %run_scoped3A = arith.constant 1 : i32
    %run_scoped3A_136 = arith.constant 0 : i32
    "tpu.region"() ({
      %run_scoped3A_301 = tpu.sem_alloc : memref<!tpu.dma_semaphore, #tpu.memory_space<semaphore_mem>>
      %dma_start3A_302 = arith.constant 0 : i32
      %dma_start3A_303 = arith.constant 0 : i32
      %dma_start3A_304 = tpu.memref_slice %arg9[%dma_start3A_302, %dma_start3A_303] : memref<256x128xf32, #tpu.memory_space<vmem>> -> memref<128x128xf32, #tpu.memory_space<vmem>>
      %dma_start3A_305 = arith.constant 0 : i32
      %dma_start3A_306 = tpu.memref_slice %arg8[%run_scoped3A, %run_scoped3A_136, %dma_start3A_305] : memref<2x8x128xi32, #tpu.memory_space<vmem>> -> memref<1x1x128xi32, #tpu.memory_space<vmem>>
      %dma_start3A_307 = tpu.memref_squeeze %dma_start3A_306 : memref<1x1x128xi32, #tpu.memory_space<vmem>> -> memref<128xi32, #tpu.memory_space<vmem>>
      %dma_start3A_308 = arith.constant 0 : i32
      %dma_start3A_309 = arith.constant 0 : i32
      %dma_start3A_310 = tpu.memref_slice %arg10[%dma_start3A_308, %dma_start3A_309] : memref<10112x128xf32, #tpu.memory_space<vmem_shared>> -> memref<10112x128xf32, #tpu.memory_space<vmem_shared>>
      tpu.enqueue_indirect_dma source(%dma_start3A_304 : memref<128x128xf32, #tpu.memory_space<vmem>>) target(%dma_start3A_310 : memref<10112x128xf32, #tpu.memory_space<vmem_shared>>) offsets(%dma_start3A_307 : memref<128xi32, #tpu.memory_space<vmem>>) semaphore(%run_scoped3A_301 : memref<!tpu.dma_semaphore, #tpu.memory_space<semaphore_mem>>) {add = true}
      %dma_wait3A_311 = arith.constant 0 : i32
      %dma_wait3A_312 = arith.constant 0 : i32
      %dma_wait3A_313 = tpu.memref_slice %arg9[%dma_wait3A_311, %dma_wait3A_312] : memref<256x128xf32, #tpu.memory_space<vmem>> -> memref<128x128xf32, #tpu.memory_space<vmem>>
      %dma_wait3A_314 = arith.constant 0 : i32
      %dma_wait3A_315 = tpu.memref_slice %arg8[%run_scoped3A, %run_scoped3A_136, %dma_wait3A_314] : memref<2x8x128xi32, #tpu.memory_space<vmem>> -> memref<1x1x128xi32, #tpu.memory_space<vmem>>
      %dma_wait3A_316 = tpu.memref_squeeze %dma_wait3A_315 : memref<1x1x128xi32, #tpu.memory_space<vmem>> -> memref<128xi32, #tpu.memory_space<vmem>>
      %dma_wait3A_317 = arith.constant 0 : i32
      %dma_wait3A_318 = arith.constant 0 : i32
      %dma_wait3A_319 = tpu.memref_slice %arg10[%dma_wait3A_317, %dma_wait3A_318] : memref<10112x128xf32, #tpu.memory_space<vmem_shared>> -> memref<10112x128xf32, #tpu.memory_space<vmem_shared>>
      tpu.wait_indirect_dma semaphore(%run_scoped3A_301 : memref<!tpu.dma_semaphore, #tpu.memory_space<semaphore_mem>>) src(%dma_wait3A_313 : memref<128x128xf32, #tpu.memory_space<vmem>>) dst(%dma_wait3A_319 : memref<10112x128xf32, #tpu.memory_space<vmem_shared>>)
      tpu.yield
    }) : () -> ()
    %dma_start3A_137 = arith.constant 1 : i32
    %dma_start3A_138 = arith.constant 2 : i32
    %dma_start3A_139 = arith.constant 0 : i32
    %dma_start3A_140 = arith.constant 0 : i32
    %dma_start3A_141 = tpu.memref_slice %arg9[%dma_start3A_139, %dma_start3A_140] : memref<256x128xf32, #tpu.memory_space<vmem>> -> memref<128x128xf32, #tpu.memory_space<vmem>>
    %dma_start3A_142 = arith.constant 0 : i32
    %dma_start3A_143 = tpu.memref_slice %arg7[%dma_start3A_137, %dma_start3A_138, %dma_start3A_142] : memref<2x8x128xi32, #tpu.memory_space<vmem>> -> memref<1x1x128xi32, #tpu.memory_space<vmem>>
    %dma_start3A_144 = tpu.memref_squeeze %dma_start3A_143 : memref<1x1x128xi32, #tpu.memory_space<vmem>> -> memref<128xi32, #tpu.memory_space<vmem>>
    %dma_start3A_145 = arith.constant 0 : i32
    %dma_start3A_146 = arith.constant 0 : i32
    %dma_start3A_147 = tpu.memref_slice %arg2[%dma_start3A_145, %dma_start3A_146] : memref<10000x128xf32, #tpu.memory_space<hbm>> -> memref<10000x128xf32, #tpu.memory_space<hbm>>
    tpu.enqueue_indirect_dma source(%dma_start3A_147 : memref<10000x128xf32, #tpu.memory_space<hbm>>) target(%dma_start3A_141 : memref<128x128xf32, #tpu.memory_space<vmem>>) offsets(%dma_start3A_144 : memref<128xi32, #tpu.memory_space<vmem>>) semaphore(%arg11 : memref<!tpu.dma_semaphore, #tpu.memory_space<semaphore_mem>>)
    %dma_wait3A_148 = arith.constant 0 : i32
    %dma_wait3A_149 = arith.constant 0 : i32
    %dma_wait3A_150 = arith.constant 128 : i32
    %dma_wait3A_151 = arith.constant 0 : i32
    %dma_wait3A_152 = tpu.memref_slice %arg9[%dma_wait3A_150, %dma_wait3A_151] : memref<256x128xf32, #tpu.memory_space<vmem>> -> memref<128x128xf32, #tpu.memory_space<vmem>>
    %dma_wait3A_153 = arith.constant 0 : i32
    %dma_wait3A_154 = tpu.memref_slice %arg7[%dma_wait3A_148, %dma_wait3A_149, %dma_wait3A_153] : memref<2x8x128xi32, #tpu.memory_space<vmem>> -> memref<1x1x128xi32, #tpu.memory_space<vmem>>
    %dma_wait3A_155 = tpu.memref_squeeze %dma_wait3A_154 : memref<1x1x128xi32, #tpu.memory_space<vmem>> -> memref<128xi32, #tpu.memory_space<vmem>>
    %dma_wait3A_156 = arith.constant 0 : i32
    %dma_wait3A_157 = arith.constant 0 : i32
    %dma_wait3A_158 = tpu.memref_slice %arg2[%dma_wait3A_156, %dma_wait3A_157] : memref<10000x128xf32, #tpu.memory_space<hbm>> -> memref<10000x128xf32, #tpu.memory_space<hbm>>
    tpu.wait_indirect_dma semaphore(%arg12 : memref<!tpu.dma_semaphore, #tpu.memory_space<semaphore_mem>>) src(%dma_wait3A_158 : memref<10000x128xf32, #tpu.memory_space<hbm>>) dst(%dma_wait3A_152 : memref<128x128xf32, #tpu.memory_space<vmem>>)
    %run_scoped3A_159 = arith.constant 1 : i32
    %run_scoped3A_160 = arith.constant 1 : i32
    "tpu.region"() ({
      %run_scoped3A_301 = tpu.sem_alloc : memref<!tpu.dma_semaphore, #tpu.memory_space<semaphore_mem>>
      %dma_start3A_302 = arith.constant 128 : i32
      %dma_start3A_303 = arith.constant 0 : i32
      %dma_start3A_304 = tpu.memref_slice %arg9[%dma_start3A_302, %dma_start3A_303] : memref<256x128xf32, #tpu.memory_space<vmem>> -> memref<128x128xf32, #tpu.memory_space<vmem>>
      %dma_start3A_305 = arith.constant 0 : i32
      %dma_start3A_306 = tpu.memref_slice %arg8[%run_scoped3A_159, %run_scoped3A_160, %dma_start3A_305] : memref<2x8x128xi32, #tpu.memory_space<vmem>> -> memref<1x1x128xi32, #tpu.memory_space<vmem>>
      %dma_start3A_307 = tpu.memref_squeeze %dma_start3A_306 : memref<1x1x128xi32, #tpu.memory_space<vmem>> -> memref<128xi32, #tpu.memory_space<vmem>>
      %dma_start3A_308 = arith.constant 0 : i32
      %dma_start3A_309 = arith.constant 0 : i32
      %dma_start3A_310 = tpu.memref_slice %arg10[%dma_start3A_308, %dma_start3A_309] : memref<10112x128xf32, #tpu.memory_space<vmem_shared>> -> memref<10112x128xf32, #tpu.memory_space<vmem_shared>>
      tpu.enqueue_indirect_dma source(%dma_start3A_304 : memref<128x128xf32, #tpu.memory_space<vmem>>) target(%dma_start3A_310 : memref<10112x128xf32, #tpu.memory_space<vmem_shared>>) offsets(%dma_start3A_307 : memref<128xi32, #tpu.memory_space<vmem>>) semaphore(%run_scoped3A_301 : memref<!tpu.dma_semaphore, #tpu.memory_space<semaphore_mem>>) {add = true}
      %dma_wait3A_311 = arith.constant 128 : i32
      %dma_wait3A_312 = arith.constant 0 : i32
      %dma_wait3A_313 = tpu.memref_slice %arg9[%dma_wait3A_311, %dma_wait3A_312] : memref<256x128xf32, #tpu.memory_space<vmem>> -> memref<128x128xf32, #tpu.memory_space<vmem>>
      %dma_wait3A_314 = arith.constant 0 : i32
      %dma_wait3A_315 = tpu.memref_slice %arg8[%run_scoped3A_159, %run_scoped3A_160, %dma_wait3A_314] : memref<2x8x128xi32, #tpu.memory_space<vmem>> -> memref<1x1x128xi32, #tpu.memory_space<vmem>>
      %dma_wait3A_316 = tpu.memref_squeeze %dma_wait3A_315 : memref<1x1x128xi32, #tpu.memory_space<vmem>> -> memref<128xi32, #tpu.memory_space<vmem>>
      %dma_wait3A_317 = arith.constant 0 : i32
      %dma_wait3A_318 = arith.constant 0 : i32
      %dma_wait3A_319 = tpu.memref_slice %arg10[%dma_wait3A_317, %dma_wait3A_318] : memref<10112x128xf32, #tpu.memory_space<vmem_shared>> -> memref<10112x128xf32, #tpu.memory_space<vmem_shared>>
      tpu.wait_indirect_dma semaphore(%run_scoped3A_301 : memref<!tpu.dma_semaphore, #tpu.memory_space<semaphore_mem>>) src(%dma_wait3A_313 : memref<128x128xf32, #tpu.memory_space<vmem>>) dst(%dma_wait3A_319 : memref<10112x128xf32, #tpu.memory_space<vmem_shared>>)
      tpu.yield
    }) : () -> ()
    %dma_start3A_161 = arith.constant 1 : i32
    %dma_start3A_162 = arith.constant 3 : i32
    %dma_start3A_163 = arith.constant 128 : i32
    %dma_start3A_164 = arith.constant 0 : i32
    %dma_start3A_165 = tpu.memref_slice %arg9[%dma_start3A_163, %dma_start3A_164] : memref<256x128xf32, #tpu.memory_space<vmem>> -> memref<128x128xf32, #tpu.memory_space<vmem>>
    %dma_start3A_166 = arith.constant 0 : i32
    %dma_start3A_167 = tpu.memref_slice %arg7[%dma_start3A_161, %dma_start3A_162, %dma_start3A_166] : memref<2x8x128xi32, #tpu.memory_space<vmem>> -> memref<1x1x128xi32, #tpu.memory_space<vmem>>
    %dma_start3A_168 = tpu.memref_squeeze %dma_start3A_167 : memref<1x1x128xi32, #tpu.memory_space<vmem>> -> memref<128xi32, #tpu.memory_space<vmem>>
    %dma_start3A_169 = arith.constant 0 : i32
    %dma_start3A_170 = arith.constant 0 : i32
    %dma_start3A_171 = tpu.memref_slice %arg2[%dma_start3A_169, %dma_start3A_170] : memref<10000x128xf32, #tpu.memory_space<hbm>> -> memref<10000x128xf32, #tpu.memory_space<hbm>>
    tpu.enqueue_indirect_dma source(%dma_start3A_171 : memref<10000x128xf32, #tpu.memory_space<hbm>>) target(%dma_start3A_165 : memref<128x128xf32, #tpu.memory_space<vmem>>) offsets(%dma_start3A_168 : memref<128xi32, #tpu.memory_space<vmem>>) semaphore(%arg12 : memref<!tpu.dma_semaphore, #tpu.memory_space<semaphore_mem>>)
    %dma_wait3A_172 = arith.constant 0 : i32
    %dma_wait3A_173 = arith.constant 0 : i32
    %dma_wait3A_174 = arith.constant 0 : i32
    %dma_wait3A_175 = arith.constant 0 : i32
    %dma_wait3A_176 = tpu.memref_slice %arg9[%dma_wait3A_174, %dma_wait3A_175] : memref<256x128xf32, #tpu.memory_space<vmem>> -> memref<128x128xf32, #tpu.memory_space<vmem>>
    %dma_wait3A_177 = arith.constant 0 : i32
    %dma_wait3A_178 = tpu.memref_slice %arg7[%dma_wait3A_172, %dma_wait3A_173, %dma_wait3A_177] : memref<2x8x128xi32, #tpu.memory_space<vmem>> -> memref<1x1x128xi32, #tpu.memory_space<vmem>>
    %dma_wait3A_179 = tpu.memref_squeeze %dma_wait3A_178 : memref<1x1x128xi32, #tpu.memory_space<vmem>> -> memref<128xi32, #tpu.memory_space<vmem>>
    %dma_wait3A_180 = arith.constant 0 : i32
    %dma_wait3A_181 = arith.constant 0 : i32
    %dma_wait3A_182 = tpu.memref_slice %arg2[%dma_wait3A_180, %dma_wait3A_181] : memref<10000x128xf32, #tpu.memory_space<hbm>> -> memref<10000x128xf32, #tpu.memory_space<hbm>>
    tpu.wait_indirect_dma semaphore(%arg11 : memref<!tpu.dma_semaphore, #tpu.memory_space<semaphore_mem>>) src(%dma_wait3A_182 : memref<10000x128xf32, #tpu.memory_space<hbm>>) dst(%dma_wait3A_176 : memref<128x128xf32, #tpu.memory_space<vmem>>)
    %run_scoped3A_183 = arith.constant 1 : i32
    %run_scoped3A_184 = arith.constant 2 : i32
    "tpu.region"() ({
      %run_scoped3A_301 = tpu.sem_alloc : memref<!tpu.dma_semaphore, #tpu.memory_space<semaphore_mem>>
      %dma_start3A_302 = arith.constant 0 : i32
      %dma_start3A_303 = arith.constant 0 : i32
      %dma_start3A_304 = tpu.memref_slice %arg9[%dma_start3A_302, %dma_start3A_303] : memref<256x128xf32, #tpu.memory_space<vmem>> -> memref<128x128xf32, #tpu.memory_space<vmem>>
      %dma_start3A_305 = arith.constant 0 : i32
      %dma_start3A_306 = tpu.memref_slice %arg8[%run_scoped3A_183, %run_scoped3A_184, %dma_start3A_305] : memref<2x8x128xi32, #tpu.memory_space<vmem>> -> memref<1x1x128xi32, #tpu.memory_space<vmem>>
      %dma_start3A_307 = tpu.memref_squeeze %dma_start3A_306 : memref<1x1x128xi32, #tpu.memory_space<vmem>> -> memref<128xi32, #tpu.memory_space<vmem>>
      %dma_start3A_308 = arith.constant 0 : i32
      %dma_start3A_309 = arith.constant 0 : i32
      %dma_start3A_310 = tpu.memref_slice %arg10[%dma_start3A_308, %dma_start3A_309] : memref<10112x128xf32, #tpu.memory_space<vmem_shared>> -> memref<10112x128xf32, #tpu.memory_space<vmem_shared>>
      tpu.enqueue_indirect_dma source(%dma_start3A_304 : memref<128x128xf32, #tpu.memory_space<vmem>>) target(%dma_start3A_310 : memref<10112x128xf32, #tpu.memory_space<vmem_shared>>) offsets(%dma_start3A_307 : memref<128xi32, #tpu.memory_space<vmem>>) semaphore(%run_scoped3A_301 : memref<!tpu.dma_semaphore, #tpu.memory_space<semaphore_mem>>) {add = true}
      %dma_wait3A_311 = arith.constant 0 : i32
      %dma_wait3A_312 = arith.constant 0 : i32
      %dma_wait3A_313 = tpu.memref_slice %arg9[%dma_wait3A_311, %dma_wait3A_312] : memref<256x128xf32, #tpu.memory_space<vmem>> -> memref<128x128xf32, #tpu.memory_space<vmem>>
      %dma_wait3A_314 = arith.constant 0 : i32
      %dma_wait3A_315 = tpu.memref_slice %arg8[%run_scoped3A_183, %run_scoped3A_184, %dma_wait3A_314] : memref<2x8x128xi32, #tpu.memory_space<vmem>> -> memref<1x1x128xi32, #tpu.memory_space<vmem>>
      %dma_wait3A_316 = tpu.memref_squeeze %dma_wait3A_315 : memref<1x1x128xi32, #tpu.memory_space<vmem>> -> memref<128xi32, #tpu.memory_space<vmem>>
      %dma_wait3A_317 = arith.constant 0 : i32
      %dma_wait3A_318 = arith.constant 0 : i32
      %dma_wait3A_319 = tpu.memref_slice %arg10[%dma_wait3A_317, %dma_wait3A_318] : memref<10112x128xf32, #tpu.memory_space<vmem_shared>> -> memref<10112x128xf32, #tpu.memory_space<vmem_shared>>
      tpu.wait_indirect_dma semaphore(%run_scoped3A_301 : memref<!tpu.dma_semaphore, #tpu.memory_space<semaphore_mem>>) src(%dma_wait3A_313 : memref<128x128xf32, #tpu.memory_space<vmem>>) dst(%dma_wait3A_319 : memref<10112x128xf32, #tpu.memory_space<vmem_shared>>)
      tpu.yield
    }) : () -> ()
    %dma_start3A_185 = arith.constant 1 : i32
    %dma_start3A_186 = arith.constant 4 : i32
    %dma_start3A_187 = arith.constant 0 : i32
    %dma_start3A_188 = arith.constant 0 : i32
    %dma_start3A_189 = tpu.memref_slice %arg9[%dma_start3A_187, %dma_start3A_188] : memref<256x128xf32, #tpu.memory_space<vmem>> -> memref<128x128xf32, #tpu.memory_space<vmem>>
    %dma_start3A_190 = arith.constant 0 : i32
    %dma_start3A_191 = tpu.memref_slice %arg7[%dma_start3A_185, %dma_start3A_186, %dma_start3A_190] : memref<2x8x128xi32, #tpu.memory_space<vmem>> -> memref<1x1x128xi32, #tpu.memory_space<vmem>>
    %dma_start3A_192 = tpu.memref_squeeze %dma_start3A_191 : memref<1x1x128xi32, #tpu.memory_space<vmem>> -> memref<128xi32, #tpu.memory_space<vmem>>
    %dma_start3A_193 = arith.constant 0 : i32
    %dma_start3A_194 = arith.constant 0 : i32
    %dma_start3A_195 = tpu.memref_slice %arg2[%dma_start3A_193, %dma_start3A_194] : memref<10000x128xf32, #tpu.memory_space<hbm>> -> memref<10000x128xf32, #tpu.memory_space<hbm>>
    tpu.enqueue_indirect_dma source(%dma_start3A_195 : memref<10000x128xf32, #tpu.memory_space<hbm>>) target(%dma_start3A_189 : memref<128x128xf32, #tpu.memory_space<vmem>>) offsets(%dma_start3A_192 : memref<128xi32, #tpu.memory_space<vmem>>) semaphore(%arg11 : memref<!tpu.dma_semaphore, #tpu.memory_space<semaphore_mem>>)
    %dma_wait3A_196 = arith.constant 0 : i32
    %dma_wait3A_197 = arith.constant 0 : i32
    %dma_wait3A_198 = arith.constant 128 : i32
    %dma_wait3A_199 = arith.constant 0 : i32
    %dma_wait3A_200 = tpu.memref_slice %arg9[%dma_wait3A_198, %dma_wait3A_199] : memref<256x128xf32, #tpu.memory_space<vmem>> -> memref<128x128xf32, #tpu.memory_space<vmem>>
    %dma_wait3A_201 = arith.constant 0 : i32
    %dma_wait3A_202 = tpu.memref_slice %arg7[%dma_wait3A_196, %dma_wait3A_197, %dma_wait3A_201] : memref<2x8x128xi32, #tpu.memory_space<vmem>> -> memref<1x1x128xi32, #tpu.memory_space<vmem>>
    %dma_wait3A_203 = tpu.memref_squeeze %dma_wait3A_202 : memref<1x1x128xi32, #tpu.memory_space<vmem>> -> memref<128xi32, #tpu.memory_space<vmem>>
    %dma_wait3A_204 = arith.constant 0 : i32
    %dma_wait3A_205 = arith.constant 0 : i32
    %dma_wait3A_206 = tpu.memref_slice %arg2[%dma_wait3A_204, %dma_wait3A_205] : memref<10000x128xf32, #tpu.memory_space<hbm>> -> memref<10000x128xf32, #tpu.memory_space<hbm>>
    tpu.wait_indirect_dma semaphore(%arg12 : memref<!tpu.dma_semaphore, #tpu.memory_space<semaphore_mem>>) src(%dma_wait3A_206 : memref<10000x128xf32, #tpu.memory_space<hbm>>) dst(%dma_wait3A_200 : memref<128x128xf32, #tpu.memory_space<vmem>>)
    %run_scoped3A_207 = arith.constant 1 : i32
    %run_scoped3A_208 = arith.constant 3 : i32
    "tpu.region"() ({
      %run_scoped3A_301 = tpu.sem_alloc : memref<!tpu.dma_semaphore, #tpu.memory_space<semaphore_mem>>
      %dma_start3A_302 = arith.constant 128 : i32
      %dma_start3A_303 = arith.constant 0 : i32
      %dma_start3A_304 = tpu.memref_slice %arg9[%dma_start3A_302, %dma_start3A_303] : memref<256x128xf32, #tpu.memory_space<vmem>> -> memref<128x128xf32, #tpu.memory_space<vmem>>
      %dma_start3A_305 = arith.constant 0 : i32
      %dma_start3A_306 = tpu.memref_slice %arg8[%run_scoped3A_207, %run_scoped3A_208, %dma_start3A_305] : memref<2x8x128xi32, #tpu.memory_space<vmem>> -> memref<1x1x128xi32, #tpu.memory_space<vmem>>
      %dma_start3A_307 = tpu.memref_squeeze %dma_start3A_306 : memref<1x1x128xi32, #tpu.memory_space<vmem>> -> memref<128xi32, #tpu.memory_space<vmem>>
      %dma_start3A_308 = arith.constant 0 : i32
      %dma_start3A_309 = arith.constant 0 : i32
      %dma_start3A_310 = tpu.memref_slice %arg10[%dma_start3A_308, %dma_start3A_309] : memref<10112x128xf32, #tpu.memory_space<vmem_shared>> -> memref<10112x128xf32, #tpu.memory_space<vmem_shared>>
      tpu.enqueue_indirect_dma source(%dma_start3A_304 : memref<128x128xf32, #tpu.memory_space<vmem>>) target(%dma_start3A_310 : memref<10112x128xf32, #tpu.memory_space<vmem_shared>>) offsets(%dma_start3A_307 : memref<128xi32, #tpu.memory_space<vmem>>) semaphore(%run_scoped3A_301 : memref<!tpu.dma_semaphore, #tpu.memory_space<semaphore_mem>>) {add = true}
      %dma_wait3A_311 = arith.constant 128 : i32
      %dma_wait3A_312 = arith.constant 0 : i32
      %dma_wait3A_313 = tpu.memref_slice %arg9[%dma_wait3A_311, %dma_wait3A_312] : memref<256x128xf32, #tpu.memory_space<vmem>> -> memref<128x128xf32, #tpu.memory_space<vmem>>
      %dma_wait3A_314 = arith.constant 0 : i32
      %dma_wait3A_315 = tpu.memref_slice %arg8[%run_scoped3A_207, %run_scoped3A_208, %dma_wait3A_314] : memref<2x8x128xi32, #tpu.memory_space<vmem>> -> memref<1x1x128xi32, #tpu.memory_space<vmem>>
      %dma_wait3A_316 = tpu.memref_squeeze %dma_wait3A_315 : memref<1x1x128xi32, #tpu.memory_space<vmem>> -> memref<128xi32, #tpu.memory_space<vmem>>
      %dma_wait3A_317 = arith.constant 0 : i32
      %dma_wait3A_318 = arith.constant 0 : i32
      %dma_wait3A_319 = tpu.memref_slice %arg10[%dma_wait3A_317, %dma_wait3A_318] : memref<10112x128xf32, #tpu.memory_space<vmem_shared>> -> memref<10112x128xf32, #tpu.memory_space<vmem_shared>>
      tpu.wait_indirect_dma semaphore(%run_scoped3A_301 : memref<!tpu.dma_semaphore, #tpu.memory_space<semaphore_mem>>) src(%dma_wait3A_313 : memref<128x128xf32, #tpu.memory_space<vmem>>) dst(%dma_wait3A_319 : memref<10112x128xf32, #tpu.memory_space<vmem_shared>>)
      tpu.yield
    }) : () -> ()
    %dma_start3A_209 = arith.constant 1 : i32
    %dma_start3A_210 = arith.constant 5 : i32
    %dma_start3A_211 = arith.constant 128 : i32
    %dma_start3A_212 = arith.constant 0 : i32
    %dma_start3A_213 = tpu.memref_slice %arg9[%dma_start3A_211, %dma_start3A_212] : memref<256x128xf32, #tpu.memory_space<vmem>> -> memref<128x128xf32, #tpu.memory_space<vmem>>
    %dma_start3A_214 = arith.constant 0 : i32
    %dma_start3A_215 = tpu.memref_slice %arg7[%dma_start3A_209, %dma_start3A_210, %dma_start3A_214] : memref<2x8x128xi32, #tpu.memory_space<vmem>> -> memref<1x1x128xi32, #tpu.memory_space<vmem>>
    %dma_start3A_216 = tpu.memref_squeeze %dma_start3A_215 : memref<1x1x128xi32, #tpu.memory_space<vmem>> -> memref<128xi32, #tpu.memory_space<vmem>>
    %dma_start3A_217 = arith.constant 0 : i32
    %dma_start3A_218 = arith.constant 0 : i32
    %dma_start3A_219 = tpu.memref_slice %arg2[%dma_start3A_217, %dma_start3A_218] : memref<10000x128xf32, #tpu.memory_space<hbm>> -> memref<10000x128xf32, #tpu.memory_space<hbm>>
    tpu.enqueue_indirect_dma source(%dma_start3A_219 : memref<10000x128xf32, #tpu.memory_space<hbm>>) target(%dma_start3A_213 : memref<128x128xf32, #tpu.memory_space<vmem>>) offsets(%dma_start3A_216 : memref<128xi32, #tpu.memory_space<vmem>>) semaphore(%arg12 : memref<!tpu.dma_semaphore, #tpu.memory_space<semaphore_mem>>)
    %dma_wait3A_220 = arith.constant 0 : i32
    %dma_wait3A_221 = arith.constant 0 : i32
    %dma_wait3A_222 = arith.constant 0 : i32
    %dma_wait3A_223 = arith.constant 0 : i32
    %dma_wait3A_224 = tpu.memref_slice %arg9[%dma_wait3A_222, %dma_wait3A_223] : memref<256x128xf32, #tpu.memory_space<vmem>> -> memref<128x128xf32, #tpu.memory_space<vmem>>
    %dma_wait3A_225 = arith.constant 0 : i32
    %dma_wait3A_226 = tpu.memref_slice %arg7[%dma_wait3A_220, %dma_wait3A_221, %dma_wait3A_225] : memref<2x8x128xi32, #tpu.memory_space<vmem>> -> memref<1x1x128xi32, #tpu.memory_space<vmem>>
    %dma_wait3A_227 = tpu.memref_squeeze %dma_wait3A_226 : memref<1x1x128xi32, #tpu.memory_space<vmem>> -> memref<128xi32, #tpu.memory_space<vmem>>
    %dma_wait3A_228 = arith.constant 0 : i32
    %dma_wait3A_229 = arith.constant 0 : i32
    %dma_wait3A_230 = tpu.memref_slice %arg2[%dma_wait3A_228, %dma_wait3A_229] : memref<10000x128xf32, #tpu.memory_space<hbm>> -> memref<10000x128xf32, #tpu.memory_space<hbm>>
    tpu.wait_indirect_dma semaphore(%arg11 : memref<!tpu.dma_semaphore, #tpu.memory_space<semaphore_mem>>) src(%dma_wait3A_230 : memref<10000x128xf32, #tpu.memory_space<hbm>>) dst(%dma_wait3A_224 : memref<128x128xf32, #tpu.memory_space<vmem>>)
    %run_scoped3A_231 = arith.constant 1 : i32
    %run_scoped3A_232 = arith.constant 4 : i32
    "tpu.region"() ({
      %run_scoped3A_301 = tpu.sem_alloc : memref<!tpu.dma_semaphore, #tpu.memory_space<semaphore_mem>>
      %dma_start3A_302 = arith.constant 0 : i32
      %dma_start3A_303 = arith.constant 0 : i32
      %dma_start3A_304 = tpu.memref_slice %arg9[%dma_start3A_302, %dma_start3A_303] : memref<256x128xf32, #tpu.memory_space<vmem>> -> memref<128x128xf32, #tpu.memory_space<vmem>>
      %dma_start3A_305 = arith.constant 0 : i32
      %dma_start3A_306 = tpu.memref_slice %arg8[%run_scoped3A_231, %run_scoped3A_232, %dma_start3A_305] : memref<2x8x128xi32, #tpu.memory_space<vmem>> -> memref<1x1x128xi32, #tpu.memory_space<vmem>>
      %dma_start3A_307 = tpu.memref_squeeze %dma_start3A_306 : memref<1x1x128xi32, #tpu.memory_space<vmem>> -> memref<128xi32, #tpu.memory_space<vmem>>
      %dma_start3A_308 = arith.constant 0 : i32
      %dma_start3A_309 = arith.constant 0 : i32
      %dma_start3A_310 = tpu.memref_slice %arg10[%dma_start3A_308, %dma_start3A_309] : memref<10112x128xf32, #tpu.memory_space<vmem_shared>> -> memref<10112x128xf32, #tpu.memory_space<vmem_shared>>
      tpu.enqueue_indirect_dma source(%dma_start3A_304 : memref<128x128xf32, #tpu.memory_space<vmem>>) target(%dma_start3A_310 : memref<10112x128xf32, #tpu.memory_space<vmem_shared>>) offsets(%dma_start3A_307 : memref<128xi32, #tpu.memory_space<vmem>>) semaphore(%run_scoped3A_301 : memref<!tpu.dma_semaphore, #tpu.memory_space<semaphore_mem>>) {add = true}
      %dma_wait3A_311 = arith.constant 0 : i32
      %dma_wait3A_312 = arith.constant 0 : i32
      %dma_wait3A_313 = tpu.memref_slice %arg9[%dma_wait3A_311, %dma_wait3A_312] : memref<256x128xf32, #tpu.memory_space<vmem>> -> memref<128x128xf32, #tpu.memory_space<vmem>>
      %dma_wait3A_314 = arith.constant 0 : i32
      %dma_wait3A_315 = tpu.memref_slice %arg8[%run_scoped3A_231, %run_scoped3A_232, %dma_wait3A_314] : memref<2x8x128xi32, #tpu.memory_space<vmem>> -> memref<1x1x128xi32, #tpu.memory_space<vmem>>
      %dma_wait3A_316 = tpu.memref_squeeze %dma_wait3A_315 : memref<1x1x128xi32, #tpu.memory_space<vmem>> -> memref<128xi32, #tpu.memory_space<vmem>>
      %dma_wait3A_317 = arith.constant 0 : i32
      %dma_wait3A_318 = arith.constant 0 : i32
      %dma_wait3A_319 = tpu.memref_slice %arg10[%dma_wait3A_317, %dma_wait3A_318] : memref<10112x128xf32, #tpu.memory_space<vmem_shared>> -> memref<10112x128xf32, #tpu.memory_space<vmem_shared>>
      tpu.wait_indirect_dma semaphore(%run_scoped3A_301 : memref<!tpu.dma_semaphore, #tpu.memory_space<semaphore_mem>>) src(%dma_wait3A_313 : memref<128x128xf32, #tpu.memory_space<vmem>>) dst(%dma_wait3A_319 : memref<10112x128xf32, #tpu.memory_space<vmem_shared>>)
      tpu.yield
    }) : () -> ()
    %dma_start3A_233 = arith.constant 1 : i32
    %dma_start3A_234 = arith.constant 6 : i32
    %dma_start3A_235 = arith.constant 0 : i32
    %dma_start3A_236 = arith.constant 0 : i32
    %dma_start3A_237 = tpu.memref_slice %arg9[%dma_start3A_235, %dma_start3A_236] : memref<256x128xf32, #tpu.memory_space<vmem>> -> memref<128x128xf32, #tpu.memory_space<vmem>>
    %dma_start3A_238 = arith.constant 0 : i32
    %dma_start3A_239 = tpu.memref_slice %arg7[%dma_start3A_233, %dma_start3A_234, %dma_start3A_238] : memref<2x8x128xi32, #tpu.memory_space<vmem>> -> memref<1x1x128xi32, #tpu.memory_space<vmem>>
    %dma_start3A_240 = tpu.memref_squeeze %dma_start3A_239 : memref<1x1x128xi32, #tpu.memory_space<vmem>> -> memref<128xi32, #tpu.memory_space<vmem>>
    %dma_start3A_241 = arith.constant 0 : i32
    %dma_start3A_242 = arith.constant 0 : i32
    %dma_start3A_243 = tpu.memref_slice %arg2[%dma_start3A_241, %dma_start3A_242] : memref<10000x128xf32, #tpu.memory_space<hbm>> -> memref<10000x128xf32, #tpu.memory_space<hbm>>
    tpu.enqueue_indirect_dma source(%dma_start3A_243 : memref<10000x128xf32, #tpu.memory_space<hbm>>) target(%dma_start3A_237 : memref<128x128xf32, #tpu.memory_space<vmem>>) offsets(%dma_start3A_240 : memref<128xi32, #tpu.memory_space<vmem>>) semaphore(%arg11 : memref<!tpu.dma_semaphore, #tpu.memory_space<semaphore_mem>>)
    %dma_wait3A_244 = arith.constant 0 : i32
    %dma_wait3A_245 = arith.constant 0 : i32
    %dma_wait3A_246 = arith.constant 128 : i32
    %dma_wait3A_247 = arith.constant 0 : i32
    %dma_wait3A_248 = tpu.memref_slice %arg9[%dma_wait3A_246, %dma_wait3A_247] : memref<256x128xf32, #tpu.memory_space<vmem>> -> memref<128x128xf32, #tpu.memory_space<vmem>>
    %dma_wait3A_249 = arith.constant 0 : i32
    %dma_wait3A_250 = tpu.memref_slice %arg7[%dma_wait3A_244, %dma_wait3A_245, %dma_wait3A_249] : memref<2x8x128xi32, #tpu.memory_space<vmem>> -> memref<1x1x128xi32, #tpu.memory_space<vmem>>
    %dma_wait3A_251 = tpu.memref_squeeze %dma_wait3A_250 : memref<1x1x128xi32, #tpu.memory_space<vmem>> -> memref<128xi32, #tpu.memory_space<vmem>>
    %dma_wait3A_252 = arith.constant 0 : i32
    %dma_wait3A_253 = arith.constant 0 : i32
    %dma_wait3A_254 = tpu.memref_slice %arg2[%dma_wait3A_252, %dma_wait3A_253] : memref<10000x128xf32, #tpu.memory_space<hbm>> -> memref<10000x128xf32, #tpu.memory_space<hbm>>
    tpu.wait_indirect_dma semaphore(%arg12 : memref<!tpu.dma_semaphore, #tpu.memory_space<semaphore_mem>>) src(%dma_wait3A_254 : memref<10000x128xf32, #tpu.memory_space<hbm>>) dst(%dma_wait3A_248 : memref<128x128xf32, #tpu.memory_space<vmem>>)
    %run_scoped3A_255 = arith.constant 1 : i32
    %run_scoped3A_256 = arith.constant 5 : i32
    "tpu.region"() ({
      %run_scoped3A_301 = tpu.sem_alloc : memref<!tpu.dma_semaphore, #tpu.memory_space<semaphore_mem>>
      %dma_start3A_302 = arith.constant 128 : i32
      %dma_start3A_303 = arith.constant 0 : i32
      %dma_start3A_304 = tpu.memref_slice %arg9[%dma_start3A_302, %dma_start3A_303] : memref<256x128xf32, #tpu.memory_space<vmem>> -> memref<128x128xf32, #tpu.memory_space<vmem>>
      %dma_start3A_305 = arith.constant 0 : i32
      %dma_start3A_306 = tpu.memref_slice %arg8[%run_scoped3A_255, %run_scoped3A_256, %dma_start3A_305] : memref<2x8x128xi32, #tpu.memory_space<vmem>> -> memref<1x1x128xi32, #tpu.memory_space<vmem>>
      %dma_start3A_307 = tpu.memref_squeeze %dma_start3A_306 : memref<1x1x128xi32, #tpu.memory_space<vmem>> -> memref<128xi32, #tpu.memory_space<vmem>>
      %dma_start3A_308 = arith.constant 0 : i32
      %dma_start3A_309 = arith.constant 0 : i32
      %dma_start3A_310 = tpu.memref_slice %arg10[%dma_start3A_308, %dma_start3A_309] : memref<10112x128xf32, #tpu.memory_space<vmem_shared>> -> memref<10112x128xf32, #tpu.memory_space<vmem_shared>>
      tpu.enqueue_indirect_dma source(%dma_start3A_304 : memref<128x128xf32, #tpu.memory_space<vmem>>) target(%dma_start3A_310 : memref<10112x128xf32, #tpu.memory_space<vmem_shared>>) offsets(%dma_start3A_307 : memref<128xi32, #tpu.memory_space<vmem>>) semaphore(%run_scoped3A_301 : memref<!tpu.dma_semaphore, #tpu.memory_space<semaphore_mem>>) {add = true}
      %dma_wait3A_311 = arith.constant 128 : i32
      %dma_wait3A_312 = arith.constant 0 : i32
      %dma_wait3A_313 = tpu.memref_slice %arg9[%dma_wait3A_311, %dma_wait3A_312] : memref<256x128xf32, #tpu.memory_space<vmem>> -> memref<128x128xf32, #tpu.memory_space<vmem>>
      %dma_wait3A_314 = arith.constant 0 : i32
      %dma_wait3A_315 = tpu.memref_slice %arg8[%run_scoped3A_255, %run_scoped3A_256, %dma_wait3A_314] : memref<2x8x128xi32, #tpu.memory_space<vmem>> -> memref<1x1x128xi32, #tpu.memory_space<vmem>>
      %dma_wait3A_316 = tpu.memref_squeeze %dma_wait3A_315 : memref<1x1x128xi32, #tpu.memory_space<vmem>> -> memref<128xi32, #tpu.memory_space<vmem>>
      %dma_wait3A_317 = arith.constant 0 : i32
      %dma_wait3A_318 = arith.constant 0 : i32
      %dma_wait3A_319 = tpu.memref_slice %arg10[%dma_wait3A_317, %dma_wait3A_318] : memref<10112x128xf32, #tpu.memory_space<vmem_shared>> -> memref<10112x128xf32, #tpu.memory_space<vmem_shared>>
      tpu.wait_indirect_dma semaphore(%run_scoped3A_301 : memref<!tpu.dma_semaphore, #tpu.memory_space<semaphore_mem>>) src(%dma_wait3A_313 : memref<128x128xf32, #tpu.memory_space<vmem>>) dst(%dma_wait3A_319 : memref<10112x128xf32, #tpu.memory_space<vmem_shared>>)
      tpu.yield
    }) : () -> ()
    %dma_start3A_257 = arith.constant 1 : i32
    %dma_start3A_258 = arith.constant 7 : i32
    %dma_start3A_259 = arith.constant 128 : i32
    %dma_start3A_260 = arith.constant 0 : i32
    %dma_start3A_261 = tpu.memref_slice %arg9[%dma_start3A_259, %dma_start3A_260] : memref<256x128xf32, #tpu.memory_space<vmem>> -> memref<128x128xf32, #tpu.memory_space<vmem>>
    %dma_start3A_262 = arith.constant 0 : i32
    %dma_start3A_263 = tpu.memref_slice %arg7[%dma_start3A_257, %dma_start3A_258, %dma_start3A_262] : memref<2x8x128xi32, #tpu.memory_space<vmem>> -> memref<1x1x128xi32, #tpu.memory_space<vmem>>
    %dma_start3A_264 = tpu.memref_squeeze %dma_start3A_263 : memref<1x1x128xi32, #tpu.memory_space<vmem>> -> memref<128xi32, #tpu.memory_space<vmem>>
    %dma_start3A_265 = arith.constant 0 : i32
    %dma_start3A_266 = arith.constant 0 : i32
    %dma_start3A_267 = tpu.memref_slice %arg2[%dma_start3A_265, %dma_start3A_266] : memref<10000x128xf32, #tpu.memory_space<hbm>> -> memref<10000x128xf32, #tpu.memory_space<hbm>>
    tpu.enqueue_indirect_dma source(%dma_start3A_267 : memref<10000x128xf32, #tpu.memory_space<hbm>>) target(%dma_start3A_261 : memref<128x128xf32, #tpu.memory_space<vmem>>) offsets(%dma_start3A_264 : memref<128xi32, #tpu.memory_space<vmem>>) semaphore(%arg12 : memref<!tpu.dma_semaphore, #tpu.memory_space<semaphore_mem>>)
    %dma_wait3A_268 = arith.constant 0 : i32
    %dma_wait3A_269 = arith.constant 0 : i32
    %dma_wait3A_270 = arith.constant 0 : i32
    %dma_wait3A_271 = arith.constant 0 : i32
    %dma_wait3A_272 = tpu.memref_slice %arg9[%dma_wait3A_270, %dma_wait3A_271] : memref<256x128xf32, #tpu.memory_space<vmem>> -> memref<128x128xf32, #tpu.memory_space<vmem>>
    %dma_wait3A_273 = arith.constant 0 : i32
    %dma_wait3A_274 = tpu.memref_slice %arg7[%dma_wait3A_268, %dma_wait3A_269, %dma_wait3A_273] : memref<2x8x128xi32, #tpu.memory_space<vmem>> -> memref<1x1x128xi32, #tpu.memory_space<vmem>>
    %dma_wait3A_275 = tpu.memref_squeeze %dma_wait3A_274 : memref<1x1x128xi32, #tpu.memory_space<vmem>> -> memref<128xi32, #tpu.memory_space<vmem>>
    %dma_wait3A_276 = arith.constant 0 : i32
    %dma_wait3A_277 = arith.constant 0 : i32
    %dma_wait3A_278 = tpu.memref_slice %arg2[%dma_wait3A_276, %dma_wait3A_277] : memref<10000x128xf32, #tpu.memory_space<hbm>> -> memref<10000x128xf32, #tpu.memory_space<hbm>>
    tpu.wait_indirect_dma semaphore(%arg11 : memref<!tpu.dma_semaphore, #tpu.memory_space<semaphore_mem>>) src(%dma_wait3A_278 : memref<10000x128xf32, #tpu.memory_space<hbm>>) dst(%dma_wait3A_272 : memref<128x128xf32, #tpu.memory_space<vmem>>)
    %run_scoped3A_279 = arith.constant 1 : i32
    %run_scoped3A_280 = arith.constant 6 : i32
    "tpu.region"() ({
      %run_scoped3A_301 = tpu.sem_alloc : memref<!tpu.dma_semaphore, #tpu.memory_space<semaphore_mem>>
      %dma_start3A_302 = arith.constant 0 : i32
      %dma_start3A_303 = arith.constant 0 : i32
      %dma_start3A_304 = tpu.memref_slice %arg9[%dma_start3A_302, %dma_start3A_303] : memref<256x128xf32, #tpu.memory_space<vmem>> -> memref<128x128xf32, #tpu.memory_space<vmem>>
      %dma_start3A_305 = arith.constant 0 : i32
      %dma_start3A_306 = tpu.memref_slice %arg8[%run_scoped3A_279, %run_scoped3A_280, %dma_start3A_305] : memref<2x8x128xi32, #tpu.memory_space<vmem>> -> memref<1x1x128xi32, #tpu.memory_space<vmem>>
      %dma_start3A_307 = tpu.memref_squeeze %dma_start3A_306 : memref<1x1x128xi32, #tpu.memory_space<vmem>> -> memref<128xi32, #tpu.memory_space<vmem>>
      %dma_start3A_308 = arith.constant 0 : i32
      %dma_start3A_309 = arith.constant 0 : i32
      %dma_start3A_310 = tpu.memref_slice %arg10[%dma_start3A_308, %dma_start3A_309] : memref<10112x128xf32, #tpu.memory_space<vmem_shared>> -> memref<10112x128xf32, #tpu.memory_space<vmem_shared>>
      tpu.enqueue_indirect_dma source(%dma_start3A_304 : memref<128x128xf32, #tpu.memory_space<vmem>>) target(%dma_start3A_310 : memref<10112x128xf32, #tpu.memory_space<vmem_shared>>) offsets(%dma_start3A_307 : memref<128xi32, #tpu.memory_space<vmem>>) semaphore(%run_scoped3A_301 : memref<!tpu.dma_semaphore, #tpu.memory_space<semaphore_mem>>) {add = true}
      %dma_wait3A_311 = arith.constant 0 : i32
      %dma_wait3A_312 = arith.constant 0 : i32
      %dma_wait3A_313 = tpu.memref_slice %arg9[%dma_wait3A_311, %dma_wait3A_312] : memref<256x128xf32, #tpu.memory_space<vmem>> -> memref<128x128xf32, #tpu.memory_space<vmem>>
      %dma_wait3A_314 = arith.constant 0 : i32
      %dma_wait3A_315 = tpu.memref_slice %arg8[%run_scoped3A_279, %run_scoped3A_280, %dma_wait3A_314] : memref<2x8x128xi32, #tpu.memory_space<vmem>> -> memref<1x1x128xi32, #tpu.memory_space<vmem>>
      %dma_wait3A_316 = tpu.memref_squeeze %dma_wait3A_315 : memref<1x1x128xi32, #tpu.memory_space<vmem>> -> memref<128xi32, #tpu.memory_space<vmem>>
      %dma_wait3A_317 = arith.constant 0 : i32
      %dma_wait3A_318 = arith.constant 0 : i32
      %dma_wait3A_319 = tpu.memref_slice %arg10[%dma_wait3A_317, %dma_wait3A_318] : memref<10112x128xf32, #tpu.memory_space<vmem_shared>> -> memref<10112x128xf32, #tpu.memory_space<vmem_shared>>
      tpu.wait_indirect_dma semaphore(%run_scoped3A_301 : memref<!tpu.dma_semaphore, #tpu.memory_space<semaphore_mem>>) src(%dma_wait3A_313 : memref<128x128xf32, #tpu.memory_space<vmem>>) dst(%dma_wait3A_319 : memref<10112x128xf32, #tpu.memory_space<vmem_shared>>)
      tpu.yield
    }) : () -> ()
    %dma_wait3A_281 = arith.constant 0 : i32
    %dma_wait3A_282 = arith.constant 0 : i32
    %dma_wait3A_283 = arith.constant 128 : i32
    %dma_wait3A_284 = arith.constant 0 : i32
    %dma_wait3A_285 = tpu.memref_slice %arg9[%dma_wait3A_283, %dma_wait3A_284] : memref<256x128xf32, #tpu.memory_space<vmem>> -> memref<128x128xf32, #tpu.memory_space<vmem>>
    %dma_wait3A_286 = arith.constant 0 : i32
    %dma_wait3A_287 = tpu.memref_slice %arg7[%dma_wait3A_281, %dma_wait3A_282, %dma_wait3A_286] : memref<2x8x128xi32, #tpu.memory_space<vmem>> -> memref<1x1x128xi32, #tpu.memory_space<vmem>>
    %dma_wait3A_288 = tpu.memref_squeeze %dma_wait3A_287 : memref<1x1x128xi32, #tpu.memory_space<vmem>> -> memref<128xi32, #tpu.memory_space<vmem>>
    %dma_wait3A_289 = arith.constant 0 : i32
    %dma_wait3A_290 = arith.constant 0 : i32
    %dma_wait3A_291 = tpu.memref_slice %arg2[%dma_wait3A_289, %dma_wait3A_290] : memref<10000x128xf32, #tpu.memory_space<hbm>> -> memref<10000x128xf32, #tpu.memory_space<hbm>>
    tpu.wait_indirect_dma semaphore(%arg12 : memref<!tpu.dma_semaphore, #tpu.memory_space<semaphore_mem>>) src(%dma_wait3A_291 : memref<10000x128xf32, #tpu.memory_space<hbm>>) dst(%dma_wait3A_285 : memref<128x128xf32, #tpu.memory_space<vmem>>)
    %run_scoped3A_292 = arith.constant 1 : i32
    %run_scoped3A_293 = arith.constant 7 : i32
    "tpu.region"() ({
      %run_scoped3A_301 = tpu.sem_alloc : memref<!tpu.dma_semaphore, #tpu.memory_space<semaphore_mem>>
      %dma_start3A_302 = arith.constant 128 : i32
      %dma_start3A_303 = arith.constant 0 : i32
      %dma_start3A_304 = tpu.memref_slice %arg9[%dma_start3A_302, %dma_start3A_303] : memref<256x128xf32, #tpu.memory_space<vmem>> -> memref<128x128xf32, #tpu.memory_space<vmem>>
      %dma_start3A_305 = arith.constant 0 : i32
      %dma_start3A_306 = tpu.memref_slice %arg8[%run_scoped3A_292, %run_scoped3A_293, %dma_start3A_305] : memref<2x8x128xi32, #tpu.memory_space<vmem>> -> memref<1x1x128xi32, #tpu.memory_space<vmem>>
      %dma_start3A_307 = tpu.memref_squeeze %dma_start3A_306 : memref<1x1x128xi32, #tpu.memory_space<vmem>> -> memref<128xi32, #tpu.memory_space<vmem>>
      %dma_start3A_308 = arith.constant 0 : i32
      %dma_start3A_309 = arith.constant 0 : i32
      %dma_start3A_310 = tpu.memref_slice %arg10[%dma_start3A_308, %dma_start3A_309] : memref<10112x128xf32, #tpu.memory_space<vmem_shared>> -> memref<10112x128xf32, #tpu.memory_space<vmem_shared>>
      tpu.enqueue_indirect_dma source(%dma_start3A_304 : memref<128x128xf32, #tpu.memory_space<vmem>>) target(%dma_start3A_310 : memref<10112x128xf32, #tpu.memory_space<vmem_shared>>) offsets(%dma_start3A_307 : memref<128xi32, #tpu.memory_space<vmem>>) semaphore(%run_scoped3A_301 : memref<!tpu.dma_semaphore, #tpu.memory_space<semaphore_mem>>) {add = true}
      %dma_wait3A_311 = arith.constant 128 : i32
      %dma_wait3A_312 = arith.constant 0 : i32
      %dma_wait3A_313 = tpu.memref_slice %arg9[%dma_wait3A_311, %dma_wait3A_312] : memref<256x128xf32, #tpu.memory_space<vmem>> -> memref<128x128xf32, #tpu.memory_space<vmem>>
      %dma_wait3A_314 = arith.constant 0 : i32
      %dma_wait3A_315 = tpu.memref_slice %arg8[%run_scoped3A_292, %run_scoped3A_293, %dma_wait3A_314] : memref<2x8x128xi32, #tpu.memory_space<vmem>> -> memref<1x1x128xi32, #tpu.memory_space<vmem>>
      %dma_wait3A_316 = tpu.memref_squeeze %dma_wait3A_315 : memref<1x1x128xi32, #tpu.memory_space<vmem>> -> memref<128xi32, #tpu.memory_space<vmem>>
      %dma_wait3A_317 = arith.constant 0 : i32
      %dma_wait3A_318 = arith.constant 0 : i32
      %dma_wait3A_319 = tpu.memref_slice %arg10[%dma_wait3A_317, %dma_wait3A_318] : memref<10112x128xf32, #tpu.memory_space<vmem_shared>> -> memref<10112x128xf32, #tpu.memory_space<vmem_shared>>
      tpu.wait_indirect_dma semaphore(%run_scoped3A_301 : memref<!tpu.dma_semaphore, #tpu.memory_space<semaphore_mem>>) src(%dma_wait3A_313 : memref<128x128xf32, #tpu.memory_space<vmem>>) dst(%dma_wait3A_319 : memref<10112x128xf32, #tpu.memory_space<vmem_shared>>)
      tpu.yield
    }) : () -> ()
    %barrier3A_294 = arith.constant 0 : index
    tpu.barrier barrier_id(%barrier3A_294)
    %lt3A = arith.constant 15 : i32
    %lt3A_295 = arith.cmpi slt, %arg1, %lt3A : i32
    %convert_element_type3A = arith.extui %lt3A_295 : i1 to i32
    %cond3A = arith.constant 0 : i32
    %cond3A_296 = arith.cmpi ne, %convert_element_type3A, %cond3A : i32
    scf.if %cond3A_296 {
      %mul3A_301 = arith.constant 632 : i32
      %mul3A_302 = arith.muli %arg1, %mul3A_301 : i32
      %mul3A_303 = arith.constant 632 : i32
      %mul3A_304 = arith.muli %arg1, %mul3A_303 : i32
      "tpu.region"() ({
        %run_scoped3A_305 = tpu.sem_alloc : memref<!tpu.dma_semaphore, #tpu.memory_space<semaphore_mem>>
        %dma_start3A_306 = arith.constant 0 : i32
        %dma_start3A_307 = tpu.memref_slice %arg6[%arg0, %mul3A_304, %dma_start3A_306] : memref<2x10000x128xf32, #tpu.memory_space<hbm>> -> memref<1x632x128xf32, #tpu.memory_space<hbm>>
        %dma_start3A_308 = tpu.memref_squeeze %dma_start3A_307 : memref<1x632x128xf32, #tpu.memory_space<hbm>> -> memref<632x128xf32, #tpu.memory_space<hbm>>
        %dma_start3A_309 = arith.constant 0 : i32
        %dma_start3A_310 = tpu.memref_slice %arg10[%mul3A_302, %dma_start3A_309] : memref<10112x128xf32, #tpu.memory_space<vmem_shared>> -> memref<632x128xf32, #tpu.memory_space<vmem_shared>>
        tpu.enqueue_dma source(%dma_start3A_310 : memref<632x128xf32, #tpu.memory_space<vmem_shared>>) target(%dma_start3A_308 : memref<632x128xf32, #tpu.memory_space<hbm>>) target_semaphore(%run_scoped3A_305 : memref<!tpu.dma_semaphore, #tpu.memory_space<semaphore_mem>>)
        %dma_wait3A_311 = arith.constant 0 : i32
        %dma_wait3A_312 = tpu.memref_slice %arg6[%arg0, %mul3A_304, %dma_wait3A_311] : memref<2x10000x128xf32, #tpu.memory_space<hbm>> -> memref<1x632x128xf32, #tpu.memory_space<hbm>>
        %dma_wait3A_313 = tpu.memref_squeeze %dma_wait3A_312 : memref<1x632x128xf32, #tpu.memory_space<hbm>> -> memref<632x128xf32, #tpu.memory_space<hbm>>
        %dma_wait3A_314 = arith.constant 0 : i32
        %dma_wait3A_315 = tpu.memref_slice %arg10[%mul3A_302, %dma_wait3A_314] : memref<10112x128xf32, #tpu.memory_space<vmem_shared>> -> memref<632x128xf32, #tpu.memory_space<vmem_shared>>
        tpu.wait_dma2 semaphore(%run_scoped3A_305 : memref<!tpu.dma_semaphore, #tpu.memory_space<semaphore_mem>>) src(%dma_wait3A_315 : memref<632x128xf32, #tpu.memory_space<vmem_shared>>) dst(%dma_wait3A_313 : memref<632x128xf32, #tpu.memory_space<hbm>>)
        tpu.yield
      }) : () -> ()
    } else {
    }
    %eq3A = arith.constant 15 : i32
    %eq3A_297 = arith.cmpi eq, %arg1, %eq3A : i32
    %convert_element_type3A_298 = arith.extui %eq3A_297 : i1 to i32
    %cond3A_299 = arith.constant 0 : i32
    %cond3A_300 = arith.cmpi ne, %convert_element_type3A_298, %cond3A_299 : i32
    scf.if %cond3A_300 {
      "tpu.region"() ({
        %run_scoped3A_301 = tpu.sem_alloc : memref<!tpu.dma_semaphore, #tpu.memory_space<semaphore_mem>>
        %dma_start3A_302 = arith.constant 9480 : i32
        %dma_start3A_303 = arith.constant 0 : i32
        %dma_start3A_304 = tpu.memref_slice %arg6[%arg0, %dma_start3A_302, %dma_start3A_303] : memref<2x10000x128xf32, #tpu.memory_space<hbm>> -> memref<1x520x128xf32, #tpu.memory_space<hbm>>
        %dma_start3A_305 = tpu.memref_squeeze %dma_start3A_304 : memref<1x520x128xf32, #tpu.memory_space<hbm>> -> memref<520x128xf32, #tpu.memory_space<hbm>>
        %dma_start3A_306 = arith.constant 9480 : i32
        %dma_start3A_307 = arith.constant 0 : i32
        %dma_start3A_308 = tpu.memref_slice %arg10[%dma_start3A_306, %dma_start3A_307] : memref<10112x128xf32, #tpu.memory_space<vmem_shared>> -> memref<520x128xf32, #tpu.memory_space<vmem_shared>>
        tpu.enqueue_dma source(%dma_start3A_308 : memref<520x128xf32, #tpu.memory_space<vmem_shared>>) target(%dma_start3A_305 : memref<520x128xf32, #tpu.memory_space<hbm>>) target_semaphore(%run_scoped3A_301 : memref<!tpu.dma_semaphore, #tpu.memory_space<semaphore_mem>>)
        %dma_wait3A_309 = arith.constant 9480 : i32
        %dma_wait3A_310 = arith.constant 0 : i32
        %dma_wait3A_311 = tpu.memref_slice %arg6[%arg0, %dma_wait3A_309, %dma_wait3A_310] : memref<2x10000x128xf32, #tpu.memory_space<hbm>> -> memref<1x520x128xf32, #tpu.memory_space<hbm>>
        %dma_wait3A_312 = tpu.memref_squeeze %dma_wait3A_311 : memref<1x520x128xf32, #tpu.memory_space<hbm>> -> memref<520x128xf32, #tpu.memory_space<hbm>>
        %dma_wait3A_313 = arith.constant 9480 : i32
        %dma_wait3A_314 = arith.constant 0 : i32
        %dma_wait3A_315 = tpu.memref_slice %arg10[%dma_wait3A_313, %dma_wait3A_314] : memref<10112x128xf32, #tpu.memory_space<vmem_shared>> -> memref<520x128xf32, #tpu.memory_space<vmem_shared>>
        tpu.wait_dma2 semaphore(%run_scoped3A_301 : memref<!tpu.dma_semaphore, #tpu.memory_space<semaphore_mem>>) src(%dma_wait3A_315 : memref<520x128xf32, #tpu.memory_space<vmem_shared>>) dst(%dma_wait3A_312 : memref<520x128xf32, #tpu.memory_space<hbm>>)
        tpu.yield
      }) : () -> ()
    } else {
    }
    return
  }
}

#map = affine_map<(d0, d1) -> (0, 0)>
#map1 = affine_map<(d0, d1) -> (0, 0, 0)>
module attributes {stable_mosaic.version = 14 : i64} {
  func.func @agg(%arg0: i32, %arg1: i32, %arg2: memref<10000x128xf32, #tpu.memory_space<hbm>>, %arg3: memref<2560x128xi32, #tpu.memory_space<hbm>>, %arg4: memref<2560x128xi32, #tpu.memory_space<hbm>>, %arg5: memref<10112x128xf32, #tpu.memory_space<hbm>>, %arg6: memref<2x10000x128xf32, #tpu.memory_space<hbm>>, %arg7: memref<2x8x128xi32, #tpu.memory_space<vmem>>, %arg8: memref<2x8x128xi32, #tpu.memory_space<vmem>>, %arg9: memref<256x128xf32, #tpu.memory_space<vmem>>, %arg10: memref<10112x128xf32, #tpu.memory_space<vmem_shared>>, %arg11: memref<!tpu.dma_semaphore, #tpu.memory_space<semaphore_mem>>, %arg12: memref<!tpu.dma_semaphore, #tpu.memory_space<semaphore_mem>>, %arg13: memref<!tpu.dma_semaphore, #tpu.memory_space<semaphore_mem>>, %arg14: memref<!tpu.dma_semaphore, #tpu.memory_space<semaphore_mem>>) attributes {dimension_semantics = [#tpu.dimension_semantics<core_parallel>, #tpu.dimension_semantics<subcore_parallel>], iteration_bounds = array<i64: 2, 16>, scalar_prefetch = 0 : i64, scratch_operands = 8 : i64, tpu.core_type = #tpu.core_type<sc_vector_subcore>, window_params = [{transform_indices = #map}, {transform_indices = #map}, {transform_indices = #map}, {transform_indices = #map}, {transform_indices = #map1}]} {
    %mul3A = arith.constant 632 : i32
    %mul3A_0 = arith.muli %arg1, %mul3A : i32
    %mul3A_1 = arith.constant 632 : i32
    %mul3A_2 = arith.muli %arg1, %mul3A_1 : i32
    %dma_start3A = arith.constant 0 : i32
    %dma_start3A_3 = tpu.memref_slice %arg10[%mul3A_2, %dma_start3A] : memref<10112x128xf32, #tpu.memory_space<vmem_shared>> -> memref<632x128xf32, #tpu.memory_space<vmem_shared>>
    %dma_start3A_4 = arith.constant 0 : i32
    %dma_start3A_5 = tpu.memref_slice %arg5[%mul3A_0, %dma_start3A_4] : memref<10112x128xf32, #tpu.memory_space<hbm>> -> memref<632x128xf32, #tpu.memory_space<hbm>>
    tpu.enqueue_dma source(%dma_start3A_5 : memref<632x128xf32, #tpu.memory_space<hbm>>) target(%dma_start3A_3 : memref<632x128xf32, #tpu.memory_space<vmem_shared>>) target_semaphore(%arg14 : memref<!tpu.dma_semaphore, #tpu.memory_space<semaphore_mem>>)
    %mul3A_6 = arith.constant 16 : i32
    %mul3A_7 = arith.muli %arg0, %mul3A_6 : i32
    %add3A = arith.addi %mul3A_7, %arg1 : i32
    %mul3A_8 = arith.constant 80 : i32
    %mul3A_9 = arith.muli %add3A, %mul3A_8 : i32
    %add3A_10 = arith.constant 0 : i32
    %add3A_11 = arith.addi %mul3A_9, %add3A_10 : i32
    %dma_start3A_12 = arith.constant 0 : i32
    %dma_start3A_13 = arith.constant 0 : i32
    %dma_start3A_14 = arith.constant 0 : i32
    %dma_start3A_15 = tpu.memref_slice %arg7[%dma_start3A_12, %dma_start3A_13, %dma_start3A_14] : memref<2x8x128xi32, #tpu.memory_space<vmem>> -> memref<1x8x128xi32, #tpu.memory_space<vmem>>
    %dma_start3A_16 = tpu.memref_squeeze %dma_start3A_15 : memref<1x8x128xi32, #tpu.memory_space<vmem>> -> memref<8x128xi32, #tpu.memory_space<vmem>>
    %dma_start3A_17 = arith.constant 0 : i32
    %dma_start3A_18 = tpu.memref_slice %arg3[%add3A_11, %dma_start3A_17] : memref<2560x128xi32, #tpu.memory_space<hbm>> -> memref<8x128xi32, #tpu.memory_space<hbm>>
    %dma_start3A_19 = arith.constant 0 : i32
    %dma_start3A_20 = arith.constant 0 : i32
    %dma_start3A_21 = tpu.memref_slice %arg7[%dma_start3A_12, %dma_start3A_19, %dma_start3A_20] : memref<2x8x128xi32, #tpu.memory_space<vmem>> -> memref<1x8x128xi32, #tpu.memory_space<vmem>>
    %dma_start3A_22 = tpu.memref_squeeze %dma_start3A_21 : memref<1x8x128xi32, #tpu.memory_space<vmem>> -> memref<8x128xi32, #tpu.memory_space<vmem>>
    %dma_start3A_23 = arith.constant 0 : i32
    %dma_start3A_24 = tpu.memref_slice %arg3[%add3A_11, %dma_start3A_23] : memref<2560x128xi32, #tpu.memory_space<hbm>> -> memref<8x128xi32, #tpu.memory_space<hbm>>
    tpu.enqueue_dma source(%dma_start3A_24 : memref<8x128xi32, #tpu.memory_space<hbm>>) target(%dma_start3A_22 : memref<8x128xi32, #tpu.memory_space<vmem>>) target_semaphore(%arg13 : memref<!tpu.dma_semaphore, #tpu.memory_space<semaphore_mem>>)
    %add3A_25 = arith.constant 0 : i32
    %add3A_26 = arith.addi %mul3A_9, %add3A_25 : i32
    %dma_start3A_27 = arith.constant 0 : i32
    %dma_start3A_28 = arith.constant 0 : i32
    %dma_start3A_29 = arith.constant 0 : i32
    %dma_start3A_30 = tpu.memref_slice %arg8[%dma_start3A_27, %dma_start3A_28, %dma_start3A_29] : memref<2x8x128xi32, #tpu.memory_space<vmem>> -> memref<1x8x128xi32, #tpu.memory_space<vmem>>
    %dma_start3A_31 = tpu.memref_squeeze %dma_start3A_30 : memref<1x8x128xi32, #tpu.memory_space<vmem>> -> memref<8x128xi32, #tpu.memory_space<vmem>>
    %dma_start3A_32 = arith.constant 0 : i32
    %dma_start3A_33 = tpu.memref_slice %arg4[%add3A_26, %dma_start3A_32] : memref<2560x128xi32, #tpu.memory_space<hbm>> -> memref<8x128xi32, #tpu.memory_space<hbm>>
    %dma_start3A_34 = arith.constant 0 : i32
    %dma_start3A_35 = arith.constant 0 : i32
    %dma_start3A_36 = tpu.memref_slice %arg8[%dma_start3A_27, %dma_start3A_34, %dma_start3A_35] : memref<2x8x128xi32, #tpu.memory_space<vmem>> -> memref<1x8x128xi32, #tpu.memory_space<vmem>>
    %dma_start3A_37 = tpu.memref_squeeze %dma_start3A_36 : memref<1x8x128xi32, #tpu.memory_space<vmem>> -> memref<8x128xi32, #tpu.memory_space<vmem>>
    %dma_start3A_38 = arith.constant 0 : i32
    %dma_start3A_39 = tpu.memref_slice %arg4[%add3A_26, %dma_start3A_38] : memref<2560x128xi32, #tpu.memory_space<hbm>> -> memref<8x128xi32, #tpu.memory_space<hbm>>
    tpu.enqueue_dma source(%dma_start3A_39 : memref<8x128xi32, #tpu.memory_space<hbm>>) target(%dma_start3A_37 : memref<8x128xi32, #tpu.memory_space<vmem>>) target_semaphore(%arg13 : memref<!tpu.dma_semaphore, #tpu.memory_space<semaphore_mem>>)
    %dma_wait3A = arith.constant 0 : i32
    %dma_wait3A_40 = arith.constant 0 : i32
    %dma_wait3A_41 = arith.constant 0 : i32
    %dma_wait3A_42 = tpu.memref_slice %arg7[%dma_wait3A, %dma_wait3A_40, %dma_wait3A_41] : memref<2x8x128xi32, #tpu.memory_space<vmem>> -> memref<1x8x128xi32, #tpu.memory_space<vmem>>
    %dma_wait3A_43 = tpu.memref_squeeze %dma_wait3A_42 : memref<1x8x128xi32, #tpu.memory_space<vmem>> -> memref<8x128xi32, #tpu.memory_space<vmem>>
    %dma_wait3A_44 = arith.constant 0 : i32
    %dma_wait3A_45 = tpu.memref_slice %arg3[%mul3A_9, %dma_wait3A_44] : memref<2560x128xi32, #tpu.memory_space<hbm>> -> memref<8x128xi32, #tpu.memory_space<hbm>>
    %dma_wait3A_46 = arith.constant 0 : i32
    %dma_wait3A_47 = arith.constant 0 : i32
    %dma_wait3A_48 = tpu.memref_slice %arg7[%dma_wait3A, %dma_wait3A_46, %dma_wait3A_47] : memref<2x8x128xi32, #tpu.memory_space<vmem>> -> memref<1x8x128xi32, #tpu.memory_space<vmem>>
    %dma_wait3A_49 = tpu.memref_squeeze %dma_wait3A_48 : memref<1x8x128xi32, #tpu.memory_space<vmem>> -> memref<8x128xi32, #tpu.memory_space<vmem>>
    %dma_wait3A_50 = arith.constant 0 : i32
    %dma_wait3A_51 = tpu.memref_slice %arg3[%mul3A_9, %dma_wait3A_50] : memref<2560x128xi32, #tpu.memory_space<hbm>> -> memref<8x128xi32, #tpu.memory_space<hbm>>
    tpu.wait_dma2 semaphore(%arg13 : memref<!tpu.dma_semaphore, #tpu.memory_space<semaphore_mem>>) src(%dma_wait3A_51 : memref<8x128xi32, #tpu.memory_space<hbm>>) dst(%dma_wait3A_49 : memref<8x128xi32, #tpu.memory_space<vmem>>)
    %dma_wait3A_52 = arith.constant 0 : i32
    %dma_wait3A_53 = arith.constant 0 : i32
    %dma_wait3A_54 = arith.constant 0 : i32
    %dma_wait3A_55 = tpu.memref_slice %arg8[%dma_wait3A_52, %dma_wait3A_53, %dma_wait3A_54] : memref<2x8x128xi32, #tpu.memory_space<vmem>> -> memref<1x8x128xi32, #tpu.memory_space<vmem>>
    %dma_wait3A_56 = tpu.memref_squeeze %dma_wait3A_55 : memref<1x8x128xi32, #tpu.memory_space<vmem>> -> memref<8x128xi32, #tpu.memory_space<vmem>>
    %dma_wait3A_57 = arith.constant 0 : i32
    %dma_wait3A_58 = tpu.memref_slice %arg4[%mul3A_9, %dma_wait3A_57] : memref<2560x128xi32, #tpu.memory_space<hbm>> -> memref<8x128xi32, #tpu.memory_space<hbm>>
    %dma_wait3A_59 = arith.constant 0 : i32
    %dma_wait3A_60 = arith.constant 0 : i32
    %dma_wait3A_61 = tpu.memref_slice %arg8[%dma_wait3A_52, %dma_wait3A_59, %dma_wait3A_60] : memref<2x8x128xi32, #tpu.memory_space<vmem>> -> memref<1x8x128xi32, #tpu.memory_space<vmem>>
    %dma_wait3A_62 = tpu.memref_squeeze %dma_wait3A_61 : memref<1x8x128xi32, #tpu.memory_space<vmem>> -> memref<8x128xi32, #tpu.memory_space<vmem>>
    %dma_wait3A_63 = arith.constant 0 : i32
    %dma_wait3A_64 = tpu.memref_slice %arg4[%mul3A_9, %dma_wait3A_63] : memref<2560x128xi32, #tpu.memory_space<hbm>> -> memref<8x128xi32, #tpu.memory_space<hbm>>
    tpu.wait_dma2 semaphore(%arg13 : memref<!tpu.dma_semaphore, #tpu.memory_space<semaphore_mem>>) src(%dma_wait3A_64 : memref<8x128xi32, #tpu.memory_space<hbm>>) dst(%dma_wait3A_62 : memref<8x128xi32, #tpu.memory_space<vmem>>)
    %add3A_65 = arith.constant 8 : i32
    %add3A_66 = arith.addi %mul3A_9, %add3A_65 : i32
    %dma_start3A_67 = arith.constant 1 : i32
    %dma_start3A_68 = arith.constant 0 : i32
    %dma_start3A_69 = arith.constant 0 : i32
    %dma_start3A_70 = tpu.memref_slice %arg7[%dma_start3A_67, %dma_start3A_68, %dma_start3A_69] : memref<2x8x128xi32, #tpu.memory_space<vmem>> -> memref<1x8x128xi32, #tpu.memory_space<vmem>>
    %dma_start3A_71 = tpu.memref_squeeze %dma_start3A_70 : memref<1x8x128xi32, #tpu.memory_space<vmem>> -> memref<8x128xi32, #tpu.memory_space<vmem>>
    %dma_start3A_72 = arith.constant 0 : i32
    %dma_start3A_73 = tpu.memref_slice %arg3[%add3A_66, %dma_start3A_72] : memref<2560x128xi32, #tpu.memory_space<hbm>> -> memref<8x128xi32, #tpu.memory_space<hbm>>
    %dma_start3A_74 = arith.constant 0 : i32
    %dma_start3A_75 = arith.constant 0 : i32
    %dma_start3A_76 = tpu.memref_slice %arg7[%dma_start3A_67, %dma_start3A_74, %dma_start3A_75] : memref<2x8x128xi32, #tpu.memory_space<vmem>> -> memref<1x8x128xi32, #tpu.memory_space<vmem>>
    %dma_start3A_77 = tpu.memref_squeeze %dma_start3A_76 : memref<1x8x128xi32, #tpu.memory_space<vmem>> -> memref<8x128xi32, #tpu.memory_space<vmem>>
    %dma_start3A_78 = arith.constant 0 : i32
    %dma_start3A_79 = tpu.memref_slice %arg3[%add3A_66, %dma_start3A_78] : memref<2560x128xi32, #tpu.memory_space<hbm>> -> memref<8x128xi32, #tpu.memory_space<hbm>>
    tpu.enqueue_dma source(%dma_start3A_79 : memref<8x128xi32, #tpu.memory_space<hbm>>) target(%dma_start3A_77 : memref<8x128xi32, #tpu.memory_space<vmem>>) target_semaphore(%arg13 : memref<!tpu.dma_semaphore, #tpu.memory_space<semaphore_mem>>)
    %add3A_80 = arith.constant 8 : i32
    %add3A_81 = arith.addi %mul3A_9, %add3A_80 : i32
    %dma_start3A_82 = arith.constant 1 : i32
    %dma_start3A_83 = arith.constant 0 : i32
    %dma_start3A_84 = arith.constant 0 : i32
    %dma_start3A_85 = tpu.memref_slice %arg8[%dma_start3A_82, %dma_start3A_83, %dma_start3A_84] : memref<2x8x128xi32, #tpu.memory_space<vmem>> -> memref<1x8x128xi32, #tpu.memory_space<vmem>>
    %dma_start3A_86 = tpu.memref_squeeze %dma_start3A_85 : memref<1x8x128xi32, #tpu.memory_space<vmem>> -> memref<8x128xi32, #tpu.memory_space<vmem>>
    %dma_start3A_87 = arith.constant 0 : i32
    %dma_start3A_88 = tpu.memref_slice %arg4[%add3A_81, %dma_start3A_87] : memref<2560x128xi32, #tpu.memory_space<hbm>> -> memref<8x128xi32, #tpu.memory_space<hbm>>
    %dma_start3A_89 = arith.constant 0 : i32
    %dma_start3A_90 = arith.constant 0 : i32
    %dma_start3A_91 = tpu.memref_slice %arg8[%dma_start3A_82, %dma_start3A_89, %dma_start3A_90] : memref<2x8x128xi32, #tpu.memory_space<vmem>> -> memref<1x8x128xi32, #tpu.memory_space<vmem>>
    %dma_start3A_92 = tpu.memref_squeeze %dma_start3A_91 : memref<1x8x128xi32, #tpu.memory_space<vmem>> -> memref<8x128xi32, #tpu.memory_space<vmem>>
    %dma_start3A_93 = arith.constant 0 : i32
    %dma_start3A_94 = tpu.memref_slice %arg4[%add3A_81, %dma_start3A_93] : memref<2560x128xi32, #tpu.memory_space<hbm>> -> memref<8x128xi32, #tpu.memory_space<hbm>>
    tpu.enqueue_dma source(%dma_start3A_94 : memref<8x128xi32, #tpu.memory_space<hbm>>) target(%dma_start3A_92 : memref<8x128xi32, #tpu.memory_space<vmem>>) target_semaphore(%arg13 : memref<!tpu.dma_semaphore, #tpu.memory_space<semaphore_mem>>)
    %dma_start3A_95 = arith.constant 0 : i32
    %dma_start3A_96 = arith.constant 0 : i32
    %dma_start3A_97 = arith.constant 0 : i32
    %dma_start3A_98 = arith.constant 0 : i32
    %dma_start3A_99 = tpu.memref_slice %arg9[%dma_start3A_97, %dma_start3A_98] : memref<256x128xf32, #tpu.memory_space<vmem>> -> memref<128x128xf32, #tpu.memory_space<vmem>>
    %dma_start3A_100 = arith.constant 0 : i32
    %dma_start3A_101 = tpu.memref_slice %arg7[%dma_start3A_95, %dma_start3A_96, %dma_start3A_100] : memref<2x8x128xi32, #tpu.memory_space<vmem>> -> memref<1x1x128xi32, #tpu.memory_space<vmem>>
    %dma_start3A_102 = tpu.memref_squeeze %dma_start3A_101 : memref<1x1x128xi32, #tpu.memory_space<vmem>> -> memref<128xi32, #tpu.memory_space<vmem>>
    %dma_start3A_103 = arith.constant 0 : i32
    %dma_start3A_104 = arith.constant 0 : i32
    %dma_start3A_105 = tpu.memref_slice %arg2[%dma_start3A_103, %dma_start3A_104] : memref<10000x128xf32, #tpu.memory_space<hbm>> -> memref<10000x128xf32, #tpu.memory_space<hbm>>
    tpu.enqueue_indirect_dma source(%dma_start3A_105 : memref<10000x128xf32, #tpu.memory_space<hbm>>) target(%dma_start3A_99 : memref<128x128xf32, #tpu.memory_space<vmem>>) offsets(%dma_start3A_102 : memref<128xi32, #tpu.memory_space<vmem>>) semaphore(%arg11 : memref<!tpu.dma_semaphore, #tpu.memory_space<semaphore_mem>>)
    %dma_start3A_106 = arith.constant 0 : i32
    %dma_start3A_107 = arith.constant 1 : i32
    %dma_start3A_108 = arith.constant 128 : i32
    %dma_start3A_109 = arith.constant 0 : i32
    %dma_start3A_110 = tpu.memref_slice %arg9[%dma_start3A_108, %dma_start3A_109] : memref<256x128xf32, #tpu.memory_space<vmem>> -> memref<128x128xf32, #tpu.memory_space<vmem>>
    %dma_start3A_111 = arith.constant 0 : i32
    %dma_start3A_112 = tpu.memref_slice %arg7[%dma_start3A_106, %dma_start3A_107, %dma_start3A_111] : memref<2x8x128xi32, #tpu.memory_space<vmem>> -> memref<1x1x128xi32, #tpu.memory_space<vmem>>
    %dma_start3A_113 = tpu.memref_squeeze %dma_start3A_112 : memref<1x1x128xi32, #tpu.memory_space<vmem>> -> memref<128xi32, #tpu.memory_space<vmem>>
    %dma_start3A_114 = arith.constant 0 : i32
    %dma_start3A_115 = arith.constant 0 : i32
    %dma_start3A_116 = tpu.memref_slice %arg2[%dma_start3A_114, %dma_start3A_115] : memref<10000x128xf32, #tpu.memory_space<hbm>> -> memref<10000x128xf32, #tpu.memory_space<hbm>>
    tpu.enqueue_indirect_dma source(%dma_start3A_116 : memref<10000x128xf32, #tpu.memory_space<hbm>>) target(%dma_start3A_110 : memref<128x128xf32, #tpu.memory_space<vmem>>) offsets(%dma_start3A_113 : memref<128xi32, #tpu.memory_space<vmem>>) semaphore(%arg12 : memref<!tpu.dma_semaphore, #tpu.memory_space<semaphore_mem>>)
    %dma_wait3A_117 = arith.constant 0 : i32
    %dma_wait3A_118 = tpu.memref_slice %arg10[%mul3A_2, %dma_wait3A_117] : memref<10112x128xf32, #tpu.memory_space<vmem_shared>> -> memref<632x128xf32, #tpu.memory_space<vmem_shared>>
    %dma_wait3A_119 = arith.constant 0 : i32
    %dma_wait3A_120 = tpu.memref_slice %arg5[%mul3A_0, %dma_wait3A_119] : memref<10112x128xf32, #tpu.memory_space<hbm>> -> memref<632x128xf32, #tpu.memory_space<hbm>>
    tpu.wait_dma2 semaphore(%arg14 : memref<!tpu.dma_semaphore, #tpu.memory_space<semaphore_mem>>) src(%dma_wait3A_120 : memref<632x128xf32, #tpu.memory_space<hbm>>) dst(%dma_wait3A_118 : memref<632x128xf32, #tpu.memory_space<vmem_shared>>)
    %barrier3A = arith.constant 0 : index
    tpu.barrier barrier_id(%barrier3A)
    %scan3A = arith.constant 0 : i32
    %scan3A_121 = arith.constant 9 : i32
    %scan3A_122 = arith.addi %scan3A, %scan3A_121 : i32
    %scan3A_123 = arith.constant 1 : i32
    scf.for %scan3A_301 = %scan3A to %scan3A_122 step %scan3A_123  : i32 {
      %mul3A_302 = arith.constant 1 : i32
      %mul3A_303 = arith.muli %scan3A_301, %mul3A_302 : i32
      %add3A_304 = arith.constant 0 : i32
      %add3A_305 = arith.addi %add3A_304, %mul3A_303 : i32
      %rem3A = arith.constant 2 : i32
      %rem3A_306 = arith.remsi %add3A_305, %rem3A : i32
      %dma_wait3A_307 = arith.constant 0 : i32
      %dma_wait3A_308 = arith.constant 0 : i32
      %dma_wait3A_309 = arith.constant 0 : i32
      %dma_wait3A_310 = arith.constant 0 : i32
      %dma_wait3A_311 = tpu.memref_slice %arg9[%dma_wait3A_309, %dma_wait3A_310] : memref<256x128xf32, #tpu.memory_space<vmem>> -> memref<128x128xf32, #tpu.memory_space<vmem>>
      %dma_wait3A_312 = arith.constant 0 : i32
      %dma_wait3A_313 = tpu.memref_slice %arg7[%dma_wait3A_307, %dma_wait3A_308, %dma_wait3A_312] : memref<2x8x128xi32, #tpu.memory_space<vmem>> -> memref<1x1x128xi32, #tpu.memory_space<vmem>>
      %dma_wait3A_314 = tpu.memref_squeeze %dma_wait3A_313 : memref<1x1x128xi32, #tpu.memory_space<vmem>> -> memref<128xi32, #tpu.memory_space<vmem>>
      %dma_wait3A_315 = arith.constant 0 : i32
      %dma_wait3A_316 = arith.constant 0 : i32
      %dma_wait3A_317 = tpu.memref_slice %arg2[%dma_wait3A_315, %dma_wait3A_316] : memref<10000x128xf32, #tpu.memory_space<hbm>> -> memref<10000x128xf32, #tpu.memory_space<hbm>>
      tpu.wait_indirect_dma semaphore(%arg11 : memref<!tpu.dma_semaphore, #tpu.memory_space<semaphore_mem>>) src(%dma_wait3A_317 : memref<10000x128xf32, #tpu.memory_space<hbm>>) dst(%dma_wait3A_311 : memref<128x128xf32, #tpu.memory_space<vmem>>)
      %run_scoped3A_318 = arith.constant 0 : i32
      "tpu.region"() ({
        %run_scoped3A_517 = tpu.sem_alloc : memref<!tpu.dma_semaphore, #tpu.memory_space<semaphore_mem>>
        %dma_start3A_518 = arith.constant 0 : i32
        %dma_start3A_519 = arith.constant 0 : i32
        %dma_start3A_520 = tpu.memref_slice %arg9[%dma_start3A_518, %dma_start3A_519] : memref<256x128xf32, #tpu.memory_space<vmem>> -> memref<128x128xf32, #tpu.memory_space<vmem>>
        %dma_start3A_521 = arith.constant 0 : i32
        %dma_start3A_522 = tpu.memref_slice %arg8[%rem3A_306, %run_scoped3A_318, %dma_start3A_521] : memref<2x8x128xi32, #tpu.memory_space<vmem>> -> memref<1x1x128xi32, #tpu.memory_space<vmem>>
        %dma_start3A_523 = tpu.memref_squeeze %dma_start3A_522 : memref<1x1x128xi32, #tpu.memory_space<vmem>> -> memref<128xi32, #tpu.memory_space<vmem>>
        %dma_start3A_524 = arith.constant 0 : i32
        %dma_start3A_525 = arith.constant 0 : i32
        %dma_start3A_526 = tpu.memref_slice %arg10[%dma_start3A_524, %dma_start3A_525] : memref<10112x128xf32, #tpu.memory_space<vmem_shared>> -> memref<10112x128xf32, #tpu.memory_space<vmem_shared>>
        tpu.enqueue_indirect_dma source(%dma_start3A_520 : memref<128x128xf32, #tpu.memory_space<vmem>>) target(%dma_start3A_526 : memref<10112x128xf32, #tpu.memory_space<vmem_shared>>) offsets(%dma_start3A_523 : memref<128xi32, #tpu.memory_space<vmem>>) semaphore(%run_scoped3A_517 : memref<!tpu.dma_semaphore, #tpu.memory_space<semaphore_mem>>) {add = true}
        %dma_wait3A_527 = arith.constant 0 : i32
        %dma_wait3A_528 = arith.constant 0 : i32
        %dma_wait3A_529 = tpu.memref_slice %arg9[%dma_wait3A_527, %dma_wait3A_528] : memref<256x128xf32, #tpu.memory_space<vmem>> -> memref<128x128xf32, #tpu.memory_space<vmem>>
        %dma_wait3A_530 = arith.constant 0 : i32
        %dma_wait3A_531 = tpu.memref_slice %arg8[%rem3A_306, %run_scoped3A_318, %dma_wait3A_530] : memref<2x8x128xi32, #tpu.memory_space<vmem>> -> memref<1x1x128xi32, #tpu.memory_space<vmem>>
        %dma_wait3A_532 = tpu.memref_squeeze %dma_wait3A_531 : memref<1x1x128xi32, #tpu.memory_space<vmem>> -> memref<128xi32, #tpu.memory_space<vmem>>
        %dma_wait3A_533 = arith.constant 0 : i32
        %dma_wait3A_534 = arith.constant 0 : i32
        %dma_wait3A_535 = tpu.memref_slice %arg10[%dma_wait3A_533, %dma_wait3A_534] : memref<10112x128xf32, #tpu.memory_space<vmem_shared>> -> memref<10112x128xf32, #tpu.memory_space<vmem_shared>>
        tpu.wait_indirect_dma semaphore(%run_scoped3A_517 : memref<!tpu.dma_semaphore, #tpu.memory_space<semaphore_mem>>) src(%dma_wait3A_529 : memref<128x128xf32, #tpu.memory_space<vmem>>) dst(%dma_wait3A_535 : memref<10112x128xf32, #tpu.memory_space<vmem_shared>>)
        tpu.yield
      }) : () -> ()
      %dma_start3A_319 = arith.constant 2 : i32
      %dma_start3A_320 = arith.constant 0 : i32
      %dma_start3A_321 = arith.constant 0 : i32
      %dma_start3A_322 = tpu.memref_slice %arg9[%dma_start3A_320, %dma_start3A_321] : memref<256x128xf32, #tpu.memory_space<vmem>> -> memref<128x128xf32, #tpu.memory_space<vmem>>
      %dma_start3A_323 = arith.constant 0 : i32
      %dma_start3A_324 = tpu.memref_slice %arg7[%rem3A_306, %dma_start3A_319, %dma_start3A_323] : memref<2x8x128xi32, #tpu.memory_space<vmem>> -> memref<1x1x128xi32, #tpu.memory_space<vmem>>
      %dma_start3A_325 = tpu.memref_squeeze %dma_start3A_324 : memref<1x1x128xi32, #tpu.memory_space<vmem>> -> memref<128xi32, #tpu.memory_space<vmem>>
      %dma_start3A_326 = arith.constant 0 : i32
      %dma_start3A_327 = arith.constant 0 : i32
      %dma_start3A_328 = tpu.memref_slice %arg2[%dma_start3A_326, %dma_start3A_327] : memref<10000x128xf32, #tpu.memory_space<hbm>> -> memref<10000x128xf32, #tpu.memory_space<hbm>>
      tpu.enqueue_indirect_dma source(%dma_start3A_328 : memref<10000x128xf32, #tpu.memory_space<hbm>>) target(%dma_start3A_322 : memref<128x128xf32, #tpu.memory_space<vmem>>) offsets(%dma_start3A_325 : memref<128xi32, #tpu.memory_space<vmem>>) semaphore(%arg11 : memref<!tpu.dma_semaphore, #tpu.memory_space<semaphore_mem>>)
      %dma_wait3A_329 = arith.constant 0 : i32
      %dma_wait3A_330 = arith.constant 0 : i32
      %dma_wait3A_331 = arith.constant 128 : i32
      %dma_wait3A_332 = arith.constant 0 : i32
      %dma_wait3A_333 = tpu.memref_slice %arg9[%dma_wait3A_331, %dma_wait3A_332] : memref<256x128xf32, #tpu.memory_space<vmem>> -> memref<128x128xf32, #tpu.memory_space<vmem>>
      %dma_wait3A_334 = arith.constant 0 : i32
      %dma_wait3A_335 = tpu.memref_slice %arg7[%dma_wait3A_329, %dma_wait3A_330, %dma_wait3A_334] : memref<2x8x128xi32, #tpu.memory_space<vmem>> -> memref<1x1x128xi32, #tpu.memory_space<vmem>>
      %dma_wait3A_336 = tpu.memref_squeeze %dma_wait3A_335 : memref<1x1x128xi32, #tpu.memory_space<vmem>> -> memref<128xi32, #tpu.memory_space<vmem>>
      %dma_wait3A_337 = arith.constant 0 : i32
      %dma_wait3A_338 = arith.constant 0 : i32
      %dma_wait3A_339 = tpu.memref_slice %arg2[%dma_wait3A_337, %dma_wait3A_338] : memref<10000x128xf32, #tpu.memory_space<hbm>> -> memref<10000x128xf32, #tpu.memory_space<hbm>>
      tpu.wait_indirect_dma semaphore(%arg12 : memref<!tpu.dma_semaphore, #tpu.memory_space<semaphore_mem>>) src(%dma_wait3A_339 : memref<10000x128xf32, #tpu.memory_space<hbm>>) dst(%dma_wait3A_333 : memref<128x128xf32, #tpu.memory_space<vmem>>)
      %run_scoped3A_340 = arith.constant 1 : i32
      "tpu.region"() ({
        %run_scoped3A_517 = tpu.sem_alloc : memref<!tpu.dma_semaphore, #tpu.memory_space<semaphore_mem>>
        %dma_start3A_518 = arith.constant 128 : i32
        %dma_start3A_519 = arith.constant 0 : i32
        %dma_start3A_520 = tpu.memref_slice %arg9[%dma_start3A_518, %dma_start3A_519] : memref<256x128xf32, #tpu.memory_space<vmem>> -> memref<128x128xf32, #tpu.memory_space<vmem>>
        %dma_start3A_521 = arith.constant 0 : i32
        %dma_start3A_522 = tpu.memref_slice %arg8[%rem3A_306, %run_scoped3A_340, %dma_start3A_521] : memref<2x8x128xi32, #tpu.memory_space<vmem>> -> memref<1x1x128xi32, #tpu.memory_space<vmem>>
        %dma_start3A_523 = tpu.memref_squeeze %dma_start3A_522 : memref<1x1x128xi32, #tpu.memory_space<vmem>> -> memref<128xi32, #tpu.memory_space<vmem>>
        %dma_start3A_524 = arith.constant 0 : i32
        %dma_start3A_525 = arith.constant 0 : i32
        %dma_start3A_526 = tpu.memref_slice %arg10[%dma_start3A_524, %dma_start3A_525] : memref<10112x128xf32, #tpu.memory_space<vmem_shared>> -> memref<10112x128xf32, #tpu.memory_space<vmem_shared>>
        tpu.enqueue_indirect_dma source(%dma_start3A_520 : memref<128x128xf32, #tpu.memory_space<vmem>>) target(%dma_start3A_526 : memref<10112x128xf32, #tpu.memory_space<vmem_shared>>) offsets(%dma_start3A_523 : memref<128xi32, #tpu.memory_space<vmem>>) semaphore(%run_scoped3A_517 : memref<!tpu.dma_semaphore, #tpu.memory_space<semaphore_mem>>) {add = true}
        %dma_wait3A_527 = arith.constant 128 : i32
        %dma_wait3A_528 = arith.constant 0 : i32
        %dma_wait3A_529 = tpu.memref_slice %arg9[%dma_wait3A_527, %dma_wait3A_528] : memref<256x128xf32, #tpu.memory_space<vmem>> -> memref<128x128xf32, #tpu.memory_space<vmem>>
        %dma_wait3A_530 = arith.constant 0 : i32
        %dma_wait3A_531 = tpu.memref_slice %arg8[%rem3A_306, %run_scoped3A_340, %dma_wait3A_530] : memref<2x8x128xi32, #tpu.memory_space<vmem>> -> memref<1x1x128xi32, #tpu.memory_space<vmem>>
        %dma_wait3A_532 = tpu.memref_squeeze %dma_wait3A_531 : memref<1x1x128xi32, #tpu.memory_space<vmem>> -> memref<128xi32, #tpu.memory_space<vmem>>
        %dma_wait3A_533 = arith.constant 0 : i32
        %dma_wait3A_534 = arith.constant 0 : i32
        %dma_wait3A_535 = tpu.memref_slice %arg10[%dma_wait3A_533, %dma_wait3A_534] : memref<10112x128xf32, #tpu.memory_space<vmem_shared>> -> memref<10112x128xf32, #tpu.memory_space<vmem_shared>>
        tpu.wait_indirect_dma semaphore(%run_scoped3A_517 : memref<!tpu.dma_semaphore, #tpu.memory_space<semaphore_mem>>) src(%dma_wait3A_529 : memref<128x128xf32, #tpu.memory_space<vmem>>) dst(%dma_wait3A_535 : memref<10112x128xf32, #tpu.memory_space<vmem_shared>>)
        tpu.yield
      }) : () -> ()
      %dma_start3A_341 = arith.constant 3 : i32
      %dma_start3A_342 = arith.constant 128 : i32
      %dma_start3A_343 = arith.constant 0 : i32
      %dma_start3A_344 = tpu.memref_slice %arg9[%dma_start3A_342, %dma_start3A_343] : memref<256x128xf32, #tpu.memory_space<vmem>> -> memref<128x128xf32, #tpu.memory_space<vmem>>
      %dma_start3A_345 = arith.constant 0 : i32
      %dma_start3A_346 = tpu.memref_slice %arg7[%rem3A_306, %dma_start3A_341, %dma_start3A_345] : memref<2x8x128xi32, #tpu.memory_space<vmem>> -> memref<1x1x128xi32, #tpu.memory_space<vmem>>
      %dma_start3A_347 = tpu.memref_squeeze %dma_start3A_346 : memref<1x1x128xi32, #tpu.memory_space<vmem>> -> memref<128xi32, #tpu.memory_space<vmem>>
      %dma_start3A_348 = arith.constant 0 : i32
      %dma_start3A_349 = arith.constant 0 : i32
      %dma_start3A_350 = tpu.memref_slice %arg2[%dma_start3A_348, %dma_start3A_349] : memref<10000x128xf32, #tpu.memory_space<hbm>> -> memref<10000x128xf32, #tpu.memory_space<hbm>>
      tpu.enqueue_indirect_dma source(%dma_start3A_350 : memref<10000x128xf32, #tpu.memory_space<hbm>>) target(%dma_start3A_344 : memref<128x128xf32, #tpu.memory_space<vmem>>) offsets(%dma_start3A_347 : memref<128xi32, #tpu.memory_space<vmem>>) semaphore(%arg12 : memref<!tpu.dma_semaphore, #tpu.memory_space<semaphore_mem>>)
      %dma_wait3A_351 = arith.constant 0 : i32
      %dma_wait3A_352 = arith.constant 0 : i32
      %dma_wait3A_353 = arith.constant 0 : i32
      %dma_wait3A_354 = arith.constant 0 : i32
      %dma_wait3A_355 = tpu.memref_slice %arg9[%dma_wait3A_353, %dma_wait3A_354] : memref<256x128xf32, #tpu.memory_space<vmem>> -> memref<128x128xf32, #tpu.memory_space<vmem>>
      %dma_wait3A_356 = arith.constant 0 : i32
      %dma_wait3A_357 = tpu.memref_slice %arg7[%dma_wait3A_351, %dma_wait3A_352, %dma_wait3A_356] : memref<2x8x128xi32, #tpu.memory_space<vmem>> -> memref<1x1x128xi32, #tpu.memory_space<vmem>>
      %dma_wait3A_358 = tpu.memref_squeeze %dma_wait3A_357 : memref<1x1x128xi32, #tpu.memory_space<vmem>> -> memref<128xi32, #tpu.memory_space<vmem>>
      %dma_wait3A_359 = arith.constant 0 : i32
      %dma_wait3A_360 = arith.constant 0 : i32
      %dma_wait3A_361 = tpu.memref_slice %arg2[%dma_wait3A_359, %dma_wait3A_360] : memref<10000x128xf32, #tpu.memory_space<hbm>> -> memref<10000x128xf32, #tpu.memory_space<hbm>>
      tpu.wait_indirect_dma semaphore(%arg11 : memref<!tpu.dma_semaphore, #tpu.memory_space<semaphore_mem>>) src(%dma_wait3A_361 : memref<10000x128xf32, #tpu.memory_space<hbm>>) dst(%dma_wait3A_355 : memref<128x128xf32, #tpu.memory_space<vmem>>)
      %run_scoped3A_362 = arith.constant 2 : i32
      "tpu.region"() ({
        %run_scoped3A_517 = tpu.sem_alloc : memref<!tpu.dma_semaphore, #tpu.memory_space<semaphore_mem>>
        %dma_start3A_518 = arith.constant 0 : i32
        %dma_start3A_519 = arith.constant 0 : i32
        %dma_start3A_520 = tpu.memref_slice %arg9[%dma_start3A_518, %dma_start3A_519] : memref<256x128xf32, #tpu.memory_space<vmem>> -> memref<128x128xf32, #tpu.memory_space<vmem>>
        %dma_start3A_521 = arith.constant 0 : i32
        %dma_start3A_522 = tpu.memref_slice %arg8[%rem3A_306, %run_scoped3A_362, %dma_start3A_521] : memref<2x8x128xi32, #tpu.memory_space<vmem>> -> memref<1x1x128xi32, #tpu.memory_space<vmem>>
        %dma_start3A_523 = tpu.memref_squeeze %dma_start3A_522 : memref<1x1x128xi32, #tpu.memory_space<vmem>> -> memref<128xi32, #tpu.memory_space<vmem>>
        %dma_start3A_524 = arith.constant 0 : i32
        %dma_start3A_525 = arith.constant 0 : i32
        %dma_start3A_526 = tpu.memref_slice %arg10[%dma_start3A_524, %dma_start3A_525] : memref<10112x128xf32, #tpu.memory_space<vmem_shared>> -> memref<10112x128xf32, #tpu.memory_space<vmem_shared>>
        tpu.enqueue_indirect_dma source(%dma_start3A_520 : memref<128x128xf32, #tpu.memory_space<vmem>>) target(%dma_start3A_526 : memref<10112x128xf32, #tpu.memory_space<vmem_shared>>) offsets(%dma_start3A_523 : memref<128xi32, #tpu.memory_space<vmem>>) semaphore(%run_scoped3A_517 : memref<!tpu.dma_semaphore, #tpu.memory_space<semaphore_mem>>) {add = true}
        %dma_wait3A_527 = arith.constant 0 : i32
        %dma_wait3A_528 = arith.constant 0 : i32
        %dma_wait3A_529 = tpu.memref_slice %arg9[%dma_wait3A_527, %dma_wait3A_528] : memref<256x128xf32, #tpu.memory_space<vmem>> -> memref<128x128xf32, #tpu.memory_space<vmem>>
        %dma_wait3A_530 = arith.constant 0 : i32
        %dma_wait3A_531 = tpu.memref_slice %arg8[%rem3A_306, %run_scoped3A_362, %dma_wait3A_530] : memref<2x8x128xi32, #tpu.memory_space<vmem>> -> memref<1x1x128xi32, #tpu.memory_space<vmem>>
        %dma_wait3A_532 = tpu.memref_squeeze %dma_wait3A_531 : memref<1x1x128xi32, #tpu.memory_space<vmem>> -> memref<128xi32, #tpu.memory_space<vmem>>
        %dma_wait3A_533 = arith.constant 0 : i32
        %dma_wait3A_534 = arith.constant 0 : i32
        %dma_wait3A_535 = tpu.memref_slice %arg10[%dma_wait3A_533, %dma_wait3A_534] : memref<10112x128xf32, #tpu.memory_space<vmem_shared>> -> memref<10112x128xf32, #tpu.memory_space<vmem_shared>>
        tpu.wait_indirect_dma semaphore(%run_scoped3A_517 : memref<!tpu.dma_semaphore, #tpu.memory_space<semaphore_mem>>) src(%dma_wait3A_529 : memref<128x128xf32, #tpu.memory_space<vmem>>) dst(%dma_wait3A_535 : memref<10112x128xf32, #tpu.memory_space<vmem_shared>>)
        tpu.yield
      }) : () -> ()
      %dma_start3A_363 = arith.constant 4 : i32
      %dma_start3A_364 = arith.constant 0 : i32
      %dma_start3A_365 = arith.constant 0 : i32
      %dma_start3A_366 = tpu.memref_slice %arg9[%dma_start3A_364, %dma_start3A_365] : memref<256x128xf32, #tpu.memory_space<vmem>> -> memref<128x128xf32, #tpu.memory_space<vmem>>
      %dma_start3A_367 = arith.constant 0 : i32
      %dma_start3A_368 = tpu.memref_slice %arg7[%rem3A_306, %dma_start3A_363, %dma_start3A_367] : memref<2x8x128xi32, #tpu.memory_space<vmem>> -> memref<1x1x128xi32, #tpu.memory_space<vmem>>
      %dma_start3A_369 = tpu.memref_squeeze %dma_start3A_368 : memref<1x1x128xi32, #tpu.memory_space<vmem>> -> memref<128xi32, #tpu.memory_space<vmem>>
      %dma_start3A_370 = arith.constant 0 : i32
      %dma_start3A_371 = arith.constant 0 : i32
      %dma_start3A_372 = tpu.memref_slice %arg2[%dma_start3A_370, %dma_start3A_371] : memref<10000x128xf32, #tpu.memory_space<hbm>> -> memref<10000x128xf32, #tpu.memory_space<hbm>>
      tpu.enqueue_indirect_dma source(%dma_start3A_372 : memref<10000x128xf32, #tpu.memory_space<hbm>>) target(%dma_start3A_366 : memref<128x128xf32, #tpu.memory_space<vmem>>) offsets(%dma_start3A_369 : memref<128xi32, #tpu.memory_space<vmem>>) semaphore(%arg11 : memref<!tpu.dma_semaphore, #tpu.memory_space<semaphore_mem>>)
      %dma_wait3A_373 = arith.constant 0 : i32
      %dma_wait3A_374 = arith.constant 0 : i32
      %dma_wait3A_375 = arith.constant 128 : i32
      %dma_wait3A_376 = arith.constant 0 : i32
      %dma_wait3A_377 = tpu.memref_slice %arg9[%dma_wait3A_375, %dma_wait3A_376] : memref<256x128xf32, #tpu.memory_space<vmem>> -> memref<128x128xf32, #tpu.memory_space<vmem>>
      %dma_wait3A_378 = arith.constant 0 : i32
      %dma_wait3A_379 = tpu.memref_slice %arg7[%dma_wait3A_373, %dma_wait3A_374, %dma_wait3A_378] : memref<2x8x128xi32, #tpu.memory_space<vmem>> -> memref<1x1x128xi32, #tpu.memory_space<vmem>>
      %dma_wait3A_380 = tpu.memref_squeeze %dma_wait3A_379 : memref<1x1x128xi32, #tpu.memory_space<vmem>> -> memref<128xi32, #tpu.memory_space<vmem>>
      %dma_wait3A_381 = arith.constant 0 : i32
      %dma_wait3A_382 = arith.constant 0 : i32
      %dma_wait3A_383 = tpu.memref_slice %arg2[%dma_wait3A_381, %dma_wait3A_382] : memref<10000x128xf32, #tpu.memory_space<hbm>> -> memref<10000x128xf32, #tpu.memory_space<hbm>>
      tpu.wait_indirect_dma semaphore(%arg12 : memref<!tpu.dma_semaphore, #tpu.memory_space<semaphore_mem>>) src(%dma_wait3A_383 : memref<10000x128xf32, #tpu.memory_space<hbm>>) dst(%dma_wait3A_377 : memref<128x128xf32, #tpu.memory_space<vmem>>)
      %run_scoped3A_384 = arith.constant 3 : i32
      "tpu.region"() ({
        %run_scoped3A_517 = tpu.sem_alloc : memref<!tpu.dma_semaphore, #tpu.memory_space<semaphore_mem>>
        %dma_start3A_518 = arith.constant 128 : i32
        %dma_start3A_519 = arith.constant 0 : i32
        %dma_start3A_520 = tpu.memref_slice %arg9[%dma_start3A_518, %dma_start3A_519] : memref<256x128xf32, #tpu.memory_space<vmem>> -> memref<128x128xf32, #tpu.memory_space<vmem>>
        %dma_start3A_521 = arith.constant 0 : i32
        %dma_start3A_522 = tpu.memref_slice %arg8[%rem3A_306, %run_scoped3A_384, %dma_start3A_521] : memref<2x8x128xi32, #tpu.memory_space<vmem>> -> memref<1x1x128xi32, #tpu.memory_space<vmem>>
        %dma_start3A_523 = tpu.memref_squeeze %dma_start3A_522 : memref<1x1x128xi32, #tpu.memory_space<vmem>> -> memref<128xi32, #tpu.memory_space<vmem>>
        %dma_start3A_524 = arith.constant 0 : i32
        %dma_start3A_525 = arith.constant 0 : i32
        %dma_start3A_526 = tpu.memref_slice %arg10[%dma_start3A_524, %dma_start3A_525] : memref<10112x128xf32, #tpu.memory_space<vmem_shared>> -> memref<10112x128xf32, #tpu.memory_space<vmem_shared>>
        tpu.enqueue_indirect_dma source(%dma_start3A_520 : memref<128x128xf32, #tpu.memory_space<vmem>>) target(%dma_start3A_526 : memref<10112x128xf32, #tpu.memory_space<vmem_shared>>) offsets(%dma_start3A_523 : memref<128xi32, #tpu.memory_space<vmem>>) semaphore(%run_scoped3A_517 : memref<!tpu.dma_semaphore, #tpu.memory_space<semaphore_mem>>) {add = true}
        %dma_wait3A_527 = arith.constant 128 : i32
        %dma_wait3A_528 = arith.constant 0 : i32
        %dma_wait3A_529 = tpu.memref_slice %arg9[%dma_wait3A_527, %dma_wait3A_528] : memref<256x128xf32, #tpu.memory_space<vmem>> -> memref<128x128xf32, #tpu.memory_space<vmem>>
        %dma_wait3A_530 = arith.constant 0 : i32
        %dma_wait3A_531 = tpu.memref_slice %arg8[%rem3A_306, %run_scoped3A_384, %dma_wait3A_530] : memref<2x8x128xi32, #tpu.memory_space<vmem>> -> memref<1x1x128xi32, #tpu.memory_space<vmem>>
        %dma_wait3A_532 = tpu.memref_squeeze %dma_wait3A_531 : memref<1x1x128xi32, #tpu.memory_space<vmem>> -> memref<128xi32, #tpu.memory_space<vmem>>
        %dma_wait3A_533 = arith.constant 0 : i32
        %dma_wait3A_534 = arith.constant 0 : i32
        %dma_wait3A_535 = tpu.memref_slice %arg10[%dma_wait3A_533, %dma_wait3A_534] : memref<10112x128xf32, #tpu.memory_space<vmem_shared>> -> memref<10112x128xf32, #tpu.memory_space<vmem_shared>>
        tpu.wait_indirect_dma semaphore(%run_scoped3A_517 : memref<!tpu.dma_semaphore, #tpu.memory_space<semaphore_mem>>) src(%dma_wait3A_529 : memref<128x128xf32, #tpu.memory_space<vmem>>) dst(%dma_wait3A_535 : memref<10112x128xf32, #tpu.memory_space<vmem_shared>>)
        tpu.yield
      }) : () -> ()
      %dma_start3A_385 = arith.constant 5 : i32
      %dma_start3A_386 = arith.constant 128 : i32
      %dma_start3A_387 = arith.constant 0 : i32
      %dma_start3A_388 = tpu.memref_slice %arg9[%dma_start3A_386, %dma_start3A_387] : memref<256x128xf32, #tpu.memory_space<vmem>> -> memref<128x128xf32, #tpu.memory_space<vmem>>
      %dma_start3A_389 = arith.constant 0 : i32
      %dma_start3A_390 = tpu.memref_slice %arg7[%rem3A_306, %dma_start3A_385, %dma_start3A_389] : memref<2x8x128xi32, #tpu.memory_space<vmem>> -> memref<1x1x128xi32, #tpu.memory_space<vmem>>
      %dma_start3A_391 = tpu.memref_squeeze %dma_start3A_390 : memref<1x1x128xi32, #tpu.memory_space<vmem>> -> memref<128xi32, #tpu.memory_space<vmem>>
      %dma_start3A_392 = arith.constant 0 : i32
      %dma_start3A_393 = arith.constant 0 : i32
      %dma_start3A_394 = tpu.memref_slice %arg2[%dma_start3A_392, %dma_start3A_393] : memref<10000x128xf32, #tpu.memory_space<hbm>> -> memref<10000x128xf32, #tpu.memory_space<hbm>>
      tpu.enqueue_indirect_dma source(%dma_start3A_394 : memref<10000x128xf32, #tpu.memory_space<hbm>>) target(%dma_start3A_388 : memref<128x128xf32, #tpu.memory_space<vmem>>) offsets(%dma_start3A_391 : memref<128xi32, #tpu.memory_space<vmem>>) semaphore(%arg12 : memref<!tpu.dma_semaphore, #tpu.memory_space<semaphore_mem>>)
      %dma_wait3A_395 = arith.constant 0 : i32
      %dma_wait3A_396 = arith.constant 0 : i32
      %dma_wait3A_397 = arith.constant 0 : i32
      %dma_wait3A_398 = arith.constant 0 : i32
      %dma_wait3A_399 = tpu.memref_slice %arg9[%dma_wait3A_397, %dma_wait3A_398] : memref<256x128xf32, #tpu.memory_space<vmem>> -> memref<128x128xf32, #tpu.memory_space<vmem>>
      %dma_wait3A_400 = arith.constant 0 : i32
      %dma_wait3A_401 = tpu.memref_slice %arg7[%dma_wait3A_395, %dma_wait3A_396, %dma_wait3A_400] : memref<2x8x128xi32, #tpu.memory_space<vmem>> -> memref<1x1x128xi32, #tpu.memory_space<vmem>>
      %dma_wait3A_402 = tpu.memref_squeeze %dma_wait3A_401 : memref<1x1x128xi32, #tpu.memory_space<vmem>> -> memref<128xi32, #tpu.memory_space<vmem>>
      %dma_wait3A_403 = arith.constant 0 : i32
      %dma_wait3A_404 = arith.constant 0 : i32
      %dma_wait3A_405 = tpu.memref_slice %arg2[%dma_wait3A_403, %dma_wait3A_404] : memref<10000x128xf32, #tpu.memory_space<hbm>> -> memref<10000x128xf32, #tpu.memory_space<hbm>>
      tpu.wait_indirect_dma semaphore(%arg11 : memref<!tpu.dma_semaphore, #tpu.memory_space<semaphore_mem>>) src(%dma_wait3A_405 : memref<10000x128xf32, #tpu.memory_space<hbm>>) dst(%dma_wait3A_399 : memref<128x128xf32, #tpu.memory_space<vmem>>)
      %run_scoped3A_406 = arith.constant 4 : i32
      "tpu.region"() ({
        %run_scoped3A_517 = tpu.sem_alloc : memref<!tpu.dma_semaphore, #tpu.memory_space<semaphore_mem>>
        %dma_start3A_518 = arith.constant 0 : i32
        %dma_start3A_519 = arith.constant 0 : i32
        %dma_start3A_520 = tpu.memref_slice %arg9[%dma_start3A_518, %dma_start3A_519] : memref<256x128xf32, #tpu.memory_space<vmem>> -> memref<128x128xf32, #tpu.memory_space<vmem>>
        %dma_start3A_521 = arith.constant 0 : i32
        %dma_start3A_522 = tpu.memref_slice %arg8[%rem3A_306, %run_scoped3A_406, %dma_start3A_521] : memref<2x8x128xi32, #tpu.memory_space<vmem>> -> memref<1x1x128xi32, #tpu.memory_space<vmem>>
        %dma_start3A_523 = tpu.memref_squeeze %dma_start3A_522 : memref<1x1x128xi32, #tpu.memory_space<vmem>> -> memref<128xi32, #tpu.memory_space<vmem>>
        %dma_start3A_524 = arith.constant 0 : i32
        %dma_start3A_525 = arith.constant 0 : i32
        %dma_start3A_526 = tpu.memref_slice %arg10[%dma_start3A_524, %dma_start3A_525] : memref<10112x128xf32, #tpu.memory_space<vmem_shared>> -> memref<10112x128xf32, #tpu.memory_space<vmem_shared>>
        tpu.enqueue_indirect_dma source(%dma_start3A_520 : memref<128x128xf32, #tpu.memory_space<vmem>>) target(%dma_start3A_526 : memref<10112x128xf32, #tpu.memory_space<vmem_shared>>) offsets(%dma_start3A_523 : memref<128xi32, #tpu.memory_space<vmem>>) semaphore(%run_scoped3A_517 : memref<!tpu.dma_semaphore, #tpu.memory_space<semaphore_mem>>) {add = true}
        %dma_wait3A_527 = arith.constant 0 : i32
        %dma_wait3A_528 = arith.constant 0 : i32
        %dma_wait3A_529 = tpu.memref_slice %arg9[%dma_wait3A_527, %dma_wait3A_528] : memref<256x128xf32, #tpu.memory_space<vmem>> -> memref<128x128xf32, #tpu.memory_space<vmem>>
        %dma_wait3A_530 = arith.constant 0 : i32
        %dma_wait3A_531 = tpu.memref_slice %arg8[%rem3A_306, %run_scoped3A_406, %dma_wait3A_530] : memref<2x8x128xi32, #tpu.memory_space<vmem>> -> memref<1x1x128xi32, #tpu.memory_space<vmem>>
        %dma_wait3A_532 = tpu.memref_squeeze %dma_wait3A_531 : memref<1x1x128xi32, #tpu.memory_space<vmem>> -> memref<128xi32, #tpu.memory_space<vmem>>
        %dma_wait3A_533 = arith.constant 0 : i32
        %dma_wait3A_534 = arith.constant 0 : i32
        %dma_wait3A_535 = tpu.memref_slice %arg10[%dma_wait3A_533, %dma_wait3A_534] : memref<10112x128xf32, #tpu.memory_space<vmem_shared>> -> memref<10112x128xf32, #tpu.memory_space<vmem_shared>>
        tpu.wait_indirect_dma semaphore(%run_scoped3A_517 : memref<!tpu.dma_semaphore, #tpu.memory_space<semaphore_mem>>) src(%dma_wait3A_529 : memref<128x128xf32, #tpu.memory_space<vmem>>) dst(%dma_wait3A_535 : memref<10112x128xf32, #tpu.memory_space<vmem_shared>>)
        tpu.yield
      }) : () -> ()
      %dma_start3A_407 = arith.constant 6 : i32
      %dma_start3A_408 = arith.constant 0 : i32
      %dma_start3A_409 = arith.constant 0 : i32
      %dma_start3A_410 = tpu.memref_slice %arg9[%dma_start3A_408, %dma_start3A_409] : memref<256x128xf32, #tpu.memory_space<vmem>> -> memref<128x128xf32, #tpu.memory_space<vmem>>
      %dma_start3A_411 = arith.constant 0 : i32
      %dma_start3A_412 = tpu.memref_slice %arg7[%rem3A_306, %dma_start3A_407, %dma_start3A_411] : memref<2x8x128xi32, #tpu.memory_space<vmem>> -> memref<1x1x128xi32, #tpu.memory_space<vmem>>
      %dma_start3A_413 = tpu.memref_squeeze %dma_start3A_412 : memref<1x1x128xi32, #tpu.memory_space<vmem>> -> memref<128xi32, #tpu.memory_space<vmem>>
      %dma_start3A_414 = arith.constant 0 : i32
      %dma_start3A_415 = arith.constant 0 : i32
      %dma_start3A_416 = tpu.memref_slice %arg2[%dma_start3A_414, %dma_start3A_415] : memref<10000x128xf32, #tpu.memory_space<hbm>> -> memref<10000x128xf32, #tpu.memory_space<hbm>>
      tpu.enqueue_indirect_dma source(%dma_start3A_416 : memref<10000x128xf32, #tpu.memory_space<hbm>>) target(%dma_start3A_410 : memref<128x128xf32, #tpu.memory_space<vmem>>) offsets(%dma_start3A_413 : memref<128xi32, #tpu.memory_space<vmem>>) semaphore(%arg11 : memref<!tpu.dma_semaphore, #tpu.memory_space<semaphore_mem>>)
      %dma_wait3A_417 = arith.constant 0 : i32
      %dma_wait3A_418 = arith.constant 0 : i32
      %dma_wait3A_419 = arith.constant 128 : i32
      %dma_wait3A_420 = arith.constant 0 : i32
      %dma_wait3A_421 = tpu.memref_slice %arg9[%dma_wait3A_419, %dma_wait3A_420] : memref<256x128xf32, #tpu.memory_space<vmem>> -> memref<128x128xf32, #tpu.memory_space<vmem>>
      %dma_wait3A_422 = arith.constant 0 : i32
      %dma_wait3A_423 = tpu.memref_slice %arg7[%dma_wait3A_417, %dma_wait3A_418, %dma_wait3A_422] : memref<2x8x128xi32, #tpu.memory_space<vmem>> -> memref<1x1x128xi32, #tpu.memory_space<vmem>>
      %dma_wait3A_424 = tpu.memref_squeeze %dma_wait3A_423 : memref<1x1x128xi32, #tpu.memory_space<vmem>> -> memref<128xi32, #tpu.memory_space<vmem>>
      %dma_wait3A_425 = arith.constant 0 : i32
      %dma_wait3A_426 = arith.constant 0 : i32
      %dma_wait3A_427 = tpu.memref_slice %arg2[%dma_wait3A_425, %dma_wait3A_426] : memref<10000x128xf32, #tpu.memory_space<hbm>> -> memref<10000x128xf32, #tpu.memory_space<hbm>>
      tpu.wait_indirect_dma semaphore(%arg12 : memref<!tpu.dma_semaphore, #tpu.memory_space<semaphore_mem>>) src(%dma_wait3A_427 : memref<10000x128xf32, #tpu.memory_space<hbm>>) dst(%dma_wait3A_421 : memref<128x128xf32, #tpu.memory_space<vmem>>)
      %run_scoped3A_428 = arith.constant 5 : i32
      "tpu.region"() ({
        %run_scoped3A_517 = tpu.sem_alloc : memref<!tpu.dma_semaphore, #tpu.memory_space<semaphore_mem>>
        %dma_start3A_518 = arith.constant 128 : i32
        %dma_start3A_519 = arith.constant 0 : i32
        %dma_start3A_520 = tpu.memref_slice %arg9[%dma_start3A_518, %dma_start3A_519] : memref<256x128xf32, #tpu.memory_space<vmem>> -> memref<128x128xf32, #tpu.memory_space<vmem>>
        %dma_start3A_521 = arith.constant 0 : i32
        %dma_start3A_522 = tpu.memref_slice %arg8[%rem3A_306, %run_scoped3A_428, %dma_start3A_521] : memref<2x8x128xi32, #tpu.memory_space<vmem>> -> memref<1x1x128xi32, #tpu.memory_space<vmem>>
        %dma_start3A_523 = tpu.memref_squeeze %dma_start3A_522 : memref<1x1x128xi32, #tpu.memory_space<vmem>> -> memref<128xi32, #tpu.memory_space<vmem>>
        %dma_start3A_524 = arith.constant 0 : i32
        %dma_start3A_525 = arith.constant 0 : i32
        %dma_start3A_526 = tpu.memref_slice %arg10[%dma_start3A_524, %dma_start3A_525] : memref<10112x128xf32, #tpu.memory_space<vmem_shared>> -> memref<10112x128xf32, #tpu.memory_space<vmem_shared>>
        tpu.enqueue_indirect_dma source(%dma_start3A_520 : memref<128x128xf32, #tpu.memory_space<vmem>>) target(%dma_start3A_526 : memref<10112x128xf32, #tpu.memory_space<vmem_shared>>) offsets(%dma_start3A_523 : memref<128xi32, #tpu.memory_space<vmem>>) semaphore(%run_scoped3A_517 : memref<!tpu.dma_semaphore, #tpu.memory_space<semaphore_mem>>) {add = true}
        %dma_wait3A_527 = arith.constant 128 : i32
        %dma_wait3A_528 = arith.constant 0 : i32
        %dma_wait3A_529 = tpu.memref_slice %arg9[%dma_wait3A_527, %dma_wait3A_528] : memref<256x128xf32, #tpu.memory_space<vmem>> -> memref<128x128xf32, #tpu.memory_space<vmem>>
        %dma_wait3A_530 = arith.constant 0 : i32
        %dma_wait3A_531 = tpu.memref_slice %arg8[%rem3A_306, %run_scoped3A_428, %dma_wait3A_530] : memref<2x8x128xi32, #tpu.memory_space<vmem>> -> memref<1x1x128xi32, #tpu.memory_space<vmem>>
        %dma_wait3A_532 = tpu.memref_squeeze %dma_wait3A_531 : memref<1x1x128xi32, #tpu.memory_space<vmem>> -> memref<128xi32, #tpu.memory_space<vmem>>
        %dma_wait3A_533 = arith.constant 0 : i32
        %dma_wait3A_534 = arith.constant 0 : i32
        %dma_wait3A_535 = tpu.memref_slice %arg10[%dma_wait3A_533, %dma_wait3A_534] : memref<10112x128xf32, #tpu.memory_space<vmem_shared>> -> memref<10112x128xf32, #tpu.memory_space<vmem_shared>>
        tpu.wait_indirect_dma semaphore(%run_scoped3A_517 : memref<!tpu.dma_semaphore, #tpu.memory_space<semaphore_mem>>) src(%dma_wait3A_529 : memref<128x128xf32, #tpu.memory_space<vmem>>) dst(%dma_wait3A_535 : memref<10112x128xf32, #tpu.memory_space<vmem_shared>>)
        tpu.yield
      }) : () -> ()
      %dma_start3A_429 = arith.constant 7 : i32
      %dma_start3A_430 = arith.constant 128 : i32
      %dma_start3A_431 = arith.constant 0 : i32
      %dma_start3A_432 = tpu.memref_slice %arg9[%dma_start3A_430, %dma_start3A_431] : memref<256x128xf32, #tpu.memory_space<vmem>> -> memref<128x128xf32, #tpu.memory_space<vmem>>
      %dma_start3A_433 = arith.constant 0 : i32
      %dma_start3A_434 = tpu.memref_slice %arg7[%rem3A_306, %dma_start3A_429, %dma_start3A_433] : memref<2x8x128xi32, #tpu.memory_space<vmem>> -> memref<1x1x128xi32, #tpu.memory_space<vmem>>
      %dma_start3A_435 = tpu.memref_squeeze %dma_start3A_434 : memref<1x1x128xi32, #tpu.memory_space<vmem>> -> memref<128xi32, #tpu.memory_space<vmem>>
      %dma_start3A_436 = arith.constant 0 : i32
      %dma_start3A_437 = arith.constant 0 : i32
      %dma_start3A_438 = tpu.memref_slice %arg2[%dma_start3A_436, %dma_start3A_437] : memref<10000x128xf32, #tpu.memory_space<hbm>> -> memref<10000x128xf32, #tpu.memory_space<hbm>>
      tpu.enqueue_indirect_dma source(%dma_start3A_438 : memref<10000x128xf32, #tpu.memory_space<hbm>>) target(%dma_start3A_432 : memref<128x128xf32, #tpu.memory_space<vmem>>) offsets(%dma_start3A_435 : memref<128xi32, #tpu.memory_space<vmem>>) semaphore(%arg12 : memref<!tpu.dma_semaphore, #tpu.memory_space<semaphore_mem>>)
      %dma_wait3A_439 = arith.constant 0 : i32
      %dma_wait3A_440 = arith.constant 0 : i32
      %dma_wait3A_441 = arith.constant 0 : i32
      %dma_wait3A_442 = arith.constant 0 : i32
      %dma_wait3A_443 = tpu.memref_slice %arg9[%dma_wait3A_441, %dma_wait3A_442] : memref<256x128xf32, #tpu.memory_space<vmem>> -> memref<128x128xf32, #tpu.memory_space<vmem>>
      %dma_wait3A_444 = arith.constant 0 : i32
      %dma_wait3A_445 = tpu.memref_slice %arg7[%dma_wait3A_439, %dma_wait3A_440, %dma_wait3A_444] : memref<2x8x128xi32, #tpu.memory_space<vmem>> -> memref<1x1x128xi32, #tpu.memory_space<vmem>>
      %dma_wait3A_446 = tpu.memref_squeeze %dma_wait3A_445 : memref<1x1x128xi32, #tpu.memory_space<vmem>> -> memref<128xi32, #tpu.memory_space<vmem>>
      %dma_wait3A_447 = arith.constant 0 : i32
      %dma_wait3A_448 = arith.constant 0 : i32
      %dma_wait3A_449 = tpu.memref_slice %arg2[%dma_wait3A_447, %dma_wait3A_448] : memref<10000x128xf32, #tpu.memory_space<hbm>> -> memref<10000x128xf32, #tpu.memory_space<hbm>>
      tpu.wait_indirect_dma semaphore(%arg11 : memref<!tpu.dma_semaphore, #tpu.memory_space<semaphore_mem>>) src(%dma_wait3A_449 : memref<10000x128xf32, #tpu.memory_space<hbm>>) dst(%dma_wait3A_443 : memref<128x128xf32, #tpu.memory_space<vmem>>)
      %run_scoped3A_450 = arith.constant 6 : i32
      "tpu.region"() ({
        %run_scoped3A_517 = tpu.sem_alloc : memref<!tpu.dma_semaphore, #tpu.memory_space<semaphore_mem>>
        %dma_start3A_518 = arith.constant 0 : i32
        %dma_start3A_519 = arith.constant 0 : i32
        %dma_start3A_520 = tpu.memref_slice %arg9[%dma_start3A_518, %dma_start3A_519] : memref<256x128xf32, #tpu.memory_space<vmem>> -> memref<128x128xf32, #tpu.memory_space<vmem>>
        %dma_start3A_521 = arith.constant 0 : i32
        %dma_start3A_522 = tpu.memref_slice %arg8[%rem3A_306, %run_scoped3A_450, %dma_start3A_521] : memref<2x8x128xi32, #tpu.memory_space<vmem>> -> memref<1x1x128xi32, #tpu.memory_space<vmem>>
        %dma_start3A_523 = tpu.memref_squeeze %dma_start3A_522 : memref<1x1x128xi32, #tpu.memory_space<vmem>> -> memref<128xi32, #tpu.memory_space<vmem>>
        %dma_start3A_524 = arith.constant 0 : i32
        %dma_start3A_525 = arith.constant 0 : i32
        %dma_start3A_526 = tpu.memref_slice %arg10[%dma_start3A_524, %dma_start3A_525] : memref<10112x128xf32, #tpu.memory_space<vmem_shared>> -> memref<10112x128xf32, #tpu.memory_space<vmem_shared>>
        tpu.enqueue_indirect_dma source(%dma_start3A_520 : memref<128x128xf32, #tpu.memory_space<vmem>>) target(%dma_start3A_526 : memref<10112x128xf32, #tpu.memory_space<vmem_shared>>) offsets(%dma_start3A_523 : memref<128xi32, #tpu.memory_space<vmem>>) semaphore(%run_scoped3A_517 : memref<!tpu.dma_semaphore, #tpu.memory_space<semaphore_mem>>) {add = true}
        %dma_wait3A_527 = arith.constant 0 : i32
        %dma_wait3A_528 = arith.constant 0 : i32
        %dma_wait3A_529 = tpu.memref_slice %arg9[%dma_wait3A_527, %dma_wait3A_528] : memref<256x128xf32, #tpu.memory_space<vmem>> -> memref<128x128xf32, #tpu.memory_space<vmem>>
        %dma_wait3A_530 = arith.constant 0 : i32
        %dma_wait3A_531 = tpu.memref_slice %arg8[%rem3A_306, %run_scoped3A_450, %dma_wait3A_530] : memref<2x8x128xi32, #tpu.memory_space<vmem>> -> memref<1x1x128xi32, #tpu.memory_space<vmem>>
        %dma_wait3A_532 = tpu.memref_squeeze %dma_wait3A_531 : memref<1x1x128xi32, #tpu.memory_space<vmem>> -> memref<128xi32, #tpu.memory_space<vmem>>
        %dma_wait3A_533 = arith.constant 0 : i32
        %dma_wait3A_534 = arith.constant 0 : i32
        %dma_wait3A_535 = tpu.memref_slice %arg10[%dma_wait3A_533, %dma_wait3A_534] : memref<10112x128xf32, #tpu.memory_space<vmem_shared>> -> memref<10112x128xf32, #tpu.memory_space<vmem_shared>>
        tpu.wait_indirect_dma semaphore(%run_scoped3A_517 : memref<!tpu.dma_semaphore, #tpu.memory_space<semaphore_mem>>) src(%dma_wait3A_529 : memref<128x128xf32, #tpu.memory_space<vmem>>) dst(%dma_wait3A_535 : memref<10112x128xf32, #tpu.memory_space<vmem_shared>>)
        tpu.yield
      }) : () -> ()
      %dma_wait3A_451 = arith.constant 0 : i32
      %dma_wait3A_452 = arith.constant 0 : i32
      %dma_wait3A_453 = arith.constant 0 : i32
      %dma_wait3A_454 = tpu.memref_slice %arg7[%dma_wait3A_451, %dma_wait3A_452, %dma_wait3A_453] : memref<2x8x128xi32, #tpu.memory_space<vmem>> -> memref<1x8x128xi32, #tpu.memory_space<vmem>>
      %dma_wait3A_455 = tpu.memref_squeeze %dma_wait3A_454 : memref<1x8x128xi32, #tpu.memory_space<vmem>> -> memref<8x128xi32, #tpu.memory_space<vmem>>
      %dma_wait3A_456 = arith.constant 0 : i32
      %dma_wait3A_457 = tpu.memref_slice %arg3[%mul3A_9, %dma_wait3A_456] : memref<2560x128xi32, #tpu.memory_space<hbm>> -> memref<8x128xi32, #tpu.memory_space<hbm>>
      %dma_wait3A_458 = arith.constant 0 : i32
      %dma_wait3A_459 = arith.constant 0 : i32
      %dma_wait3A_460 = tpu.memref_slice %arg7[%dma_wait3A_451, %dma_wait3A_458, %dma_wait3A_459] : memref<2x8x128xi32, #tpu.memory_space<vmem>> -> memref<1x8x128xi32, #tpu.memory_space<vmem>>
      %dma_wait3A_461 = tpu.memref_squeeze %dma_wait3A_460 : memref<1x8x128xi32, #tpu.memory_space<vmem>> -> memref<8x128xi32, #tpu.memory_space<vmem>>
      %dma_wait3A_462 = arith.constant 0 : i32
      %dma_wait3A_463 = tpu.memref_slice %arg3[%mul3A_9, %dma_wait3A_462] : memref<2560x128xi32, #tpu.memory_space<hbm>> -> memref<8x128xi32, #tpu.memory_space<hbm>>
      tpu.wait_dma2 semaphore(%arg13 : memref<!tpu.dma_semaphore, #tpu.memory_space<semaphore_mem>>) src(%dma_wait3A_463 : memref<8x128xi32, #tpu.memory_space<hbm>>) dst(%dma_wait3A_461 : memref<8x128xi32, #tpu.memory_space<vmem>>)
      %dma_wait3A_464 = arith.constant 0 : i32
      %dma_wait3A_465 = arith.constant 0 : i32
      %dma_wait3A_466 = arith.constant 0 : i32
      %dma_wait3A_467 = tpu.memref_slice %arg8[%dma_wait3A_464, %dma_wait3A_465, %dma_wait3A_466] : memref<2x8x128xi32, #tpu.memory_space<vmem>> -> memref<1x8x128xi32, #tpu.memory_space<vmem>>
      %dma_wait3A_468 = tpu.memref_squeeze %dma_wait3A_467 : memref<1x8x128xi32, #tpu.memory_space<vmem>> -> memref<8x128xi32, #tpu.memory_space<vmem>>
      %dma_wait3A_469 = arith.constant 0 : i32
      %dma_wait3A_470 = tpu.memref_slice %arg4[%mul3A_9, %dma_wait3A_469] : memref<2560x128xi32, #tpu.memory_space<hbm>> -> memref<8x128xi32, #tpu.memory_space<hbm>>
      %dma_wait3A_471 = arith.constant 0 : i32
      %dma_wait3A_472 = arith.constant 0 : i32
      %dma_wait3A_473 = tpu.memref_slice %arg8[%dma_wait3A_464, %dma_wait3A_471, %dma_wait3A_472] : memref<2x8x128xi32, #tpu.memory_space<vmem>> -> memref<1x8x128xi32, #tpu.memory_space<vmem>>
      %dma_wait3A_474 = tpu.memref_squeeze %dma_wait3A_473 : memref<1x8x128xi32, #tpu.memory_space<vmem>> -> memref<8x128xi32, #tpu.memory_space<vmem>>
      %dma_wait3A_475 = arith.constant 0 : i32
      %dma_wait3A_476 = tpu.memref_slice %arg4[%mul3A_9, %dma_wait3A_475] : memref<2560x128xi32, #tpu.memory_space<hbm>> -> memref<8x128xi32, #tpu.memory_space<hbm>>
      tpu.wait_dma2 semaphore(%arg13 : memref<!tpu.dma_semaphore, #tpu.memory_space<semaphore_mem>>) src(%dma_wait3A_476 : memref<8x128xi32, #tpu.memory_space<hbm>>) dst(%dma_wait3A_474 : memref<8x128xi32, #tpu.memory_space<vmem>>)
      %sub3A = arith.constant 1 : i32
      %sub3A_477 = arith.subi %sub3A, %rem3A_306 : i32
      %dma_start3A_478 = arith.constant 0 : i32
      %dma_start3A_479 = arith.constant 0 : i32
      %dma_start3A_480 = arith.constant 0 : i32
      %dma_start3A_481 = tpu.memref_slice %arg9[%dma_start3A_479, %dma_start3A_480] : memref<256x128xf32, #tpu.memory_space<vmem>> -> memref<128x128xf32, #tpu.memory_space<vmem>>
      %dma_start3A_482 = arith.constant 0 : i32
      %dma_start3A_483 = tpu.memref_slice %arg7[%sub3A_477, %dma_start3A_478, %dma_start3A_482] : memref<2x8x128xi32, #tpu.memory_space<vmem>> -> memref<1x1x128xi32, #tpu.memory_space<vmem>>
      %dma_start3A_484 = tpu.memref_squeeze %dma_start3A_483 : memref<1x1x128xi32, #tpu.memory_space<vmem>> -> memref<128xi32, #tpu.memory_space<vmem>>
      %dma_start3A_485 = arith.constant 0 : i32
      %dma_start3A_486 = arith.constant 0 : i32
      %dma_start3A_487 = tpu.memref_slice %arg2[%dma_start3A_485, %dma_start3A_486] : memref<10000x128xf32, #tpu.memory_space<hbm>> -> memref<10000x128xf32, #tpu.memory_space<hbm>>
      tpu.enqueue_indirect_dma source(%dma_start3A_487 : memref<10000x128xf32, #tpu.memory_space<hbm>>) target(%dma_start3A_481 : memref<128x128xf32, #tpu.memory_space<vmem>>) offsets(%dma_start3A_484 : memref<128xi32, #tpu.memory_space<vmem>>) semaphore(%arg11 : memref<!tpu.dma_semaphore, #tpu.memory_space<semaphore_mem>>)
      %dma_wait3A_488 = arith.constant 0 : i32
      %dma_wait3A_489 = arith.constant 0 : i32
      %dma_wait3A_490 = arith.constant 128 : i32
      %dma_wait3A_491 = arith.constant 0 : i32
      %dma_wait3A_492 = tpu.memref_slice %arg9[%dma_wait3A_490, %dma_wait3A_491] : memref<256x128xf32, #tpu.memory_space<vmem>> -> memref<128x128xf32, #tpu.memory_space<vmem>>
      %dma_wait3A_493 = arith.constant 0 : i32
      %dma_wait3A_494 = tpu.memref_slice %arg7[%dma_wait3A_488, %dma_wait3A_489, %dma_wait3A_493] : memref<2x8x128xi32, #tpu.memory_space<vmem>> -> memref<1x1x128xi32, #tpu.memory_space<vmem>>
      %dma_wait3A_495 = tpu.memref_squeeze %dma_wait3A_494 : memref<1x1x128xi32, #tpu.memory_space<vmem>> -> memref<128xi32, #tpu.memory_space<vmem>>
      %dma_wait3A_496 = arith.constant 0 : i32
      %dma_wait3A_497 = arith.constant 0 : i32
      %dma_wait3A_498 = tpu.memref_slice %arg2[%dma_wait3A_496, %dma_wait3A_497] : memref<10000x128xf32, #tpu.memory_space<hbm>> -> memref<10000x128xf32, #tpu.memory_space<hbm>>
      tpu.wait_indirect_dma semaphore(%arg12 : memref<!tpu.dma_semaphore, #tpu.memory_space<semaphore_mem>>) src(%dma_wait3A_498 : memref<10000x128xf32, #tpu.memory_space<hbm>>) dst(%dma_wait3A_492 : memref<128x128xf32, #tpu.memory_space<vmem>>)
      %run_scoped3A_499 = arith.constant 7 : i32
      "tpu.region"() ({
        %run_scoped3A_517 = tpu.sem_alloc : memref<!tpu.dma_semaphore, #tpu.memory_space<semaphore_mem>>
        %dma_start3A_518 = arith.constant 128 : i32
        %dma_start3A_519 = arith.constant 0 : i32
        %dma_start3A_520 = tpu.memref_slice %arg9[%dma_start3A_518, %dma_start3A_519] : memref<256x128xf32, #tpu.memory_space<vmem>> -> memref<128x128xf32, #tpu.memory_space<vmem>>
        %dma_start3A_521 = arith.constant 0 : i32
        %dma_start3A_522 = tpu.memref_slice %arg8[%rem3A_306, %run_scoped3A_499, %dma_start3A_521] : memref<2x8x128xi32, #tpu.memory_space<vmem>> -> memref<1x1x128xi32, #tpu.memory_space<vmem>>
        %dma_start3A_523 = tpu.memref_squeeze %dma_start3A_522 : memref<1x1x128xi32, #tpu.memory_space<vmem>> -> memref<128xi32, #tpu.memory_space<vmem>>
        %dma_start3A_524 = arith.constant 0 : i32
        %dma_start3A_525 = arith.constant 0 : i32
        %dma_start3A_526 = tpu.memref_slice %arg10[%dma_start3A_524, %dma_start3A_525] : memref<10112x128xf32, #tpu.memory_space<vmem_shared>> -> memref<10112x128xf32, #tpu.memory_space<vmem_shared>>
        tpu.enqueue_indirect_dma source(%dma_start3A_520 : memref<128x128xf32, #tpu.memory_space<vmem>>) target(%dma_start3A_526 : memref<10112x128xf32, #tpu.memory_space<vmem_shared>>) offsets(%dma_start3A_523 : memref<128xi32, #tpu.memory_space<vmem>>) semaphore(%run_scoped3A_517 : memref<!tpu.dma_semaphore, #tpu.memory_space<semaphore_mem>>) {add = true}
        %dma_wait3A_527 = arith.constant 128 : i32
        %dma_wait3A_528 = arith.constant 0 : i32
        %dma_wait3A_529 = tpu.memref_slice %arg9[%dma_wait3A_527, %dma_wait3A_528] : memref<256x128xf32, #tpu.memory_space<vmem>> -> memref<128x128xf32, #tpu.memory_space<vmem>>
        %dma_wait3A_530 = arith.constant 0 : i32
        %dma_wait3A_531 = tpu.memref_slice %arg8[%rem3A_306, %run_scoped3A_499, %dma_wait3A_530] : memref<2x8x128xi32, #tpu.memory_space<vmem>> -> memref<1x1x128xi32, #tpu.memory_space<vmem>>
        %dma_wait3A_532 = tpu.memref_squeeze %dma_wait3A_531 : memref<1x1x128xi32, #tpu.memory_space<vmem>> -> memref<128xi32, #tpu.memory_space<vmem>>
        %dma_wait3A_533 = arith.constant 0 : i32
        %dma_wait3A_534 = arith.constant 0 : i32
        %dma_wait3A_535 = tpu.memref_slice %arg10[%dma_wait3A_533, %dma_wait3A_534] : memref<10112x128xf32, #tpu.memory_space<vmem_shared>> -> memref<10112x128xf32, #tpu.memory_space<vmem_shared>>
        tpu.wait_indirect_dma semaphore(%run_scoped3A_517 : memref<!tpu.dma_semaphore, #tpu.memory_space<semaphore_mem>>) src(%dma_wait3A_529 : memref<128x128xf32, #tpu.memory_space<vmem>>) dst(%dma_wait3A_535 : memref<10112x128xf32, #tpu.memory_space<vmem_shared>>)
        tpu.yield
      }) : () -> ()
      %sub3A_500 = arith.constant 1 : i32
      %sub3A_501 = arith.subi %sub3A_500, %rem3A_306 : i32
      %dma_start3A_502 = arith.constant 1 : i32
      %dma_start3A_503 = arith.constant 128 : i32
      %dma_start3A_504 = arith.constant 0 : i32
      %dma_start3A_505 = tpu.memref_slice %arg9[%dma_start3A_503, %dma_start3A_504] : memref<256x128xf32, #tpu.memory_space<vmem>> -> memref<128x128xf32, #tpu.memory_space<vmem>>
      %dma_start3A_506 = arith.constant 0 : i32
      %dma_start3A_507 = tpu.memref_slice %arg7[%sub3A_501, %dma_start3A_502, %dma_start3A_506] : memref<2x8x128xi32, #tpu.memory_space<vmem>> -> memref<1x1x128xi32, #tpu.memory_space<vmem>>
      %dma_start3A_508 = tpu.memref_squeeze %dma_start3A_507 : memref<1x1x128xi32, #tpu.memory_space<vmem>> -> memref<128xi32, #tpu.memory_space<vmem>>
      %dma_start3A_509 = arith.constant 0 : i32
      %dma_start3A_510 = arith.constant 0 : i32
      %dma_start3A_511 = tpu.memref_slice %arg2[%dma_start3A_509, %dma_start3A_510] : memref<10000x128xf32, #tpu.memory_space<hbm>> -> memref<10000x128xf32, #tpu.memory_space<hbm>>
      tpu.enqueue_indirect_dma source(%dma_start3A_511 : memref<10000x128xf32, #tpu.memory_space<hbm>>) target(%dma_start3A_505 : memref<128x128xf32, #tpu.memory_space<vmem>>) offsets(%dma_start3A_508 : memref<128xi32, #tpu.memory_space<vmem>>) semaphore(%arg12 : memref<!tpu.dma_semaphore, #tpu.memory_space<semaphore_mem>>)
      %lt3A_512 = arith.constant 8 : i32
      %lt3A_513 = arith.cmpi slt, %add3A_305, %lt3A_512 : i32
      %convert_element_type3A_514 = arith.extui %lt3A_513 : i1 to i32
      %cond3A_515 = arith.constant 0 : i32
      %cond3A_516 = arith.cmpi ne, %convert_element_type3A_514, %cond3A_515 : i32
      scf.if %cond3A_516 {
        %add3A_517 = arith.constant 2 : i32
        %add3A_518 = arith.addi %add3A_305, %add3A_517 : i32
        %mul3A_519 = arith.constant 8 : i32
        %mul3A_520 = arith.muli %add3A_518, %mul3A_519 : i32
        %add3A_521 = arith.addi %mul3A_9, %mul3A_520 : i32
        %dma_start3A_522 = arith.constant 0 : i32
        %dma_start3A_523 = arith.constant 0 : i32
        %dma_start3A_524 = tpu.memref_slice %arg7[%rem3A_306, %dma_start3A_522, %dma_start3A_523] : memref<2x8x128xi32, #tpu.memory_space<vmem>> -> memref<1x8x128xi32, #tpu.memory_space<vmem>>
        %dma_start3A_525 = tpu.memref_squeeze %dma_start3A_524 : memref<1x8x128xi32, #tpu.memory_space<vmem>> -> memref<8x128xi32, #tpu.memory_space<vmem>>
        %dma_start3A_526 = arith.constant 0 : i32
        %dma_start3A_527 = tpu.memref_slice %arg3[%add3A_521, %dma_start3A_526] : memref<2560x128xi32, #tpu.memory_space<hbm>> -> memref<8x128xi32, #tpu.memory_space<hbm>>
        %dma_start3A_528 = arith.constant 0 : i32
        %dma_start3A_529 = arith.constant 0 : i32
        %dma_start3A_530 = tpu.memref_slice %arg7[%rem3A_306, %dma_start3A_528, %dma_start3A_529] : memref<2x8x128xi32, #tpu.memory_space<vmem>> -> memref<1x8x128xi32, #tpu.memory_space<vmem>>
        %dma_start3A_531 = tpu.memref_squeeze %dma_start3A_530 : memref<1x8x128xi32, #tpu.memory_space<vmem>> -> memref<8x128xi32, #tpu.memory_space<vmem>>
        %dma_start3A_532 = arith.constant 0 : i32
        %dma_start3A_533 = tpu.memref_slice %arg3[%add3A_521, %dma_start3A_532] : memref<2560x128xi32, #tpu.memory_space<hbm>> -> memref<8x128xi32, #tpu.memory_space<hbm>>
        tpu.enqueue_dma source(%dma_start3A_533 : memref<8x128xi32, #tpu.memory_space<hbm>>) target(%dma_start3A_531 : memref<8x128xi32, #tpu.memory_space<vmem>>) target_semaphore(%arg13 : memref<!tpu.dma_semaphore, #tpu.memory_space<semaphore_mem>>)
        %mul3A_534 = arith.constant 8 : i32
        %mul3A_535 = arith.muli %add3A_518, %mul3A_534 : i32
        %add3A_536 = arith.addi %mul3A_9, %mul3A_535 : i32
        %dma_start3A_537 = arith.constant 0 : i32
        %dma_start3A_538 = arith.constant 0 : i32
        %dma_start3A_539 = tpu.memref_slice %arg8[%rem3A_306, %dma_start3A_537, %dma_start3A_538] : memref<2x8x128xi32, #tpu.memory_space<vmem>> -> memref<1x8x128xi32, #tpu.memory_space<vmem>>
        %dma_start3A_540 = tpu.memref_squeeze %dma_start3A_539 : memref<1x8x128xi32, #tpu.memory_space<vmem>> -> memref<8x128xi32, #tpu.memory_space<vmem>>
        %dma_start3A_541 = arith.constant 0 : i32
        %dma_start3A_542 = tpu.memref_slice %arg4[%add3A_536, %dma_start3A_541] : memref<2560x128xi32, #tpu.memory_space<hbm>> -> memref<8x128xi32, #tpu.memory_space<hbm>>
        %dma_start3A_543 = arith.constant 0 : i32
        %dma_start3A_544 = arith.constant 0 : i32
        %dma_start3A_545 = tpu.memref_slice %arg8[%rem3A_306, %dma_start3A_543, %dma_start3A_544] : memref<2x8x128xi32, #tpu.memory_space<vmem>> -> memref<1x8x128xi32, #tpu.memory_space<vmem>>
        %dma_start3A_546 = tpu.memref_squeeze %dma_start3A_545 : memref<1x8x128xi32, #tpu.memory_space<vmem>> -> memref<8x128xi32, #tpu.memory_space<vmem>>
        %dma_start3A_547 = arith.constant 0 : i32
        %dma_start3A_548 = tpu.memref_slice %arg4[%add3A_536, %dma_start3A_547] : memref<2560x128xi32, #tpu.memory_space<hbm>> -> memref<8x128xi32, #tpu.memory_space<hbm>>
        tpu.enqueue_dma source(%dma_start3A_548 : memref<8x128xi32, #tpu.memory_space<hbm>>) target(%dma_start3A_546 : memref<8x128xi32, #tpu.memory_space<vmem>>) target_semaphore(%arg13 : memref<!tpu.dma_semaphore, #tpu.memory_space<semaphore_mem>>)
      } else {
      }
    }
    %scan3A_124 = arith.constant 9 : i32
    %dma_wait3A_125 = arith.constant 0 : i32
    %dma_wait3A_126 = arith.constant 0 : i32
    %dma_wait3A_127 = arith.constant 0 : i32
    %dma_wait3A_128 = arith.constant 0 : i32
    %dma_wait3A_129 = tpu.memref_slice %arg9[%dma_wait3A_127, %dma_wait3A_128] : memref<256x128xf32, #tpu.memory_space<vmem>> -> memref<128x128xf32, #tpu.memory_space<vmem>>
    %dma_wait3A_130 = arith.constant 0 : i32
    %dma_wait3A_131 = tpu.memref_slice %arg7[%dma_wait3A_125, %dma_wait3A_126, %dma_wait3A_130] : memref<2x8x128xi32, #tpu.memory_space<vmem>> -> memref<1x1x128xi32, #tpu.memory_space<vmem>>
    %dma_wait3A_132 = tpu.memref_squeeze %dma_wait3A_131 : memref<1x1x128xi32, #tpu.memory_space<vmem>> -> memref<128xi32, #tpu.memory_space<vmem>>
    %dma_wait3A_133 = arith.constant 0 : i32
    %dma_wait3A_134 = arith.constant 0 : i32
    %dma_wait3A_135 = tpu.memref_slice %arg2[%dma_wait3A_133, %dma_wait3A_134] : memref<10000x128xf32, #tpu.memory_space<hbm>> -> memref<10000x128xf32, #tpu.memory_space<hbm>>
    tpu.wait_indirect_dma semaphore(%arg11 : memref<!tpu.dma_semaphore, #tpu.memory_space<semaphore_mem>>) src(%dma_wait3A_135 : memref<10000x128xf32, #tpu.memory_space<hbm>>) dst(%dma_wait3A_129 : memref<128x128xf32, #tpu.memory_space<vmem>>)
    %run_scoped3A = arith.constant 1 : i32
    %run_scoped3A_136 = arith.constant 0 : i32
    "tpu.region"() ({
      %run_scoped3A_301 = tpu.sem_alloc : memref<!tpu.dma_semaphore, #tpu.memory_space<semaphore_mem>>
      %dma_start3A_302 = arith.constant 0 : i32
      %dma_start3A_303 = arith.constant 0 : i32
      %dma_start3A_304 = tpu.memref_slice %arg9[%dma_start3A_302, %dma_start3A_303] : memref<256x128xf32, #tpu.memory_space<vmem>> -> memref<128x128xf32, #tpu.memory_space<vmem>>
      %dma_start3A_305 = arith.constant 0 : i32
      %dma_start3A_306 = tpu.memref_slice %arg8[%run_scoped3A, %run_scoped3A_136, %dma_start3A_305] : memref<2x8x128xi32, #tpu.memory_space<vmem>> -> memref<1x1x128xi32, #tpu.memory_space<vmem>>
      %dma_start3A_307 = tpu.memref_squeeze %dma_start3A_306 : memref<1x1x128xi32, #tpu.memory_space<vmem>> -> memref<128xi32, #tpu.memory_space<vmem>>
      %dma_start3A_308 = arith.constant 0 : i32
      %dma_start3A_309 = arith.constant 0 : i32
      %dma_start3A_310 = tpu.memref_slice %arg10[%dma_start3A_308, %dma_start3A_309] : memref<10112x128xf32, #tpu.memory_space<vmem_shared>> -> memref<10112x128xf32, #tpu.memory_space<vmem_shared>>
      tpu.enqueue_indirect_dma source(%dma_start3A_304 : memref<128x128xf32, #tpu.memory_space<vmem>>) target(%dma_start3A_310 : memref<10112x128xf32, #tpu.memory_space<vmem_shared>>) offsets(%dma_start3A_307 : memref<128xi32, #tpu.memory_space<vmem>>) semaphore(%run_scoped3A_301 : memref<!tpu.dma_semaphore, #tpu.memory_space<semaphore_mem>>) {add = true}
      %dma_wait3A_311 = arith.constant 0 : i32
      %dma_wait3A_312 = arith.constant 0 : i32
      %dma_wait3A_313 = tpu.memref_slice %arg9[%dma_wait3A_311, %dma_wait3A_312] : memref<256x128xf32, #tpu.memory_space<vmem>> -> memref<128x128xf32, #tpu.memory_space<vmem>>
      %dma_wait3A_314 = arith.constant 0 : i32
      %dma_wait3A_315 = tpu.memref_slice %arg8[%run_scoped3A, %run_scoped3A_136, %dma_wait3A_314] : memref<2x8x128xi32, #tpu.memory_space<vmem>> -> memref<1x1x128xi32, #tpu.memory_space<vmem>>
      %dma_wait3A_316 = tpu.memref_squeeze %dma_wait3A_315 : memref<1x1x128xi32, #tpu.memory_space<vmem>> -> memref<128xi32, #tpu.memory_space<vmem>>
      %dma_wait3A_317 = arith.constant 0 : i32
      %dma_wait3A_318 = arith.constant 0 : i32
      %dma_wait3A_319 = tpu.memref_slice %arg10[%dma_wait3A_317, %dma_wait3A_318] : memref<10112x128xf32, #tpu.memory_space<vmem_shared>> -> memref<10112x128xf32, #tpu.memory_space<vmem_shared>>
      tpu.wait_indirect_dma semaphore(%run_scoped3A_301 : memref<!tpu.dma_semaphore, #tpu.memory_space<semaphore_mem>>) src(%dma_wait3A_313 : memref<128x128xf32, #tpu.memory_space<vmem>>) dst(%dma_wait3A_319 : memref<10112x128xf32, #tpu.memory_space<vmem_shared>>)
      tpu.yield
    }) : () -> ()
    %dma_start3A_137 = arith.constant 1 : i32
    %dma_start3A_138 = arith.constant 2 : i32
    %dma_start3A_139 = arith.constant 0 : i32
    %dma_start3A_140 = arith.constant 0 : i32
    %dma_start3A_141 = tpu.memref_slice %arg9[%dma_start3A_139, %dma_start3A_140] : memref<256x128xf32, #tpu.memory_space<vmem>> -> memref<128x128xf32, #tpu.memory_space<vmem>>
    %dma_start3A_142 = arith.constant 0 : i32
    %dma_start3A_143 = tpu.memref_slice %arg7[%dma_start3A_137, %dma_start3A_138, %dma_start3A_142] : memref<2x8x128xi32, #tpu.memory_space<vmem>> -> memref<1x1x128xi32, #tpu.memory_space<vmem>>
    %dma_start3A_144 = tpu.memref_squeeze %dma_start3A_143 : memref<1x1x128xi32, #tpu.memory_space<vmem>> -> memref<128xi32, #tpu.memory_space<vmem>>
    %dma_start3A_145 = arith.constant 0 : i32
    %dma_start3A_146 = arith.constant 0 : i32
    %dma_start3A_147 = tpu.memref_slice %arg2[%dma_start3A_145, %dma_start3A_146] : memref<10000x128xf32, #tpu.memory_space<hbm>> -> memref<10000x128xf32, #tpu.memory_space<hbm>>
    tpu.enqueue_indirect_dma source(%dma_start3A_147 : memref<10000x128xf32, #tpu.memory_space<hbm>>) target(%dma_start3A_141 : memref<128x128xf32, #tpu.memory_space<vmem>>) offsets(%dma_start3A_144 : memref<128xi32, #tpu.memory_space<vmem>>) semaphore(%arg11 : memref<!tpu.dma_semaphore, #tpu.memory_space<semaphore_mem>>)
    %dma_wait3A_148 = arith.constant 0 : i32
    %dma_wait3A_149 = arith.constant 0 : i32
    %dma_wait3A_150 = arith.constant 128 : i32
    %dma_wait3A_151 = arith.constant 0 : i32
    %dma_wait3A_152 = tpu.memref_slice %arg9[%dma_wait3A_150, %dma_wait3A_151] : memref<256x128xf32, #tpu.memory_space<vmem>> -> memref<128x128xf32, #tpu.memory_space<vmem>>
    %dma_wait3A_153 = arith.constant 0 : i32
    %dma_wait3A_154 = tpu.memref_slice %arg7[%dma_wait3A_148, %dma_wait3A_149, %dma_wait3A_153] : memref<2x8x128xi32, #tpu.memory_space<vmem>> -> memref<1x1x128xi32, #tpu.memory_space<vmem>>
    %dma_wait3A_155 = tpu.memref_squeeze %dma_wait3A_154 : memref<1x1x128xi32, #tpu.memory_space<vmem>> -> memref<128xi32, #tpu.memory_space<vmem>>
    %dma_wait3A_156 = arith.constant 0 : i32
    %dma_wait3A_157 = arith.constant 0 : i32
    %dma_wait3A_158 = tpu.memref_slice %arg2[%dma_wait3A_156, %dma_wait3A_157] : memref<10000x128xf32, #tpu.memory_space<hbm>> -> memref<10000x128xf32, #tpu.memory_space<hbm>>
    tpu.wait_indirect_dma semaphore(%arg12 : memref<!tpu.dma_semaphore, #tpu.memory_space<semaphore_mem>>) src(%dma_wait3A_158 : memref<10000x128xf32, #tpu.memory_space<hbm>>) dst(%dma_wait3A_152 : memref<128x128xf32, #tpu.memory_space<vmem>>)
    %run_scoped3A_159 = arith.constant 1 : i32
    %run_scoped3A_160 = arith.constant 1 : i32
    "tpu.region"() ({
      %run_scoped3A_301 = tpu.sem_alloc : memref<!tpu.dma_semaphore, #tpu.memory_space<semaphore_mem>>
      %dma_start3A_302 = arith.constant 128 : i32
      %dma_start3A_303 = arith.constant 0 : i32
      %dma_start3A_304 = tpu.memref_slice %arg9[%dma_start3A_302, %dma_start3A_303] : memref<256x128xf32, #tpu.memory_space<vmem>> -> memref<128x128xf32, #tpu.memory_space<vmem>>
      %dma_start3A_305 = arith.constant 0 : i32
      %dma_start3A_306 = tpu.memref_slice %arg8[%run_scoped3A_159, %run_scoped3A_160, %dma_start3A_305] : memref<2x8x128xi32, #tpu.memory_space<vmem>> -> memref<1x1x128xi32, #tpu.memory_space<vmem>>
      %dma_start3A_307 = tpu.memref_squeeze %dma_start3A_306 : memref<1x1x128xi32, #tpu.memory_space<vmem>> -> memref<128xi32, #tpu.memory_space<vmem>>
      %dma_start3A_308 = arith.constant 0 : i32
      %dma_start3A_309 = arith.constant 0 : i32
      %dma_start3A_310 = tpu.memref_slice %arg10[%dma_start3A_308, %dma_start3A_309] : memref<10112x128xf32, #tpu.memory_space<vmem_shared>> -> memref<10112x128xf32, #tpu.memory_space<vmem_shared>>
      tpu.enqueue_indirect_dma source(%dma_start3A_304 : memref<128x128xf32, #tpu.memory_space<vmem>>) target(%dma_start3A_310 : memref<10112x128xf32, #tpu.memory_space<vmem_shared>>) offsets(%dma_start3A_307 : memref<128xi32, #tpu.memory_space<vmem>>) semaphore(%run_scoped3A_301 : memref<!tpu.dma_semaphore, #tpu.memory_space<semaphore_mem>>) {add = true}
      %dma_wait3A_311 = arith.constant 128 : i32
      %dma_wait3A_312 = arith.constant 0 : i32
      %dma_wait3A_313 = tpu.memref_slice %arg9[%dma_wait3A_311, %dma_wait3A_312] : memref<256x128xf32, #tpu.memory_space<vmem>> -> memref<128x128xf32, #tpu.memory_space<vmem>>
      %dma_wait3A_314 = arith.constant 0 : i32
      %dma_wait3A_315 = tpu.memref_slice %arg8[%run_scoped3A_159, %run_scoped3A_160, %dma_wait3A_314] : memref<2x8x128xi32, #tpu.memory_space<vmem>> -> memref<1x1x128xi32, #tpu.memory_space<vmem>>
      %dma_wait3A_316 = tpu.memref_squeeze %dma_wait3A_315 : memref<1x1x128xi32, #tpu.memory_space<vmem>> -> memref<128xi32, #tpu.memory_space<vmem>>
      %dma_wait3A_317 = arith.constant 0 : i32
      %dma_wait3A_318 = arith.constant 0 : i32
      %dma_wait3A_319 = tpu.memref_slice %arg10[%dma_wait3A_317, %dma_wait3A_318] : memref<10112x128xf32, #tpu.memory_space<vmem_shared>> -> memref<10112x128xf32, #tpu.memory_space<vmem_shared>>
      tpu.wait_indirect_dma semaphore(%run_scoped3A_301 : memref<!tpu.dma_semaphore, #tpu.memory_space<semaphore_mem>>) src(%dma_wait3A_313 : memref<128x128xf32, #tpu.memory_space<vmem>>) dst(%dma_wait3A_319 : memref<10112x128xf32, #tpu.memory_space<vmem_shared>>)
      tpu.yield
    }) : () -> ()
    %dma_start3A_161 = arith.constant 1 : i32
    %dma_start3A_162 = arith.constant 3 : i32
    %dma_start3A_163 = arith.constant 128 : i32
    %dma_start3A_164 = arith.constant 0 : i32
    %dma_start3A_165 = tpu.memref_slice %arg9[%dma_start3A_163, %dma_start3A_164] : memref<256x128xf32, #tpu.memory_space<vmem>> -> memref<128x128xf32, #tpu.memory_space<vmem>>
    %dma_start3A_166 = arith.constant 0 : i32
    %dma_start3A_167 = tpu.memref_slice %arg7[%dma_start3A_161, %dma_start3A_162, %dma_start3A_166] : memref<2x8x128xi32, #tpu.memory_space<vmem>> -> memref<1x1x128xi32, #tpu.memory_space<vmem>>
    %dma_start3A_168 = tpu.memref_squeeze %dma_start3A_167 : memref<1x1x128xi32, #tpu.memory_space<vmem>> -> memref<128xi32, #tpu.memory_space<vmem>>
    %dma_start3A_169 = arith.constant 0 : i32
    %dma_start3A_170 = arith.constant 0 : i32
    %dma_start3A_171 = tpu.memref_slice %arg2[%dma_start3A_169, %dma_start3A_170] : memref<10000x128xf32, #tpu.memory_space<hbm>> -> memref<10000x128xf32, #tpu.memory_space<hbm>>
    tpu.enqueue_indirect_dma source(%dma_start3A_171 : memref<10000x128xf32, #tpu.memory_space<hbm>>) target(%dma_start3A_165 : memref<128x128xf32, #tpu.memory_space<vmem>>) offsets(%dma_start3A_168 : memref<128xi32, #tpu.memory_space<vmem>>) semaphore(%arg12 : memref<!tpu.dma_semaphore, #tpu.memory_space<semaphore_mem>>)
    %dma_wait3A_172 = arith.constant 0 : i32
    %dma_wait3A_173 = arith.constant 0 : i32
    %dma_wait3A_174 = arith.constant 0 : i32
    %dma_wait3A_175 = arith.constant 0 : i32
    %dma_wait3A_176 = tpu.memref_slice %arg9[%dma_wait3A_174, %dma_wait3A_175] : memref<256x128xf32, #tpu.memory_space<vmem>> -> memref<128x128xf32, #tpu.memory_space<vmem>>
    %dma_wait3A_177 = arith.constant 0 : i32
    %dma_wait3A_178 = tpu.memref_slice %arg7[%dma_wait3A_172, %dma_wait3A_173, %dma_wait3A_177] : memref<2x8x128xi32, #tpu.memory_space<vmem>> -> memref<1x1x128xi32, #tpu.memory_space<vmem>>
    %dma_wait3A_179 = tpu.memref_squeeze %dma_wait3A_178 : memref<1x1x128xi32, #tpu.memory_space<vmem>> -> memref<128xi32, #tpu.memory_space<vmem>>
    %dma_wait3A_180 = arith.constant 0 : i32
    %dma_wait3A_181 = arith.constant 0 : i32
    %dma_wait3A_182 = tpu.memref_slice %arg2[%dma_wait3A_180, %dma_wait3A_181] : memref<10000x128xf32, #tpu.memory_space<hbm>> -> memref<10000x128xf32, #tpu.memory_space<hbm>>
    tpu.wait_indirect_dma semaphore(%arg11 : memref<!tpu.dma_semaphore, #tpu.memory_space<semaphore_mem>>) src(%dma_wait3A_182 : memref<10000x128xf32, #tpu.memory_space<hbm>>) dst(%dma_wait3A_176 : memref<128x128xf32, #tpu.memory_space<vmem>>)
    %run_scoped3A_183 = arith.constant 1 : i32
    %run_scoped3A_184 = arith.constant 2 : i32
    "tpu.region"() ({
      %run_scoped3A_301 = tpu.sem_alloc : memref<!tpu.dma_semaphore, #tpu.memory_space<semaphore_mem>>
      %dma_start3A_302 = arith.constant 0 : i32
      %dma_start3A_303 = arith.constant 0 : i32
      %dma_start3A_304 = tpu.memref_slice %arg9[%dma_start3A_302, %dma_start3A_303] : memref<256x128xf32, #tpu.memory_space<vmem>> -> memref<128x128xf32, #tpu.memory_space<vmem>>
      %dma_start3A_305 = arith.constant 0 : i32
      %dma_start3A_306 = tpu.memref_slice %arg8[%run_scoped3A_183, %run_scoped3A_184, %dma_start3A_305] : memref<2x8x128xi32, #tpu.memory_space<vmem>> -> memref<1x1x128xi32, #tpu.memory_space<vmem>>
      %dma_start3A_307 = tpu.memref_squeeze %dma_start3A_306 : memref<1x1x128xi32, #tpu.memory_space<vmem>> -> memref<128xi32, #tpu.memory_space<vmem>>
      %dma_start3A_308 = arith.constant 0 : i32
      %dma_start3A_309 = arith.constant 0 : i32
      %dma_start3A_310 = tpu.memref_slice %arg10[%dma_start3A_308, %dma_start3A_309] : memref<10112x128xf32, #tpu.memory_space<vmem_shared>> -> memref<10112x128xf32, #tpu.memory_space<vmem_shared>>
      tpu.enqueue_indirect_dma source(%dma_start3A_304 : memref<128x128xf32, #tpu.memory_space<vmem>>) target(%dma_start3A_310 : memref<10112x128xf32, #tpu.memory_space<vmem_shared>>) offsets(%dma_start3A_307 : memref<128xi32, #tpu.memory_space<vmem>>) semaphore(%run_scoped3A_301 : memref<!tpu.dma_semaphore, #tpu.memory_space<semaphore_mem>>) {add = true}
      %dma_wait3A_311 = arith.constant 0 : i32
      %dma_wait3A_312 = arith.constant 0 : i32
      %dma_wait3A_313 = tpu.memref_slice %arg9[%dma_wait3A_311, %dma_wait3A_312] : memref<256x128xf32, #tpu.memory_space<vmem>> -> memref<128x128xf32, #tpu.memory_space<vmem>>
      %dma_wait3A_314 = arith.constant 0 : i32
      %dma_wait3A_315 = tpu.memref_slice %arg8[%run_scoped3A_183, %run_scoped3A_184, %dma_wait3A_314] : memref<2x8x128xi32, #tpu.memory_space<vmem>> -> memref<1x1x128xi32, #tpu.memory_space<vmem>>
      %dma_wait3A_316 = tpu.memref_squeeze %dma_wait3A_315 : memref<1x1x128xi32, #tpu.memory_space<vmem>> -> memref<128xi32, #tpu.memory_space<vmem>>
      %dma_wait3A_317 = arith.constant 0 : i32
      %dma_wait3A_318 = arith.constant 0 : i32
      %dma_wait3A_319 = tpu.memref_slice %arg10[%dma_wait3A_317, %dma_wait3A_318] : memref<10112x128xf32, #tpu.memory_space<vmem_shared>> -> memref<10112x128xf32, #tpu.memory_space<vmem_shared>>
      tpu.wait_indirect_dma semaphore(%run_scoped3A_301 : memref<!tpu.dma_semaphore, #tpu.memory_space<semaphore_mem>>) src(%dma_wait3A_313 : memref<128x128xf32, #tpu.memory_space<vmem>>) dst(%dma_wait3A_319 : memref<10112x128xf32, #tpu.memory_space<vmem_shared>>)
      tpu.yield
    }) : () -> ()
    %dma_start3A_185 = arith.constant 1 : i32
    %dma_start3A_186 = arith.constant 4 : i32
    %dma_start3A_187 = arith.constant 0 : i32
    %dma_start3A_188 = arith.constant 0 : i32
    %dma_start3A_189 = tpu.memref_slice %arg9[%dma_start3A_187, %dma_start3A_188] : memref<256x128xf32, #tpu.memory_space<vmem>> -> memref<128x128xf32, #tpu.memory_space<vmem>>
    %dma_start3A_190 = arith.constant 0 : i32
    %dma_start3A_191 = tpu.memref_slice %arg7[%dma_start3A_185, %dma_start3A_186, %dma_start3A_190] : memref<2x8x128xi32, #tpu.memory_space<vmem>> -> memref<1x1x128xi32, #tpu.memory_space<vmem>>
    %dma_start3A_192 = tpu.memref_squeeze %dma_start3A_191 : memref<1x1x128xi32, #tpu.memory_space<vmem>> -> memref<128xi32, #tpu.memory_space<vmem>>
    %dma_start3A_193 = arith.constant 0 : i32
    %dma_start3A_194 = arith.constant 0 : i32
    %dma_start3A_195 = tpu.memref_slice %arg2[%dma_start3A_193, %dma_start3A_194] : memref<10000x128xf32, #tpu.memory_space<hbm>> -> memref<10000x128xf32, #tpu.memory_space<hbm>>
    tpu.enqueue_indirect_dma source(%dma_start3A_195 : memref<10000x128xf32, #tpu.memory_space<hbm>>) target(%dma_start3A_189 : memref<128x128xf32, #tpu.memory_space<vmem>>) offsets(%dma_start3A_192 : memref<128xi32, #tpu.memory_space<vmem>>) semaphore(%arg11 : memref<!tpu.dma_semaphore, #tpu.memory_space<semaphore_mem>>)
    %dma_wait3A_196 = arith.constant 0 : i32
    %dma_wait3A_197 = arith.constant 0 : i32
    %dma_wait3A_198 = arith.constant 128 : i32
    %dma_wait3A_199 = arith.constant 0 : i32
    %dma_wait3A_200 = tpu.memref_slice %arg9[%dma_wait3A_198, %dma_wait3A_199] : memref<256x128xf32, #tpu.memory_space<vmem>> -> memref<128x128xf32, #tpu.memory_space<vmem>>
    %dma_wait3A_201 = arith.constant 0 : i32
    %dma_wait3A_202 = tpu.memref_slice %arg7[%dma_wait3A_196, %dma_wait3A_197, %dma_wait3A_201] : memref<2x8x128xi32, #tpu.memory_space<vmem>> -> memref<1x1x128xi32, #tpu.memory_space<vmem>>
    %dma_wait3A_203 = tpu.memref_squeeze %dma_wait3A_202 : memref<1x1x128xi32, #tpu.memory_space<vmem>> -> memref<128xi32, #tpu.memory_space<vmem>>
    %dma_wait3A_204 = arith.constant 0 : i32
    %dma_wait3A_205 = arith.constant 0 : i32
    %dma_wait3A_206 = tpu.memref_slice %arg2[%dma_wait3A_204, %dma_wait3A_205] : memref<10000x128xf32, #tpu.memory_space<hbm>> -> memref<10000x128xf32, #tpu.memory_space<hbm>>
    tpu.wait_indirect_dma semaphore(%arg12 : memref<!tpu.dma_semaphore, #tpu.memory_space<semaphore_mem>>) src(%dma_wait3A_206 : memref<10000x128xf32, #tpu.memory_space<hbm>>) dst(%dma_wait3A_200 : memref<128x128xf32, #tpu.memory_space<vmem>>)
    %run_scoped3A_207 = arith.constant 1 : i32
    %run_scoped3A_208 = arith.constant 3 : i32
    "tpu.region"() ({
      %run_scoped3A_301 = tpu.sem_alloc : memref<!tpu.dma_semaphore, #tpu.memory_space<semaphore_mem>>
      %dma_start3A_302 = arith.constant 128 : i32
      %dma_start3A_303 = arith.constant 0 : i32
      %dma_start3A_304 = tpu.memref_slice %arg9[%dma_start3A_302, %dma_start3A_303] : memref<256x128xf32, #tpu.memory_space<vmem>> -> memref<128x128xf32, #tpu.memory_space<vmem>>
      %dma_start3A_305 = arith.constant 0 : i32
      %dma_start3A_306 = tpu.memref_slice %arg8[%run_scoped3A_207, %run_scoped3A_208, %dma_start3A_305] : memref<2x8x128xi32, #tpu.memory_space<vmem>> -> memref<1x1x128xi32, #tpu.memory_space<vmem>>
      %dma_start3A_307 = tpu.memref_squeeze %dma_start3A_306 : memref<1x1x128xi32, #tpu.memory_space<vmem>> -> memref<128xi32, #tpu.memory_space<vmem>>
      %dma_start3A_308 = arith.constant 0 : i32
      %dma_start3A_309 = arith.constant 0 : i32
      %dma_start3A_310 = tpu.memref_slice %arg10[%dma_start3A_308, %dma_start3A_309] : memref<10112x128xf32, #tpu.memory_space<vmem_shared>> -> memref<10112x128xf32, #tpu.memory_space<vmem_shared>>
      tpu.enqueue_indirect_dma source(%dma_start3A_304 : memref<128x128xf32, #tpu.memory_space<vmem>>) target(%dma_start3A_310 : memref<10112x128xf32, #tpu.memory_space<vmem_shared>>) offsets(%dma_start3A_307 : memref<128xi32, #tpu.memory_space<vmem>>) semaphore(%run_scoped3A_301 : memref<!tpu.dma_semaphore, #tpu.memory_space<semaphore_mem>>) {add = true}
      %dma_wait3A_311 = arith.constant 128 : i32
      %dma_wait3A_312 = arith.constant 0 : i32
      %dma_wait3A_313 = tpu.memref_slice %arg9[%dma_wait3A_311, %dma_wait3A_312] : memref<256x128xf32, #tpu.memory_space<vmem>> -> memref<128x128xf32, #tpu.memory_space<vmem>>
      %dma_wait3A_314 = arith.constant 0 : i32
      %dma_wait3A_315 = tpu.memref_slice %arg8[%run_scoped3A_207, %run_scoped3A_208, %dma_wait3A_314] : memref<2x8x128xi32, #tpu.memory_space<vmem>> -> memref<1x1x128xi32, #tpu.memory_space<vmem>>
      %dma_wait3A_316 = tpu.memref_squeeze %dma_wait3A_315 : memref<1x1x128xi32, #tpu.memory_space<vmem>> -> memref<128xi32, #tpu.memory_space<vmem>>
      %dma_wait3A_317 = arith.constant 0 : i32
      %dma_wait3A_318 = arith.constant 0 : i32
      %dma_wait3A_319 = tpu.memref_slice %arg10[%dma_wait3A_317, %dma_wait3A_318] : memref<10112x128xf32, #tpu.memory_space<vmem_shared>> -> memref<10112x128xf32, #tpu.memory_space<vmem_shared>>
      tpu.wait_indirect_dma semaphore(%run_scoped3A_301 : memref<!tpu.dma_semaphore, #tpu.memory_space<semaphore_mem>>) src(%dma_wait3A_313 : memref<128x128xf32, #tpu.memory_space<vmem>>) dst(%dma_wait3A_319 : memref<10112x128xf32, #tpu.memory_space<vmem_shared>>)
      tpu.yield
    }) : () -> ()
    %dma_start3A_209 = arith.constant 1 : i32
    %dma_start3A_210 = arith.constant 5 : i32
    %dma_start3A_211 = arith.constant 128 : i32
    %dma_start3A_212 = arith.constant 0 : i32
    %dma_start3A_213 = tpu.memref_slice %arg9[%dma_start3A_211, %dma_start3A_212] : memref<256x128xf32, #tpu.memory_space<vmem>> -> memref<128x128xf32, #tpu.memory_space<vmem>>
    %dma_start3A_214 = arith.constant 0 : i32
    %dma_start3A_215 = tpu.memref_slice %arg7[%dma_start3A_209, %dma_start3A_210, %dma_start3A_214] : memref<2x8x128xi32, #tpu.memory_space<vmem>> -> memref<1x1x128xi32, #tpu.memory_space<vmem>>
    %dma_start3A_216 = tpu.memref_squeeze %dma_start3A_215 : memref<1x1x128xi32, #tpu.memory_space<vmem>> -> memref<128xi32, #tpu.memory_space<vmem>>
    %dma_start3A_217 = arith.constant 0 : i32
    %dma_start3A_218 = arith.constant 0 : i32
    %dma_start3A_219 = tpu.memref_slice %arg2[%dma_start3A_217, %dma_start3A_218] : memref<10000x128xf32, #tpu.memory_space<hbm>> -> memref<10000x128xf32, #tpu.memory_space<hbm>>
    tpu.enqueue_indirect_dma source(%dma_start3A_219 : memref<10000x128xf32, #tpu.memory_space<hbm>>) target(%dma_start3A_213 : memref<128x128xf32, #tpu.memory_space<vmem>>) offsets(%dma_start3A_216 : memref<128xi32, #tpu.memory_space<vmem>>) semaphore(%arg12 : memref<!tpu.dma_semaphore, #tpu.memory_space<semaphore_mem>>)
    %dma_wait3A_220 = arith.constant 0 : i32
    %dma_wait3A_221 = arith.constant 0 : i32
    %dma_wait3A_222 = arith.constant 0 : i32
    %dma_wait3A_223 = arith.constant 0 : i32
    %dma_wait3A_224 = tpu.memref_slice %arg9[%dma_wait3A_222, %dma_wait3A_223] : memref<256x128xf32, #tpu.memory_space<vmem>> -> memref<128x128xf32, #tpu.memory_space<vmem>>
    %dma_wait3A_225 = arith.constant 0 : i32
    %dma_wait3A_226 = tpu.memref_slice %arg7[%dma_wait3A_220, %dma_wait3A_221, %dma_wait3A_225] : memref<2x8x128xi32, #tpu.memory_space<vmem>> -> memref<1x1x128xi32, #tpu.memory_space<vmem>>
    %dma_wait3A_227 = tpu.memref_squeeze %dma_wait3A_226 : memref<1x1x128xi32, #tpu.memory_space<vmem>> -> memref<128xi32, #tpu.memory_space<vmem>>
    %dma_wait3A_228 = arith.constant 0 : i32
    %dma_wait3A_229 = arith.constant 0 : i32
    %dma_wait3A_230 = tpu.memref_slice %arg2[%dma_wait3A_228, %dma_wait3A_229] : memref<10000x128xf32, #tpu.memory_space<hbm>> -> memref<10000x128xf32, #tpu.memory_space<hbm>>
    tpu.wait_indirect_dma semaphore(%arg11 : memref<!tpu.dma_semaphore, #tpu.memory_space<semaphore_mem>>) src(%dma_wait3A_230 : memref<10000x128xf32, #tpu.memory_space<hbm>>) dst(%dma_wait3A_224 : memref<128x128xf32, #tpu.memory_space<vmem>>)
    %run_scoped3A_231 = arith.constant 1 : i32
    %run_scoped3A_232 = arith.constant 4 : i32
    "tpu.region"() ({
      %run_scoped3A_301 = tpu.sem_alloc : memref<!tpu.dma_semaphore, #tpu.memory_space<semaphore_mem>>
      %dma_start3A_302 = arith.constant 0 : i32
      %dma_start3A_303 = arith.constant 0 : i32
      %dma_start3A_304 = tpu.memref_slice %arg9[%dma_start3A_302, %dma_start3A_303] : memref<256x128xf32, #tpu.memory_space<vmem>> -> memref<128x128xf32, #tpu.memory_space<vmem>>
      %dma_start3A_305 = arith.constant 0 : i32
      %dma_start3A_306 = tpu.memref_slice %arg8[%run_scoped3A_231, %run_scoped3A_232, %dma_start3A_305] : memref<2x8x128xi32, #tpu.memory_space<vmem>> -> memref<1x1x128xi32, #tpu.memory_space<vmem>>
      %dma_start3A_307 = tpu.memref_squeeze %dma_start3A_306 : memref<1x1x128xi32, #tpu.memory_space<vmem>> -> memref<128xi32, #tpu.memory_space<vmem>>
      %dma_start3A_308 = arith.constant 0 : i32
      %dma_start3A_309 = arith.constant 0 : i32
      %dma_start3A_310 = tpu.memref_slice %arg10[%dma_start3A_308, %dma_start3A_309] : memref<10112x128xf32, #tpu.memory_space<vmem_shared>> -> memref<10112x128xf32, #tpu.memory_space<vmem_shared>>
      tpu.enqueue_indirect_dma source(%dma_start3A_304 : memref<128x128xf32, #tpu.memory_space<vmem>>) target(%dma_start3A_310 : memref<10112x128xf32, #tpu.memory_space<vmem_shared>>) offsets(%dma_start3A_307 : memref<128xi32, #tpu.memory_space<vmem>>) semaphore(%run_scoped3A_301 : memref<!tpu.dma_semaphore, #tpu.memory_space<semaphore_mem>>) {add = true}
      %dma_wait3A_311 = arith.constant 0 : i32
      %dma_wait3A_312 = arith.constant 0 : i32
      %dma_wait3A_313 = tpu.memref_slice %arg9[%dma_wait3A_311, %dma_wait3A_312] : memref<256x128xf32, #tpu.memory_space<vmem>> -> memref<128x128xf32, #tpu.memory_space<vmem>>
      %dma_wait3A_314 = arith.constant 0 : i32
      %dma_wait3A_315 = tpu.memref_slice %arg8[%run_scoped3A_231, %run_scoped3A_232, %dma_wait3A_314] : memref<2x8x128xi32, #tpu.memory_space<vmem>> -> memref<1x1x128xi32, #tpu.memory_space<vmem>>
      %dma_wait3A_316 = tpu.memref_squeeze %dma_wait3A_315 : memref<1x1x128xi32, #tpu.memory_space<vmem>> -> memref<128xi32, #tpu.memory_space<vmem>>
      %dma_wait3A_317 = arith.constant 0 : i32
      %dma_wait3A_318 = arith.constant 0 : i32
      %dma_wait3A_319 = tpu.memref_slice %arg10[%dma_wait3A_317, %dma_wait3A_318] : memref<10112x128xf32, #tpu.memory_space<vmem_shared>> -> memref<10112x128xf32, #tpu.memory_space<vmem_shared>>
      tpu.wait_indirect_dma semaphore(%run_scoped3A_301 : memref<!tpu.dma_semaphore, #tpu.memory_space<semaphore_mem>>) src(%dma_wait3A_313 : memref<128x128xf32, #tpu.memory_space<vmem>>) dst(%dma_wait3A_319 : memref<10112x128xf32, #tpu.memory_space<vmem_shared>>)
      tpu.yield
    }) : () -> ()
    %dma_start3A_233 = arith.constant 1 : i32
    %dma_start3A_234 = arith.constant 6 : i32
    %dma_start3A_235 = arith.constant 0 : i32
    %dma_start3A_236 = arith.constant 0 : i32
    %dma_start3A_237 = tpu.memref_slice %arg9[%dma_start3A_235, %dma_start3A_236] : memref<256x128xf32, #tpu.memory_space<vmem>> -> memref<128x128xf32, #tpu.memory_space<vmem>>
    %dma_start3A_238 = arith.constant 0 : i32
    %dma_start3A_239 = tpu.memref_slice %arg7[%dma_start3A_233, %dma_start3A_234, %dma_start3A_238] : memref<2x8x128xi32, #tpu.memory_space<vmem>> -> memref<1x1x128xi32, #tpu.memory_space<vmem>>
    %dma_start3A_240 = tpu.memref_squeeze %dma_start3A_239 : memref<1x1x128xi32, #tpu.memory_space<vmem>> -> memref<128xi32, #tpu.memory_space<vmem>>
    %dma_start3A_241 = arith.constant 0 : i32
    %dma_start3A_242 = arith.constant 0 : i32
    %dma_start3A_243 = tpu.memref_slice %arg2[%dma_start3A_241, %dma_start3A_242] : memref<10000x128xf32, #tpu.memory_space<hbm>> -> memref<10000x128xf32, #tpu.memory_space<hbm>>
    tpu.enqueue_indirect_dma source(%dma_start3A_243 : memref<10000x128xf32, #tpu.memory_space<hbm>>) target(%dma_start3A_237 : memref<128x128xf32, #tpu.memory_space<vmem>>) offsets(%dma_start3A_240 : memref<128xi32, #tpu.memory_space<vmem>>) semaphore(%arg11 : memref<!tpu.dma_semaphore, #tpu.memory_space<semaphore_mem>>)
    %dma_wait3A_244 = arith.constant 0 : i32
    %dma_wait3A_245 = arith.constant 0 : i32
    %dma_wait3A_246 = arith.constant 128 : i32
    %dma_wait3A_247 = arith.constant 0 : i32
    %dma_wait3A_248 = tpu.memref_slice %arg9[%dma_wait3A_246, %dma_wait3A_247] : memref<256x128xf32, #tpu.memory_space<vmem>> -> memref<128x128xf32, #tpu.memory_space<vmem>>
    %dma_wait3A_249 = arith.constant 0 : i32
    %dma_wait3A_250 = tpu.memref_slice %arg7[%dma_wait3A_244, %dma_wait3A_245, %dma_wait3A_249] : memref<2x8x128xi32, #tpu.memory_space<vmem>> -> memref<1x1x128xi32, #tpu.memory_space<vmem>>
    %dma_wait3A_251 = tpu.memref_squeeze %dma_wait3A_250 : memref<1x1x128xi32, #tpu.memory_space<vmem>> -> memref<128xi32, #tpu.memory_space<vmem>>
    %dma_wait3A_252 = arith.constant 0 : i32
    %dma_wait3A_253 = arith.constant 0 : i32
    %dma_wait3A_254 = tpu.memref_slice %arg2[%dma_wait3A_252, %dma_wait3A_253] : memref<10000x128xf32, #tpu.memory_space<hbm>> -> memref<10000x128xf32, #tpu.memory_space<hbm>>
    tpu.wait_indirect_dma semaphore(%arg12 : memref<!tpu.dma_semaphore, #tpu.memory_space<semaphore_mem>>) src(%dma_wait3A_254 : memref<10000x128xf32, #tpu.memory_space<hbm>>) dst(%dma_wait3A_248 : memref<128x128xf32, #tpu.memory_space<vmem>>)
    %run_scoped3A_255 = arith.constant 1 : i32
    %run_scoped3A_256 = arith.constant 5 : i32
    "tpu.region"() ({
      %run_scoped3A_301 = tpu.sem_alloc : memref<!tpu.dma_semaphore, #tpu.memory_space<semaphore_mem>>
      %dma_start3A_302 = arith.constant 128 : i32
      %dma_start3A_303 = arith.constant 0 : i32
      %dma_start3A_304 = tpu.memref_slice %arg9[%dma_start3A_302, %dma_start3A_303] : memref<256x128xf32, #tpu.memory_space<vmem>> -> memref<128x128xf32, #tpu.memory_space<vmem>>
      %dma_start3A_305 = arith.constant 0 : i32
      %dma_start3A_306 = tpu.memref_slice %arg8[%run_scoped3A_255, %run_scoped3A_256, %dma_start3A_305] : memref<2x8x128xi32, #tpu.memory_space<vmem>> -> memref<1x1x128xi32, #tpu.memory_space<vmem>>
      %dma_start3A_307 = tpu.memref_squeeze %dma_start3A_306 : memref<1x1x128xi32, #tpu.memory_space<vmem>> -> memref<128xi32, #tpu.memory_space<vmem>>
      %dma_start3A_308 = arith.constant 0 : i32
      %dma_start3A_309 = arith.constant 0 : i32
      %dma_start3A_310 = tpu.memref_slice %arg10[%dma_start3A_308, %dma_start3A_309] : memref<10112x128xf32, #tpu.memory_space<vmem_shared>> -> memref<10112x128xf32, #tpu.memory_space<vmem_shared>>
      tpu.enqueue_indirect_dma source(%dma_start3A_304 : memref<128x128xf32, #tpu.memory_space<vmem>>) target(%dma_start3A_310 : memref<10112x128xf32, #tpu.memory_space<vmem_shared>>) offsets(%dma_start3A_307 : memref<128xi32, #tpu.memory_space<vmem>>) semaphore(%run_scoped3A_301 : memref<!tpu.dma_semaphore, #tpu.memory_space<semaphore_mem>>) {add = true}
      %dma_wait3A_311 = arith.constant 128 : i32
      %dma_wait3A_312 = arith.constant 0 : i32
      %dma_wait3A_313 = tpu.memref_slice %arg9[%dma_wait3A_311, %dma_wait3A_312] : memref<256x128xf32, #tpu.memory_space<vmem>> -> memref<128x128xf32, #tpu.memory_space<vmem>>
      %dma_wait3A_314 = arith.constant 0 : i32
      %dma_wait3A_315 = tpu.memref_slice %arg8[%run_scoped3A_255, %run_scoped3A_256, %dma_wait3A_314] : memref<2x8x128xi32, #tpu.memory_space<vmem>> -> memref<1x1x128xi32, #tpu.memory_space<vmem>>
      %dma_wait3A_316 = tpu.memref_squeeze %dma_wait3A_315 : memref<1x1x128xi32, #tpu.memory_space<vmem>> -> memref<128xi32, #tpu.memory_space<vmem>>
      %dma_wait3A_317 = arith.constant 0 : i32
      %dma_wait3A_318 = arith.constant 0 : i32
      %dma_wait3A_319 = tpu.memref_slice %arg10[%dma_wait3A_317, %dma_wait3A_318] : memref<10112x128xf32, #tpu.memory_space<vmem_shared>> -> memref<10112x128xf32, #tpu.memory_space<vmem_shared>>
      tpu.wait_indirect_dma semaphore(%run_scoped3A_301 : memref<!tpu.dma_semaphore, #tpu.memory_space<semaphore_mem>>) src(%dma_wait3A_313 : memref<128x128xf32, #tpu.memory_space<vmem>>) dst(%dma_wait3A_319 : memref<10112x128xf32, #tpu.memory_space<vmem_shared>>)
      tpu.yield
    }) : () -> ()
    %dma_start3A_257 = arith.constant 1 : i32
    %dma_start3A_258 = arith.constant 7 : i32
    %dma_start3A_259 = arith.constant 128 : i32
    %dma_start3A_260 = arith.constant 0 : i32
    %dma_start3A_261 = tpu.memref_slice %arg9[%dma_start3A_259, %dma_start3A_260] : memref<256x128xf32, #tpu.memory_space<vmem>> -> memref<128x128xf32, #tpu.memory_space<vmem>>
    %dma_start3A_262 = arith.constant 0 : i32
    %dma_start3A_263 = tpu.memref_slice %arg7[%dma_start3A_257, %dma_start3A_258, %dma_start3A_262] : memref<2x8x128xi32, #tpu.memory_space<vmem>> -> memref<1x1x128xi32, #tpu.memory_space<vmem>>
    %dma_start3A_264 = tpu.memref_squeeze %dma_start3A_263 : memref<1x1x128xi32, #tpu.memory_space<vmem>> -> memref<128xi32, #tpu.memory_space<vmem>>
    %dma_start3A_265 = arith.constant 0 : i32
    %dma_start3A_266 = arith.constant 0 : i32
    %dma_start3A_267 = tpu.memref_slice %arg2[%dma_start3A_265, %dma_start3A_266] : memref<10000x128xf32, #tpu.memory_space<hbm>> -> memref<10000x128xf32, #tpu.memory_space<hbm>>
    tpu.enqueue_indirect_dma source(%dma_start3A_267 : memref<10000x128xf32, #tpu.memory_space<hbm>>) target(%dma_start3A_261 : memref<128x128xf32, #tpu.memory_space<vmem>>) offsets(%dma_start3A_264 : memref<128xi32, #tpu.memory_space<vmem>>) semaphore(%arg12 : memref<!tpu.dma_semaphore, #tpu.memory_space<semaphore_mem>>)
    %dma_wait3A_268 = arith.constant 0 : i32
    %dma_wait3A_269 = arith.constant 0 : i32
    %dma_wait3A_270 = arith.constant 0 : i32
    %dma_wait3A_271 = arith.constant 0 : i32
    %dma_wait3A_272 = tpu.memref_slice %arg9[%dma_wait3A_270, %dma_wait3A_271] : memref<256x128xf32, #tpu.memory_space<vmem>> -> memref<128x128xf32, #tpu.memory_space<vmem>>
    %dma_wait3A_273 = arith.constant 0 : i32
    %dma_wait3A_274 = tpu.memref_slice %arg7[%dma_wait3A_268, %dma_wait3A_269, %dma_wait3A_273] : memref<2x8x128xi32, #tpu.memory_space<vmem>> -> memref<1x1x128xi32, #tpu.memory_space<vmem>>
    %dma_wait3A_275 = tpu.memref_squeeze %dma_wait3A_274 : memref<1x1x128xi32, #tpu.memory_space<vmem>> -> memref<128xi32, #tpu.memory_space<vmem>>
    %dma_wait3A_276 = arith.constant 0 : i32
    %dma_wait3A_277 = arith.constant 0 : i32
    %dma_wait3A_278 = tpu.memref_slice %arg2[%dma_wait3A_276, %dma_wait3A_277] : memref<10000x128xf32, #tpu.memory_space<hbm>> -> memref<10000x128xf32, #tpu.memory_space<hbm>>
    tpu.wait_indirect_dma semaphore(%arg11 : memref<!tpu.dma_semaphore, #tpu.memory_space<semaphore_mem>>) src(%dma_wait3A_278 : memref<10000x128xf32, #tpu.memory_space<hbm>>) dst(%dma_wait3A_272 : memref<128x128xf32, #tpu.memory_space<vmem>>)
    %run_scoped3A_279 = arith.constant 1 : i32
    %run_scoped3A_280 = arith.constant 6 : i32
    "tpu.region"() ({
      %run_scoped3A_301 = tpu.sem_alloc : memref<!tpu.dma_semaphore, #tpu.memory_space<semaphore_mem>>
      %dma_start3A_302 = arith.constant 0 : i32
      %dma_start3A_303 = arith.constant 0 : i32
      %dma_start3A_304 = tpu.memref_slice %arg9[%dma_start3A_302, %dma_start3A_303] : memref<256x128xf32, #tpu.memory_space<vmem>> -> memref<128x128xf32, #tpu.memory_space<vmem>>
      %dma_start3A_305 = arith.constant 0 : i32
      %dma_start3A_306 = tpu.memref_slice %arg8[%run_scoped3A_279, %run_scoped3A_280, %dma_start3A_305] : memref<2x8x128xi32, #tpu.memory_space<vmem>> -> memref<1x1x128xi32, #tpu.memory_space<vmem>>
      %dma_start3A_307 = tpu.memref_squeeze %dma_start3A_306 : memref<1x1x128xi32, #tpu.memory_space<vmem>> -> memref<128xi32, #tpu.memory_space<vmem>>
      %dma_start3A_308 = arith.constant 0 : i32
      %dma_start3A_309 = arith.constant 0 : i32
      %dma_start3A_310 = tpu.memref_slice %arg10[%dma_start3A_308, %dma_start3A_309] : memref<10112x128xf32, #tpu.memory_space<vmem_shared>> -> memref<10112x128xf32, #tpu.memory_space<vmem_shared>>
      tpu.enqueue_indirect_dma source(%dma_start3A_304 : memref<128x128xf32, #tpu.memory_space<vmem>>) target(%dma_start3A_310 : memref<10112x128xf32, #tpu.memory_space<vmem_shared>>) offsets(%dma_start3A_307 : memref<128xi32, #tpu.memory_space<vmem>>) semaphore(%run_scoped3A_301 : memref<!tpu.dma_semaphore, #tpu.memory_space<semaphore_mem>>) {add = true}
      %dma_wait3A_311 = arith.constant 0 : i32
      %dma_wait3A_312 = arith.constant 0 : i32
      %dma_wait3A_313 = tpu.memref_slice %arg9[%dma_wait3A_311, %dma_wait3A_312] : memref<256x128xf32, #tpu.memory_space<vmem>> -> memref<128x128xf32, #tpu.memory_space<vmem>>
      %dma_wait3A_314 = arith.constant 0 : i32
      %dma_wait3A_315 = tpu.memref_slice %arg8[%run_scoped3A_279, %run_scoped3A_280, %dma_wait3A_314] : memref<2x8x128xi32, #tpu.memory_space<vmem>> -> memref<1x1x128xi32, #tpu.memory_space<vmem>>
      %dma_wait3A_316 = tpu.memref_squeeze %dma_wait3A_315 : memref<1x1x128xi32, #tpu.memory_space<vmem>> -> memref<128xi32, #tpu.memory_space<vmem>>
      %dma_wait3A_317 = arith.constant 0 : i32
      %dma_wait3A_318 = arith.constant 0 : i32
      %dma_wait3A_319 = tpu.memref_slice %arg10[%dma_wait3A_317, %dma_wait3A_318] : memref<10112x128xf32, #tpu.memory_space<vmem_shared>> -> memref<10112x128xf32, #tpu.memory_space<vmem_shared>>
      tpu.wait_indirect_dma semaphore(%run_scoped3A_301 : memref<!tpu.dma_semaphore, #tpu.memory_space<semaphore_mem>>) src(%dma_wait3A_313 : memref<128x128xf32, #tpu.memory_space<vmem>>) dst(%dma_wait3A_319 : memref<10112x128xf32, #tpu.memory_space<vmem_shared>>)
      tpu.yield
    }) : () -> ()
    %dma_wait3A_281 = arith.constant 0 : i32
    %dma_wait3A_282 = arith.constant 0 : i32
    %dma_wait3A_283 = arith.constant 128 : i32
    %dma_wait3A_284 = arith.constant 0 : i32
    %dma_wait3A_285 = tpu.memref_slice %arg9[%dma_wait3A_283, %dma_wait3A_284] : memref<256x128xf32, #tpu.memory_space<vmem>> -> memref<128x128xf32, #tpu.memory_space<vmem>>
    %dma_wait3A_286 = arith.constant 0 : i32
    %dma_wait3A_287 = tpu.memref_slice %arg7[%dma_wait3A_281, %dma_wait3A_282, %dma_wait3A_286] : memref<2x8x128xi32, #tpu.memory_space<vmem>> -> memref<1x1x128xi32, #tpu.memory_space<vmem>>
    %dma_wait3A_288 = tpu.memref_squeeze %dma_wait3A_287 : memref<1x1x128xi32, #tpu.memory_space<vmem>> -> memref<128xi32, #tpu.memory_space<vmem>>
    %dma_wait3A_289 = arith.constant 0 : i32
    %dma_wait3A_290 = arith.constant 0 : i32
    %dma_wait3A_291 = tpu.memref_slice %arg2[%dma_wait3A_289, %dma_wait3A_290] : memref<10000x128xf32, #tpu.memory_space<hbm>> -> memref<10000x128xf32, #tpu.memory_space<hbm>>
    tpu.wait_indirect_dma semaphore(%arg12 : memref<!tpu.dma_semaphore, #tpu.memory_space<semaphore_mem>>) src(%dma_wait3A_291 : memref<10000x128xf32, #tpu.memory_space<hbm>>) dst(%dma_wait3A_285 : memref<128x128xf32, #tpu.memory_space<vmem>>)
    %run_scoped3A_292 = arith.constant 1 : i32
    %run_scoped3A_293 = arith.constant 7 : i32
    "tpu.region"() ({
      %run_scoped3A_301 = tpu.sem_alloc : memref<!tpu.dma_semaphore, #tpu.memory_space<semaphore_mem>>
      %dma_start3A_302 = arith.constant 128 : i32
      %dma_start3A_303 = arith.constant 0 : i32
      %dma_start3A_304 = tpu.memref_slice %arg9[%dma_start3A_302, %dma_start3A_303] : memref<256x128xf32, #tpu.memory_space<vmem>> -> memref<128x128xf32, #tpu.memory_space<vmem>>
      %dma_start3A_305 = arith.constant 0 : i32
      %dma_start3A_306 = tpu.memref_slice %arg8[%run_scoped3A_292, %run_scoped3A_293, %dma_start3A_305] : memref<2x8x128xi32, #tpu.memory_space<vmem>> -> memref<1x1x128xi32, #tpu.memory_space<vmem>>
      %dma_start3A_307 = tpu.memref_squeeze %dma_start3A_306 : memref<1x1x128xi32, #tpu.memory_space<vmem>> -> memref<128xi32, #tpu.memory_space<vmem>>
      %dma_start3A_308 = arith.constant 0 : i32
      %dma_start3A_309 = arith.constant 0 : i32
      %dma_start3A_310 = tpu.memref_slice %arg10[%dma_start3A_308, %dma_start3A_309] : memref<10112x128xf32, #tpu.memory_space<vmem_shared>> -> memref<10112x128xf32, #tpu.memory_space<vmem_shared>>
      tpu.enqueue_indirect_dma source(%dma_start3A_304 : memref<128x128xf32, #tpu.memory_space<vmem>>) target(%dma_start3A_310 : memref<10112x128xf32, #tpu.memory_space<vmem_shared>>) offsets(%dma_start3A_307 : memref<128xi32, #tpu.memory_space<vmem>>) semaphore(%run_scoped3A_301 : memref<!tpu.dma_semaphore, #tpu.memory_space<semaphore_mem>>) {add = true}
      %dma_wait3A_311 = arith.constant 128 : i32
      %dma_wait3A_312 = arith.constant 0 : i32
      %dma_wait3A_313 = tpu.memref_slice %arg9[%dma_wait3A_311, %dma_wait3A_312] : memref<256x128xf32, #tpu.memory_space<vmem>> -> memref<128x128xf32, #tpu.memory_space<vmem>>
      %dma_wait3A_314 = arith.constant 0 : i32
      %dma_wait3A_315 = tpu.memref_slice %arg8[%run_scoped3A_292, %run_scoped3A_293, %dma_wait3A_314] : memref<2x8x128xi32, #tpu.memory_space<vmem>> -> memref<1x1x128xi32, #tpu.memory_space<vmem>>
      %dma_wait3A_316 = tpu.memref_squeeze %dma_wait3A_315 : memref<1x1x128xi32, #tpu.memory_space<vmem>> -> memref<128xi32, #tpu.memory_space<vmem>>
      %dma_wait3A_317 = arith.constant 0 : i32
      %dma_wait3A_318 = arith.constant 0 : i32
      %dma_wait3A_319 = tpu.memref_slice %arg10[%dma_wait3A_317, %dma_wait3A_318] : memref<10112x128xf32, #tpu.memory_space<vmem_shared>> -> memref<10112x128xf32, #tpu.memory_space<vmem_shared>>
      tpu.wait_indirect_dma semaphore(%run_scoped3A_301 : memref<!tpu.dma_semaphore, #tpu.memory_space<semaphore_mem>>) src(%dma_wait3A_313 : memref<128x128xf32, #tpu.memory_space<vmem>>) dst(%dma_wait3A_319 : memref<10112x128xf32, #tpu.memory_space<vmem_shared>>)
      tpu.yield
    }) : () -> ()
    %barrier3A_294 = arith.constant 0 : index
    tpu.barrier barrier_id(%barrier3A_294)
    %lt3A = arith.constant 15 : i32
    %lt3A_295 = arith.cmpi slt, %arg1, %lt3A : i32
    %convert_element_type3A = arith.extui %lt3A_295 : i1 to i32
    %cond3A = arith.constant 0 : i32
    %cond3A_296 = arith.cmpi ne, %convert_element_type3A, %cond3A : i32
    scf.if %cond3A_296 {
      %mul3A_301 = arith.constant 632 : i32
      %mul3A_302 = arith.muli %arg1, %mul3A_301 : i32
      %mul3A_303 = arith.constant 632 : i32
      %mul3A_304 = arith.muli %arg1, %mul3A_303 : i32
      "tpu.region"() ({
        %run_scoped3A_305 = tpu.sem_alloc : memref<!tpu.dma_semaphore, #tpu.memory_space<semaphore_mem>>
        %dma_start3A_306 = arith.constant 0 : i32
        %dma_start3A_307 = tpu.memref_slice %arg6[%arg0, %mul3A_304, %dma_start3A_306] : memref<2x10000x128xf32, #tpu.memory_space<hbm>> -> memref<1x632x128xf32, #tpu.memory_space<hbm>>
        %dma_start3A_308 = tpu.memref_squeeze %dma_start3A_307 : memref<1x632x128xf32, #tpu.memory_space<hbm>> -> memref<632x128xf32, #tpu.memory_space<hbm>>
        %dma_start3A_309 = arith.constant 0 : i32
        %dma_start3A_310 = tpu.memref_slice %arg10[%mul3A_302, %dma_start3A_309] : memref<10112x128xf32, #tpu.memory_space<vmem_shared>> -> memref<632x128xf32, #tpu.memory_space<vmem_shared>>
        tpu.enqueue_dma source(%dma_start3A_310 : memref<632x128xf32, #tpu.memory_space<vmem_shared>>) target(%dma_start3A_308 : memref<632x128xf32, #tpu.memory_space<hbm>>) target_semaphore(%run_scoped3A_305 : memref<!tpu.dma_semaphore, #tpu.memory_space<semaphore_mem>>)
        %dma_wait3A_311 = arith.constant 0 : i32
        %dma_wait3A_312 = tpu.memref_slice %arg6[%arg0, %mul3A_304, %dma_wait3A_311] : memref<2x10000x128xf32, #tpu.memory_space<hbm>> -> memref<1x632x128xf32, #tpu.memory_space<hbm>>
        %dma_wait3A_313 = tpu.memref_squeeze %dma_wait3A_312 : memref<1x632x128xf32, #tpu.memory_space<hbm>> -> memref<632x128xf32, #tpu.memory_space<hbm>>
        %dma_wait3A_314 = arith.constant 0 : i32
        %dma_wait3A_315 = tpu.memref_slice %arg10[%mul3A_302, %dma_wait3A_314] : memref<10112x128xf32, #tpu.memory_space<vmem_shared>> -> memref<632x128xf32, #tpu.memory_space<vmem_shared>>
        tpu.wait_dma2 semaphore(%run_scoped3A_305 : memref<!tpu.dma_semaphore, #tpu.memory_space<semaphore_mem>>) src(%dma_wait3A_315 : memref<632x128xf32, #tpu.memory_space<vmem_shared>>) dst(%dma_wait3A_313 : memref<632x128xf32, #tpu.memory_space<hbm>>)
        tpu.yield
      }) : () -> ()
    } else {
    }
    %eq3A = arith.constant 15 : i32
    %eq3A_297 = arith.cmpi eq, %arg1, %eq3A : i32
    %convert_element_type3A_298 = arith.extui %eq3A_297 : i1 to i32
    %cond3A_299 = arith.constant 0 : i32
    %cond3A_300 = arith.cmpi ne, %convert_element_type3A_298, %cond3A_299 : i32
    scf.if %cond3A_300 {
      "tpu.region"() ({
        %run_scoped3A_301 = tpu.sem_alloc : memref<!tpu.dma_semaphore, #tpu.memory_space<semaphore_mem>>
        %dma_start3A_302 = arith.constant 9480 : i32
        %dma_start3A_303 = arith.constant 0 : i32
        %dma_start3A_304 = tpu.memref_slice %arg6[%arg0, %dma_start3A_302, %dma_start3A_303] : memref<2x10000x128xf32, #tpu.memory_space<hbm>> -> memref<1x520x128xf32, #tpu.memory_space<hbm>>
        %dma_start3A_305 = tpu.memref_squeeze %dma_start3A_304 : memref<1x520x128xf32, #tpu.memory_space<hbm>> -> memref<520x128xf32, #tpu.memory_space<hbm>>
        %dma_start3A_306 = arith.constant 9480 : i32
        %dma_start3A_307 = arith.constant 0 : i32
        %dma_start3A_308 = tpu.memref_slice %arg10[%dma_start3A_306, %dma_start3A_307] : memref<10112x128xf32, #tpu.memory_space<vmem_shared>> -> memref<520x128xf32, #tpu.memory_space<vmem_shared>>
        tpu.enqueue_dma source(%dma_start3A_308 : memref<520x128xf32, #tpu.memory_space<vmem_shared>>) target(%dma_start3A_305 : memref<520x128xf32, #tpu.memory_space<hbm>>) target_semaphore(%run_scoped3A_301 : memref<!tpu.dma_semaphore, #tpu.memory_space<semaphore_mem>>)
        %dma_wait3A_309 = arith.constant 9480 : i32
        %dma_wait3A_310 = arith.constant 0 : i32
        %dma_wait3A_311 = tpu.memref_slice %arg6[%arg0, %dma_wait3A_309, %dma_wait3A_310] : memref<2x10000x128xf32, #tpu.memory_space<hbm>> -> memref<1x520x128xf32, #tpu.memory_space<hbm>>
        %dma_wait3A_312 = tpu.memref_squeeze %dma_wait3A_311 : memref<1x520x128xf32, #tpu.memory_space<hbm>> -> memref<520x128xf32, #tpu.memory_space<hbm>>
        %dma_wait3A_313 = arith.constant 9480 : i32
        %dma_wait3A_314 = arith.constant 0 : i32
        %dma_wait3A_315 = tpu.memref_slice %arg10[%dma_wait3A_313, %dma_wait3A_314] : memref<10112x128xf32, #tpu.memory_space<vmem_shared>> -> memref<520x128xf32, #tpu.memory_space<vmem_shared>>
        tpu.wait_dma2 semaphore(%run_scoped3A_301 : memref<!tpu.dma_semaphore, #tpu.memory_space<semaphore_mem>>) src(%dma_wait3A_315 : memref<520x128xf32, #tpu.memory_space<vmem_shared>>) dst(%dma_wait3A_312 : memref<520x128xf32, #tpu.memory_space<hbm>>)
        tpu.yield
      }) : () -> ()
    } else {
    }
    return
  }
}

module attributes {stable_mosaic.version = 14 : i64} {
  func.func @body(%arg0: memref<2x10000x128xf32, #tpu.memory_space<vmem>>, %arg1: memref<128x128xf32, #tpu.memory_space<vmem>>, %arg2: memref<1x128xf32, #tpu.memory_space<vmem>>, %arg3: memref<10000x128xf32, #tpu.memory_space<vmem>>) attributes {dimension_semantics = [], scalar_prefetch = 0 : i64, scratch_operands = 0 : i64, tpu.core_type = #tpu.core_type<tc>} {
    %get3A = arith.constant 0 : index
    %get3A_0 = arith.constant 0 : index
    %get3A_1 = arith.constant 0 : index
    %get3A_2 = vector.load %arg0[%get3A, %get3A_0, %get3A_1] : memref<2x10000x128xf32, #tpu.memory_space<vmem>>, vector<1x10000x128xf32>
    %get3A_3 = vector.shape_cast %get3A_2 : vector<1x10000x128xf32> to vector<10000x128xf32>
    %get3A_4 = arith.constant 1 : index
    %get3A_5 = arith.constant 0 : index
    %get3A_6 = arith.constant 0 : index
    %get3A_7 = vector.load %arg0[%get3A_4, %get3A_5, %get3A_6] : memref<2x10000x128xf32, #tpu.memory_space<vmem>>, vector<1x10000x128xf32>
    %get3A_8 = vector.shape_cast %get3A_7 : vector<1x10000x128xf32> to vector<10000x128xf32>
    %add3A = arith.addf %get3A_3, %get3A_8 : vector<10000x128xf32>
    %get3A_9 = arith.constant 0 : index
    %get3A_10 = arith.constant 0 : index
    %get3A_11 = vector.load %arg1[%get3A_9, %get3A_10] : memref<128x128xf32, #tpu.memory_space<vmem>>, vector<128x128xf32>
    %dot_general3A = arith.constant dense<0.000000e+00> : vector<10000x128xf32>
    %dot_general3A_12 = tpu.matmul %add3A, %get3A_11, %dot_general3A {dimension_numbers = #tpu.dot_dimension_numbers<[1], [0], [0], [1], [0, 0, 1, 1], [], []>, precision = #tpu.contract_precision<fp32>, transpose_lhs_hint = false} : vector<10000x128xf32>, vector<128x128xf32>, vector<10000x128xf32> -> vector<10000x128xf32>
    %get3A_13 = arith.constant 0 : index
    %get3A_14 = arith.constant 0 : index
    %get3A_15 = vector.load %arg2[%get3A_13, %get3A_14] : memref<1x128xf32, #tpu.memory_space<vmem>>, vector<1x128xf32>
    %add3A_16 = vector.broadcast %get3A_15 : vector<1x128xf32> to vector<10000x128xf32>
    %add3A_17 = arith.addf %dot_general3A_12, %add3A_16 : vector<10000x128xf32>
    %swap3A = arith.constant 0 : index
    %swap3A_18 = arith.constant 0 : index
    %swap3A_19 = vector.load %arg3[%swap3A, %swap3A_18] : memref<10000x128xf32, #tpu.memory_space<vmem>>, vector<10000x128xf32>
    tpu.vector_store %arg3[%swap3A, %swap3A_18], %add3A_17 {strides = array<i32>} : memref<10000x128xf32, #tpu.memory_space<vmem>>, vector<10000x128xf32>,
    return
  }
}

module attributes {stable_mosaic.version = 14 : i64} {
  func.func @body(%arg0: memref<2x10000x128xf32, #tpu.memory_space<vmem>>, %arg1: memref<128x128xf32, #tpu.memory_space<vmem>>, %arg2: memref<1x128xf32, #tpu.memory_space<vmem>>, %arg3: memref<10000x128xf32, #tpu.memory_space<vmem>>) attributes {dimension_semantics = [], scalar_prefetch = 0 : i64, scratch_operands = 0 : i64, tpu.core_type = #tpu.core_type<tc>} {
    %get3A = arith.constant 0 : index
    %get3A_0 = arith.constant 0 : index
    %get3A_1 = arith.constant 0 : index
    %get3A_2 = vector.load %arg0[%get3A, %get3A_0, %get3A_1] : memref<2x10000x128xf32, #tpu.memory_space<vmem>>, vector<1x10000x128xf32>
    %get3A_3 = vector.shape_cast %get3A_2 : vector<1x10000x128xf32> to vector<10000x128xf32>
    %get3A_4 = arith.constant 1 : index
    %get3A_5 = arith.constant 0 : index
    %get3A_6 = arith.constant 0 : index
    %get3A_7 = vector.load %arg0[%get3A_4, %get3A_5, %get3A_6] : memref<2x10000x128xf32, #tpu.memory_space<vmem>>, vector<1x10000x128xf32>
    %get3A_8 = vector.shape_cast %get3A_7 : vector<1x10000x128xf32> to vector<10000x128xf32>
    %add3A = arith.addf %get3A_3, %get3A_8 : vector<10000x128xf32>
    %get3A_9 = arith.constant 0 : index
    %get3A_10 = arith.constant 0 : index
    %get3A_11 = vector.load %arg1[%get3A_9, %get3A_10] : memref<128x128xf32, #tpu.memory_space<vmem>>, vector<128x128xf32>
    %dot_general3A = arith.constant dense<0.000000e+00> : vector<10000x128xf32>
    %dot_general3A_12 = tpu.matmul %add3A, %get3A_11, %dot_general3A {dimension_numbers = #tpu.dot_dimension_numbers<[1], [0], [0], [1], [0, 0, 1, 1], [], []>, precision = #tpu.contract_precision<fp32>, transpose_lhs_hint = false} : vector<10000x128xf32>, vector<128x128xf32>, vector<10000x128xf32> -> vector<10000x128xf32>
    %get3A_13 = arith.constant 0 : index
    %get3A_14 = arith.constant 0 : index
    %get3A_15 = vector.load %arg2[%get3A_13, %get3A_14] : memref<1x128xf32, #tpu.memory_space<vmem>>, vector<1x128xf32>
    %add3A_16 = vector.broadcast %get3A_15 : vector<1x128xf32> to vector<10000x128xf32>
    %add3A_17 = arith.addf %dot_general3A_12, %add3A_16 : vector<10000x128xf32>
    %max3A = arith.constant 0.000000e+00 : f32
    %max3A_18 = vector.broadcast %max3A : f32 to vector<10000x128xf32>
    %max3A_19 = arith.maximumf %add3A_17, %max3A_18 : vector<10000x128xf32>
    %swap3A = arith.constant 0 : index
    %swap3A_20 = arith.constant 0 : index
    %swap3A_21 = vector.load %arg3[%swap3A, %swap3A_20] : memref<10000x128xf32, #tpu.memory_space<vmem>>, vector<10000x128xf32>
    tpu.vector_store %arg3[%swap3A, %swap3A_20], %max3A_19 {strides = array<i32>} : memref<10000x128xf32, #tpu.memory_space<vmem>>, vector<10000x128xf32>,
    return
  }
}

</mosaic_0001>

<sc_bundles>
// kernel: kernel.6.cloned.1.call-start
scs
__scs_entry_jumppad:
0x0: {  	(pc) =	sbr.rel $0x88, $3  }
0x1: {  	(tag) =	ssettag $0x0;
	lr =	simm.s32 $0x1  }
0x2: {  	[smem:$0x3F9B] =	sst lr;
	_ =	strace $0xD0000000  }
0x3: {  	_ = 	snop  }
0x4: {  	_ = 	snop  }
0x5: {  	_ = 	snop  }
0x6: {  	_ = 	snop  }
0x7: {  	_ = 	snop  }
__scs_overlays_trampoline_lowered:
0x8: {  	[smem:$0x3FAA] =	sst s0  }
0x9: {  	[smem:$0x3FAB] =	sst s1  }
0xa: {  	[smem:$0x3FAC] =	sst s2  }
0xb: {  	[smem:$0x3FAD] =	sst s3  }
0xc: {  	[smem:$0x3FAE] =	sst s4  }
0xd: {  	[smem:$0x3FAF] =	sst s5  }
0xe: {  	[smem:$0x3FB0] =	sst s6  }
0xf: {  	[smem:$0x3FB1] =	sst s7  }
0x10: {  	[smem:$0x3FB2] =	sst s8  }
0x11: {  	[smem:$0x3FB3] =	sst s9;
	s0 =	simm.s32 @!p0 $0x0  }
0x12: {  	s1 =	sld [smem:$0x3F99];
	s0 =	simm.s32 @p0 $0x1  }
0x13: {  	[smem:$0x3FB4] =	sst s0;
	s0 =	simm.s32 @!p1 $0x0  }
0x14: {  	s2 =	sld [smem:$0x3F98];
	s0 =	simm.s32 @p1 $0x1  }
0x15: {  	[smem:$0x3FB5] =	sst s0;
	s0 =	simm.s32 @!p2 $0x0  }
0x16: {  	s3 =	sld [smem:$0x3FDB];
	s0 =	simm.s32 @p2 $0x1  }
0x17: {  	s4 =	simm.s32 $0x1BF5;
	[smem:$0x3FB7] =	sst s0  }
0x18: {  	s0 =	sld [smem:$0x3F9A];
	_ =	swait.ge [sflag:s4], $0x0  }
0x19: {  	s7 =	sld [smem:$0x3F9B]  }
0x1a: {  	s8 =	sadd.s32 $0xFFFFE003, lr  }
0x1b: {  	s9 =	sadd.s32 $0xFFFFFEF7, lr;
	s5 =	simm.s32 $0xFFFFFFFF;
	p2 =	slt.u32 s8, $0xFFFFF086  }
0x1c: {  	p1 =	slt.u32 s9, $0xF7A;
	s5 =	simm.s32 @!p2 $0x0  }
0x1d: {  	s5 =	simm.s32 @p1 $0x1;
	p0 =	seq.s32 s7, s2  }
0x1e: {  	s7 =	smul.u32 @!p0 $0xF7A, s2;
	p2 =	seq.s32 @!p0 s5, $0x0  }
0x1f: {  	s9 =	smul.u32 $0xF7A, s1;
	s8 =	simm.s32 @!p0 $0x1BF5;
	p2 =	por !p2, p0  }
0x20: {  	[sflag:s8] =	ssyncset.s32 @!p0 $0xFFFFF086;
	s6 =	sadd.s32 @!p0 s3, s7;
	s7 =	simm.s32 @!p0 $0x108  }
0x21: {  	s3 =	sadd.s32 s3, s9;
	s6 =	sadd.s32 @!p0 $0x88, s6;
	s7 =	simm.s32 @p2 $0x1082  }
0x22: {  	[simem:s7], [sflag:s8] =	dma.local @!p0 [hbm:s6], $0xF7A  }
0x23: {  	s9 =	sor.u32 $0xD0000000, s2;
	s6 =	simm.s32 $0x108;
	_ =	swait.ge @!p0 [sflag:s8], $0x0  }
0x24: {  	s3 =	sadd.s32 $0x88, s3;
	s6 =	simm.s32 @!p1 $0x1082;
	[sflag:s4] =	ssyncset.s32 $0xFFFFF086  }
0x25: {  	[simem:s6], [sflag:s4] =	dma.local [hbm:s3], $0xF7A  }
0x26: {  	[smem:$0x3F9B] =	sst s1;
	(tag) =	ssettag s2;
	_ =	strace s9  }
0x27: {  	s1 =	sld [smem:$0x3FAB]  }
0x28: {  	s2 =	sld [smem:$0x3FAC]  }
0x29: {  	s4 =	sld [smem:$0x3FAE]  }
0x2a: {  	p0 =	seq.s32 s5, $0x0;
	s5 =	sld [smem:$0x3FAF]  }
0x2b: {  	s6 =	sld [smem:$0x3FB0]  }
0x2c: {  	s7 =	sld [smem:$0x3FB1]  }
0x2d: {  	s3 =	simm.s32 $0x108;
	s8 =	sld [smem:$0x3FB2]  }
0x2e: {  	s3 =	simm.s32 @!p0 $0x1082;
	s9 =	sld [smem:$0x3FB3]  }
0x2f: {  	lr =	sadd.s32 s0, s3;
	s0 =	sld [smem:$0x3FAA]  }
0x30: {  	s3 =	sld [smem:$0x3FAD]  }
0x31: {  	[smem:$0x3FB6] =	sst s10  }
0x32: {  	s10 =	sld [smem:$0x3FB4];
	_ =	sdelay $0x3  }
0x33: {  	p0 =	seq.s32 s10, $0x1;
	s10 =	sld [smem:$0x3FB6];
	_ =	sdelay $0x3  }
0x34: {  	[smem:$0x3FB6] =	sst s10  }
0x35: {  	s10 =	sld [smem:$0x3FB5];
	_ =	sdelay $0x3  }
0x36: {  	p1 =	seq.s32 s10, $0x1;
	s10 =	sld [smem:$0x3FB6];
	_ =	sdelay $0x3  }
0x37: {  	[smem:$0x3FB6] =	sst s10  }
0x38: {  	s10 =	sld [smem:$0x3FB7]  }
0x39: {  	_ = 	snop;
	(pc) =	sbr.ind lr, $3  }
0x3a: {  	_ = 	snop  }
0x3b: {  	_ = 	snop  }
0x3c: {  	p2 =	seq.s32 s10, $0x1;
	s10 =	sld [smem:$0x3FB6]  }
0x3d: {  	_ =	shalt  }
0x3e: {  	_ =	shalt  }
0x3f: {  	_ =	shalt  }
0x40: {  	_ =	shalt  }
0x41: {  	_ =	shalt  }
0x42: {  	_ =	shalt  }
0x43: {  	_ =	shalt  }
0x44: {  	_ =	shalt  }
0x45: {  	_ =	shalt  }
0x46: {  	_ =	shalt  }
0x47: {  	_ =	shalt  }
0x48: {  	_ =	shalt  }
0x49: {  	_ =	shalt  }
0x4a: {  	_ =	shalt  }
0x4b: {  	_ =	shalt  }
0x4c: {  	_ =	shalt  }
0x4d: {  	_ =	shalt  }
0x4e: {  	_ =	shalt  }
0x4f: {  	_ =	shalt  }
0x50: {  	_ =	shalt  }
0x51: {  	_ =	shalt  }
0x52: {  	_ =	shalt  }
0x53: {  	_ =	shalt  }
0x54: {  	_ =	shalt  }
0x55: {  	_ =	shalt  }
0x56: {  	_ =	shalt  }
0x57: {  	_ =	shalt  }
0x58: {  	_ =	shalt  }
0x59: {  	_ =	shalt  }
0x5a: {  	_ =	shalt  }
0x5b: {  	_ =	shalt  }
0x5c: {  	_ =	shalt  }
0x5d: {  	_ =	shalt  }
0x5e: {  	_ =	shalt  }
0x5f: {  	_ =	shalt  }
0x60: {  	_ =	shalt  }
0x61: {  	_ =	shalt  }
0x62: {  	_ =	shalt  }
0x63: {  	_ =	shalt  }
0x64: {  	_ =	shalt  }
0x65: {  	_ =	shalt  }
0x66: {  	_ =	shalt  }
0x67: {  	_ =	shalt  }
0x68: {  	_ =	shalt  }
0x69: {  	_ =	shalt  }
0x6a: {  	_ =	shalt  }
0x6b: {  	_ =	shalt  }
0x6c: {  	_ =	shalt  }
0x6d: {  	_ =	shalt  }
0x6e: {  	_ =	shalt  }
0x6f: {  	_ =	shalt  }
0x70: {  	_ =	shalt  }
0x71: {  	_ =	shalt  }
0x72: {  	_ =	shalt  }
0x73: {  	_ =	shalt  }
0x74: {  	_ =	shalt  }
0x75: {  	_ =	shalt  }
0x76: {  	_ =	shalt  }
0x77: {  	_ =	shalt  }
0x78: {  	_ =	shalt  }
0x79: {  	_ =	shalt  }
0x7a: {  	_ =	shalt  }
0x7b: {  	_ =	shalt  }
0x7c: {  	_ =	shalt  }
0x7d: {  	_ =	shalt  }
0x7e: {  	_ =	shalt  }
0x7f: {  	_ =	shalt  }
0x80: {  	_ =	shalt  }
0x81: {  	_ =	shalt  }
0x82: {  	_ =	shalt  }
0x83: {  	_ =	shalt  }
0x84: {  	_ =	shalt  }
0x85: {  	_ =	shalt  }
0x86: {  	_ =	shalt  }
0x87: {  	_ =	shalt  }
.Lfunc_end0:
.L_simem_size_0:
called_computation_lowered:
.L_overlay_start_0:
0x88: {  	s2 =	sld [smem:$0x3FD9]  }
0x89: {  	s3 =	sld [smem:$0x3FFE];
	_ =	sdelay $0x1  }
0x8a: {  	s1 =	srdreg.scid  }
0x8b: {  	s0 =	sand.u32 $0x1, s1  }
0x8c: {  	s17 =	sshll.u32 s0, $0xA;
	s2 =	sadd.s32 s3, s2  }
0x8d: {  	s2 =	sadd.s32 s2, s17  }
0x8e: {  	[smem:$0x3FC2] =	sst s2  }
0x8f: {  	_ = 	snop  }
0x90: {  	s2 =	sld [smem:$0x3FC9];
	(tm) =	ssettm $0x1  }
0x91: {  	s18 =	sld [smem:$0x3FFB];
	_ =	sdelay $0x3  }
0x92: {  	_ =	strace s18  }
0x93: {  	s3 =	sld [smem:$0x3FFC];
	_ =	sdelay $0x3  }
0x94: {  	_ =	strace s3  }
0x95: {  	s3 =	sld [smem:$0x3FFD];
	_ =	sdelay $0x3  }
0x96: {  	_ =	strace s3  }
0x97: {  	_ =	strace $0x8FFFFFFF  }
0x98: {  	s19 =	sld [smem:$0x3FDB];
	_ =	sdelay $0x1  }
0x99: {  	s4 =	simm.s32 $_scs_section_size  }
0x9a: {  	s5 =	simm.s32 $_size__tile_overlayer_lowered;
	s6 =	simm.s32 $_tile_overlayer_lowered  }
0x9b: {  	s22 =	simm.s32 $0x1BFF;
	s21 =	sshll.u32 s6, $0x1;
	s3 =	sadd.s32 s4, s19  }
0x9c: {  	s7 =	simm.s32 $0x0;
	s20 =	sshll.u32 s5, $0x1;
	s5 =	sadd.s32 s21, s3  }
0x9d: {  	[timem:s7], [sflag:s22] =	dma.local [hbm:s5], s20  }
0x9e: {  	_ =	swait.ge [sflag:s22], s20  }
0x9f: {  	s4 =	ssub.s32 $0x0, s20;
	[sflag:s22] =	ssyncset.done $0x0  }
0xa0: {  	[sflag:s22] =	ssyncadd.s32 s4;
	_ =	sdelay $0x1  }
0xa1: {  	s23 =	simm.s32 $0x1B8B  }
0xa2: {  	_ =	swait.ge [sflag:s23], $0x1  }
0xa3: {  	[sflag:s23] =	ssyncset.done $0x0  }
0xa4: {  	s25 =	simm.s32 $0x1B8E;
	s24 =	sld [smem:$0x3FFE];
	[sflag:s23] =	ssyncadd.s32 $0xFFFFFFFF  }
0xa5: {  	s26 =	simm.s32 $execute0_lowered;
	[smem:$0x3FD2] =	sst s25  }
0xa6: {  	s5 =	sshll.u32 s26, $0x1;
	_ =	strace $0x80000046;
	[dreg:$0x1] =	wrdreg $0xFFFFFFFF  }
0xa7: {  	s28 =	simm.s32 $_size_execute0_lowered;
	s3 =	sadd.s32 s3, s5;
	[dreg:$0x0] =	wrdreg $0x0  }
0xa8: {  	s5 =	sshll.u32 s28, $0x1;
	[dreg:$0x2] =	wrdreg s3  }
0xa9: {  	[dreg:$0x3] =	wrdreg s5  }
0xaa: {  	[dreg:$0x4] =	wrdreg $0xC0  }
0xab: {  	_ =	task [dreg:s7], $0x5FFFF  }
0xac: {  	[dreg:$0x1] =	wrdreg $0xFFFFFFFF  }
0xad: {  	[dreg:$0x0] =	wrdreg $0x60  }
0xae: {  	[dreg:$0x2] =	wrdreg s2  }
0xaf: {  	[dreg:$0x3] =	wrdreg s24  }
0xb0: {  	[dreg:$0x4] =	wrdreg $0x90000  }
0xb1: {  	[dreg:$0x5] =	wrdreg $0x9  }
0xb2: {  	_ =	task.clear_ibuf [dreg:s7], $0x6FFFF;
	_ =	strace $0x90000046  }
0xb3: {  	s29 =	simm.s32 $0x9;
	_ =	strace $0x80000048  }
0xb4: {  	_ =	swait.ge [sflag:s29], $0x1  }
0xb5: {  	[sflag:s29] =	ssyncadd.s32 $0xFFFFFFFF  }
0xb6: {  	_ =	strace $0x90000048  }
0xb7: {  	_ =	sfence  }
0xb8: {  	s30 =	sld [smem:$0x0];
	_ =	sdelay $0x2  }
0xb9: {  	s31 =	sshll.u32 s1, $0xD;
	s1 =	sshrl.u32 s1, $0x2  }
0xba: {  	s3 =	sand.u32 $0x4000, s31;
	s1 =	sadd.s32 s1, s30  }
0xbb: {  	s0 =	sor.u32 s3, s0;
	s1 =	sshll.u32 s1, $0x11  }
0xbc: {  	s0 =	sor.u32 s1, s0  }
0xbd: {  	s0 =	sadd.s32 $0x8F2B, s0  }
0xbe: {  	[sflag:s0] =	ssyncadd.remote.s32 $0x1  }
0xbf: {  	_ =	sfence.sel $0xFFFF  }
0xc0: {  	[dreg:$0x0] =	wrdreg $0xFFFFFFFF;
	(pc) =	sbr.abs _section_cstart, $3  }
0xc1: {  	[dreg:$0x1] =	wrdreg $0xFFFFFFFF  }
0xc2: {  	_ =	task.clear_ibuf [dreg:s7], $0x2FFFF;
	_ =	strace $0x9FFFFFFF  }
0xc3: {  	(tm) =	ssettm $0x7FFFFFFF  }
tec
execute0_lowered:
.L_overlay_start_1:
0x0: {  	(tag) =	ssettag $0x1  }
0x1: {  	s1 =	rddreg [dreg:$0x0]  }
0x2: {  	s0 =	rddreg [dreg:$0x1]  }
0x3: {  	s3 =	rddreg [dreg:$0x2];
	s4 =	simm.s32 $0x0;
	s18 =	stileid.u32  }
0x4: {  	s7 =	srdreg.scid;
	s19 =	simm.s32 $0x3;
	s28 =	simm.s32 $0x1  }
0x5: {  	s29 =	simm.s32 $0x5;
	s30 =	simm.s32 $0x2;
	[smem:$0x7FF] =	sst s4  }
0x6: {  	s2 =	smul.u32 $0x13C00, s18;
	s6 =	sadd.s32 $0xAE00, s0;
	s14 =	sadd.s32 $0xE00, s0  }
0x7: {  	s12 =	sand.u32 $0x1, s7;
	s21 =	smul.u32 $0x4F000, s18;
	s24 =	sshll.u32 s18, $0x6  }
0x8: {  	s25 =	smul.u32 $0x500, s18;
	p0 =	seq.s32 s18, $0xF;
	_ =	strace $0x80000047  }
0x9: {  	s20 =	ssub.s32 $0x2, s12;
	s9 =	sshll.u32 s12, $0x4;
	s13 =	smul.u32 $0x138800, s12  }
0xa: {  	s7 =	sor.u32 $0x1C04, s24;
	s16 =	smul.u32 $0x5000, s12;
	s24 =	simm.s32 $0x5000  }
0xb: {  	s5 =	sshrl.u32 s2, $0x3;
	s10 =	sshrl.u32 s20, $0x1;
	s9 =	sor.u32 s18, s9  }
0xc: {  	s22 =	sshrl.u32 s21, $0x2;
	[dreg:$0x5] =	wrdreg s7;
	s21 =	simm.s32 $0xC00  }
0xd: {  	s8 =	sadd.s32 s5, s0;
	s0 =	sadd.s32 $0x3C600, s0;
	s15 =	ssub.s32 s20, s10  }
0xe: {  	s9 =	smul.u32 $0x500, s9;
	s5 =	sadd.s32 s22, s3;
	s2 =	sadd.s32 s2, s13  }
0xf: {  	s13 =	sshrl.u32 s13, $0x3;
	s17 =	sadd.s32 s16, s14;
	s22 =	simm.s32 $0x80  }
0x10: {  	s20 =	simm.s32 $0x0;
	s23 =	sadd.s32 $0x14E00, s8;
	s2 =	sshrl.u32 s2, $0x3  }
0x11: {  	s13 =	sadd.s32 s0, s13;
	s26 =	sadd.s32 s25, s17;
	s17 =	sshrl.u32 s5, $0x3  }
0x12: {  	[dreg:$0x4] =	wrdreg s23;
	s11 =	sor.u32 $0x80, s9;
	s8 =	sadd.s32 s6, s9  }
.Ltmp0:
0x13: {  	s9 =	sadd.s32 s14, s9;
	s12 =	sadd.s32 s0, s2;
	(pc) =	sbr.rel .LBB2_1-.Ltmp0, $4  }
0x14: {  	s13 =	sadd.s32 $0x25080, s13;
	s2 =	sadd.s32 $0x128400, s3;
	s0 =	sadd.s32 $0x100, s26  }
0x15: {  	s23 =	simm.s32 $0x1000;
	s10 =	sadd.s32 s6, s11;
	s6 =	sadd.s32 s16, s6  }
0x16: {  	s26 =	simm.s32 $0x4;
	s11 =	sadd.s32 s14, s11;
	s6 =	sadd.s32 s25, s6  }
0x17: {  	s14 =	smax.u32 s15, $0x1;
	s25 =	sshrl.u32 @p0 s2, $0x3;
	s31 =	sadd.s32 $0x100, s6  }
.LBB2_4:
0x18: {  	_ =	swait.ge [sflag:s28], $0x4000  }
0x19: {  	[sflag:s28] =	ssyncset.done $0x0  }
0x1a: {  	[sflag:s28] =	ssyncadd.s32 $0xFFFFC000  }
0x1b: {  	[spmem:s3] =	stream.indirect.scatter.add.f32 [tilespmem:s23], [sflag:$0x5], $0x80, s21, s22, $0xb8;
	[tilespmem:$0x1CC00] =	vst v63  }
0x1c: {  	_ =	swait.ge [sflag:s29], $0x4000  }
0x1d: {  	[sflag:s29] =	ssyncset.done $0x0  }
0x1e: {  	s2 =	simm.s32 $0x500;
	[sflag:s29] =	ssyncadd.s32 $0xFFFFC000  }
0x1f: {  	[tilespmem:s23], [sflag:$0x1] =	stream.indirect.gather [hbm4b:s1+s22], $0x80, s2, s22, $0xb8;
	[tilespmem:$0x1CC00] =	vst v63  }
0x20: {  	_ =	swait.ge [sflag:s30], $0x4000  }
0x21: {  	[sflag:s30] =	ssyncset.done $0x0  }
0x22: {  	s16 =	simm.s32 $0xC80;
	[sflag:s30] =	ssyncadd.s32 $0xFFFFC000  }
0x23: {  	[spmem:s3] =	stream.indirect.scatter.add.f32 [tilespmem:s24], [sflag:$0x5], $0x80, s16, s22, $0xb8;
	[tilespmem:$0x1CC00] =	vst v63  }
0x24: {  	_ =	swait.ge [sflag:s29], $0x4000  }
0x25: {  	[sflag:s29] =	ssyncset.done $0x0  }
0x26: {  	s18 =	simm.s32 $0x580;
	[sflag:s29] =	ssyncadd.s32 $0xFFFFC000  }
0x27: {  	[tilespmem:s24], [sflag:$0x2] =	stream.indirect.gather [hbm4b:s1+s22], $0x80, s18, s22, $0xb8;
	[tilespmem:$0x1CC00] =	vst v63  }
0x28: {  	_ =	swait.ge [sflag:s28], $0x4000  }
0x29: {  	[sflag:s28] =	ssyncset.done $0x0  }
0x2a: {  	s6 =	simm.s32 $0xD00;
	[sflag:s28] =	ssyncadd.s32 $0xFFFFC000  }
0x2b: {  	[spmem:s3] =	stream.indirect.scatter.add.f32 [tilespmem:s23], [sflag:$0x5], $0x80, s6, s22, $0xb8;
	[tilespmem:$0x1CC00] =	vst v63  }
0x2c: {  	_ =	swait.ge [sflag:s29], $0x4000  }
0x2d: {  	[sflag:s29] =	ssyncset.done $0x0  }
0x2e: {  	s7 =	simm.s32 $0x600;
	[sflag:s29] =	ssyncadd.s32 $0xFFFFC000  }
0x2f: {  	[tilespmem:s23], [sflag:$0x1] =	stream.indirect.gather [hbm4b:s1+s22], $0x80, s7, s22, $0xb8;
	[tilespmem:$0x1CC00] =	vst v63  }
0x30: {  	_ =	swait.ge [sflag:s30], $0x4000  }
0x31: {  	[sflag:s30] =	ssyncset.done $0x0  }
0x32: {  	s15 =	simm.s32 $0xD80;
	[sflag:s30] =	ssyncadd.s32 $0xFFFFC000  }
0x33: {  	[spmem:s3] =	stream.indirect.scatter.add.f32 [tilespmem:s24], [sflag:$0x5], $0x80, s15, s22, $0xb8;
	[tilespmem:$0x1CC00] =	vst v63  }
0x34: {  	_ =	swait.ge [sflag:s29], $0x4000  }
0x35: {  	[sflag:s29] =	ssyncset.done $0x0  }
0x36: {  	s16 =	simm.s32 $0x680;
	[sflag:s29] =	ssyncadd.s32 $0xFFFFC000  }
0x37: {  	[tilespmem:s24], [sflag:$0x2] =	stream.indirect.gather [hbm4b:s1+s22], $0x80, s16, s22, $0xb8;
	[tilespmem:$0x1CC00] =	vst v63  }
0x38: {  	_ =	swait.ge [sflag:s28], $0x4000  }
0x39: {  	[sflag:s28] =	ssyncset.done $0x0  }
0x3a: {  	s18 =	simm.s32 $0xE00;
	[sflag:s28] =	ssyncadd.s32 $0xFFFFC000  }
0x3b: {  	[spmem:s3] =	stream.indirect.scatter.add.f32 [tilespmem:s23], [sflag:$0x5], $0x80, s18, s22, $0xb8;
	[tilespmem:$0x1CC00] =	vst v63  }
0x3c: {  	_ =	swait.ge [sflag:s29], $0x4000  }
0x3d: {  	[sflag:s29] =	ssyncset.done $0x0  }
0x3e: {  	s6 =	simm.s32 $0x700;
	[sflag:s29] =	ssyncadd.s32 $0xFFFFC000  }
0x3f: {  	[tilespmem:s23], [sflag:$0x1] =	stream.indirect.gather [hbm4b:s1+s22], $0x80, s6, s22, $0xb8;
	[tilespmem:$0x1CC00] =	vst v63  }
0x40: {  	_ =	swait.ge [sflag:s30], $0x4000  }
0x41: {  	[sflag:s30] =	ssyncset.done $0x0  }
0x42: {  	s7 =	simm.s32 $0xE80;
	[sflag:s30] =	ssyncadd.s32 $0xFFFFC000  }
0x43: {  	[spmem:s3] =	stream.indirect.scatter.add.f32 [tilespmem:s24], [sflag:$0x5], $0x80, s7, s22, $0xb8;
	[tilespmem:$0x1CC00] =	vst v63  }
0x44: {  	_ =	swait.ge [sflag:s29], $0x4000  }
0x45: {  	[sflag:s29] =	ssyncset.done $0x0  }
0x46: {  	s15 =	simm.s32 $0x780;
	[sflag:s29] =	ssyncadd.s32 $0xFFFFC000  }
0x47: {  	[tilespmem:s24], [sflag:$0x2] =	stream.indirect.gather [hbm4b:s1+s22], $0x80, s15, s22, $0xb8;
	[tilespmem:$0x1CC00] =	vst v63  }
0x48: {  	_ =	swait.ge [sflag:s28], $0x4000  }
0x49: {  	[sflag:s28] =	ssyncset.done $0x0  }
0x4a: {  	s16 =	simm.s32 $0xF00;
	[sflag:s28] =	ssyncadd.s32 $0xFFFFC000  }
0x4b: {  	[spmem:s3] =	stream.indirect.scatter.add.f32 [tilespmem:s23], [sflag:$0x5], $0x80, s16, s22, $0xb8;
	[tilespmem:$0x1CC00] =	vst v63  }
0x4c: {  	_ =	swait.ge [sflag:s29], $0x4000  }
0x4d: {  	[sflag:s29] =	ssyncset.done $0x0  }
0x4e: {  	[sflag:s29] =	ssyncadd.s32 $0xFFFFC000  }
0x4f: {  	_ =	swait.ge [sflag:s30], $0x4000  }
0x50: {  	[sflag:s30] =	ssyncset.done $0x0  }
0x51: {  	s18 =	simm.s32 $0xF80;
	[sflag:s30] =	ssyncadd.s32 $0xFFFFC000  }
0x52: {  	[spmem:s3] =	stream.indirect.scatter.add.f32 [tilespmem:s24], [sflag:$0x5], $0x80, s18, s22, $0xb8;
	[tilespmem:$0x1CC00] =	vst v63  }
0x53: {  	_ =	swait.ge [sflag:s29], $0x4000  }
0x54: {  	[sflag:s29] =	ssyncset.done $0x0  }
0x55: {  	[sflag:s29] =	ssyncadd.s32 $0xFFFFC000  }
0x56: {  	s2 =	simm.s32 @p0 $0x1FC5;
	[bflag:$0x0] =	sbarrier.arrive $0xFFFF  }
0x57: {  	[hbm:s13], [sflag:s2] =	dma.local @p0 [spmem:s25], $0x2080  }
0x58: {  	s2 =	simm.s32 @p0 $0x5  }
0x59: {  	s20 =	sadd.s32 $0x1, s20;
	s6 =	stileid.u32;
	_ =	swait.ge @p0 [sflag:s2], $0x2080  }
0x5a: {  	p1 =	sne.s32 s20, s14;
	s6 =	sshll.u32 @!p0 s6, $0x6;
	[sflag:s2] =	ssyncset.done @p0 $0x0  }
0x5b: {  	[sflag:s2] =	ssyncadd.s32 @p0 $0xFFFFDF80;
	s2 =	sor.u32 @!p0 $0x1C05, s6;
	s6 =	sshrl.u32 @!p0 s5, $0x3  }
0x5c: {  	[hbm:s12], [sflag:s2] =	dma.local @!p0 [spmem:s6], $0x2780  }
.Ltmp1:
0x5d: {  	_ = 	snop;
	(pc) =	sbr.rel @!p1 .LBB2_5-.Ltmp1, $4  }
0x5e: {  	s2 =	simm.s32 @!p0 $0x5  }
0x5f: {  	_ =	swait.ge @!p0 [sflag:s2], $0x2780  }
0x60: {  	[sflag:s2] =	ssyncset.done @!p0 $0x0  }
0x61: {  	[sflag:s2] =	ssyncadd.s32 @!p0 $0xFFFFD880  }
.LBB2_1:
0x62: {  	s2 =	rddreg [dreg:$0x4]  }
0x63: {  	s6 =	rddreg [dreg:$0x5]  }
0x64: {  	[spmem:s17], [sflag:s6] =	dma.local [hbm:s2], $0x2780  }
0x65: {  	[tilespmem:s4], [sflag:$0x3] =	stream.linear.gather [hbm4b:s8+s4], $0x400, $0x38;
	[tilespmem:$0x1CC00] =	vst v63  }
0x66: {  	s16 =	simm.s32 $0x800  }
0x67: {  	[tilespmem:s16], [sflag:$0x3] =	stream.linear.gather [hbm4b:s9+s4], $0x400, $0x38;
	[tilespmem:$0x1CC00] =	vst v63  }
0x68: {  	_ =	swait.ge [sflag:s19], $0x400  }
0x69: {  	[sflag:s19] =	ssyncset.done $0x0  }
0x6a: {  	[sflag:s19] =	ssyncadd.s32 $0xFFFFFC00  }
0x6b: {  	_ =	swait.ge [sflag:s19], $0x400  }
0x6c: {  	[sflag:s19] =	ssyncset.done $0x0  }
0x6d: {  	s18 =	simm.s32 $0x400;
	[sflag:s19] =	ssyncadd.s32 $0xFFFFFC00  }
0x6e: {  	[tilespmem:s18], [sflag:$0x3] =	stream.linear.gather [hbm4b:s10+s4], $0x400, $0x38;
	[tilespmem:$0x1CC00] =	vst v63  }
0x6f: {  	_ = 	snop  }
0x70: {  	[tilespmem:s21], [sflag:$0x3] =	stream.linear.gather [hbm4b:s11+s4], $0x400, $0x38;
	[tilespmem:$0x1CC00] =	vst v63  }
0x71: {  	_ = 	snop  }
0x72: {  	[tilespmem:s23], [sflag:$0x1] =	stream.indirect.gather [hbm4b:s1+s22], $0x80, s4, s22, $0xb8;
	[tilespmem:$0x1CC00] =	vst v63  }
0x73: {  	_ = 	snop  }
0x74: {  	[tilespmem:s24], [sflag:$0x2] =	stream.indirect.gather [hbm4b:s1+s22], $0x80, s22, s22, $0xb8;
	[tilespmem:$0x1CC00] =	vst v63  }
0x75: {  	_ =	swait.ge [sflag:s26], $0x2780  }
0x76: {  	[sflag:s26] =	ssyncset.done $0x0  }
0x77: {  	s15 =	smov.u32 s0;
	[sflag:s26] =	ssyncadd.s32 $0xFFFFD880  }
0x78: {  	s2 =	simm.s32 $0x0;
	s16 =	smov.u32 s31;
	[bflag:$0x0] =	sbarrier.arrive $0xFFFF  }
.LBB2_2:
0x79: {  	_ =	swait.ge [sflag:s28], $0x4000  }
0x7a: {  	s18 =	sand.u32 $0x400, s2;
	[sflag:s28] =	ssyncset.done $0x0  }
0x7b: {  	s6 =	sor.u32 $0x800, s18;
	[sflag:s28] =	ssyncadd.s32 $0xFFFFC000  }
0x7c: {  	[spmem:s3] =	stream.indirect.scatter.add.f32 [tilespmem:s23], [sflag:$0x5], $0x80, s6, s22, $0xb8;
	[tilespmem:$0x1CC00] =	vst v63  }
0x7d: {  	_ =	swait.ge [sflag:s29], $0x4000  }
0x7e: {  	[sflag:s29] =	ssyncset.done $0x0  }
0x7f: {  	s7 =	sor.u32 $0x100, s18;
	[sflag:s29] =	ssyncadd.s32 $0xFFFFC000  }
0x80: {  	[tilespmem:s23], [sflag:$0x1] =	stream.indirect.gather [hbm4b:s1+s22], $0x80, s7, s22, $0xb8;
	[tilespmem:$0x1CC00] =	vst v63  }
0x81: {  	_ =	swait.ge [sflag:s30], $0x4000  }
0x82: {  	[sflag:s30] =	ssyncset.done $0x0  }
0x83: {  	s7 =	sor.u32 $0x880, s18;
	[sflag:s30] =	ssyncadd.s32 $0xFFFFC000  }
0x84: {  	[spmem:s3] =	stream.indirect.scatter.add.f32 [tilespmem:s24], [sflag:$0x5], $0x80, s7, s22, $0xb8;
	[tilespmem:$0x1CC00] =	vst v63  }
0x85: {  	_ =	swait.ge [sflag:s29], $0x4000  }
0x86: {  	[sflag:s29] =	ssyncset.done $0x0  }
0x87: {  	s7 =	sor.u32 $0x180, s18;
	[sflag:s29] =	ssyncadd.s32 $0xFFFFC000  }
0x88: {  	[tilespmem:s24], [sflag:$0x2] =	stream.indirect.gather [hbm4b:s1+s22], $0x80, s7, s22, $0xb8;
	[tilespmem:$0x1CC00] =	vst v63  }
0x89: {  	_ =	swait.ge [sflag:s28], $0x4000  }
0x8a: {  	[sflag:s28] =	ssyncset.done $0x0  }
0x8b: {  	s7 =	sor.u32 $0x900, s18;
	[sflag:s28] =	ssyncadd.s32 $0xFFFFC000  }
0x8c: {  	[spmem:s3] =	stream.indirect.scatter.add.f32 [tilespmem:s23], [sflag:$0x5], $0x80, s7, s22, $0xb8;
	[tilespmem:$0x1CC00] =	vst v63  }
0x8d: {  	_ =	swait.ge [sflag:s29], $0x4000  }
0x8e: {  	[sflag:s29] =	ssyncset.done $0x0  }
0x8f: {  	s7 =	sor.u32 $0x200, s18;
	[sflag:s29] =	ssyncadd.s32 $0xFFFFC000  }
0x90: {  	[tilespmem:s23], [sflag:$0x1] =	stream.indirect.gather [hbm4b:s1+s22], $0x80, s7, s22, $0xb8;
	[tilespmem:$0x1CC00] =	vst v63  }
0x91: {  	_ =	swait.ge [sflag:s30], $0x4000  }
0x92: {  	[sflag:s30] =	ssyncset.done $0x0  }
0x93: {  	s7 =	sor.u32 $0x980, s18;
	[sflag:s30] =	ssyncadd.s32 $0xFFFFC000  }
0x94: {  	[spmem:s3] =	stream.indirect.scatter.add.f32 [tilespmem:s24], [sflag:$0x5], $0x80, s7, s22, $0xb8;
	[tilespmem:$0x1CC00] =	vst v63  }
0x95: {  	_ =	swait.ge [sflag:s29], $0x4000  }
0x96: {  	[sflag:s29] =	ssyncset.done $0x0  }
0x97: {  	s7 =	sor.u32 $0x280, s18;
	[sflag:s29] =	ssyncadd.s32 $0xFFFFC000  }
0x98: {  	[tilespmem:s24], [sflag:$0x2] =	stream.indirect.gather [hbm4b:s1+s22], $0x80, s7, s22, $0xb8;
	[tilespmem:$0x1CC00] =	vst v63  }
0x99: {  	_ =	swait.ge [sflag:s28], $0x4000  }
0x9a: {  	[sflag:s28] =	ssyncset.done $0x0  }
0x9b: {  	s7 =	sor.u32 $0xA00, s18;
	[sflag:s28] =	ssyncadd.s32 $0xFFFFC000  }
0x9c: {  	[spmem:s3] =	stream.indirect.scatter.add.f32 [tilespmem:s23], [sflag:$0x5], $0x80, s7, s22, $0xb8;
	[tilespmem:$0x1CC00] =	vst v63  }
0x9d: {  	_ =	swait.ge [sflag:s29], $0x4000  }
0x9e: {  	[sflag:s29] =	ssyncset.done $0x0  }
0x9f: {  	s7 =	sor.u32 $0x300, s18;
	[sflag:s29] =	ssyncadd.s32 $0xFFFFC000  }
0xa0: {  	[tilespmem:s23], [sflag:$0x1] =	stream.indirect.gather [hbm4b:s1+s22], $0x80, s7, s22, $0xb8;
	[tilespmem:$0x1CC00] =	vst v63  }
0xa1: {  	_ =	swait.ge [sflag:s30], $0x4000  }
0xa2: {  	[sflag:s30] =	ssyncset.done $0x0  }
0xa3: {  	s7 =	sor.u32 $0xA80, s18;
	[sflag:s30] =	ssyncadd.s32 $0xFFFFC000  }
0xa4: {  	[spmem:s3] =	stream.indirect.scatter.add.f32 [tilespmem:s24], [sflag:$0x5], $0x80, s7, s22, $0xb8;
	[tilespmem:$0x1CC00] =	vst v63  }
0xa5: {  	_ =	swait.ge [sflag:s29], $0x4000  }
0xa6: {  	[sflag:s29] =	ssyncset.done $0x0  }
0xa7: {  	s7 =	sor.u32 $0x380, s18;
	[sflag:s29] =	ssyncadd.s32 $0xFFFFC000  }
0xa8: {  	[tilespmem:s24], [sflag:$0x2] =	stream.indirect.gather [hbm4b:s1+s22], $0x80, s7, s22, $0xb8;
	[tilespmem:$0x1CC00] =	vst v63  }
0xa9: {  	_ =	swait.ge [sflag:s28], $0x4000  }
0xaa: {  	[sflag:s28] =	ssyncset.done $0x0  }
0xab: {  	s7 =	sor.u32 $0xB00, s18;
	[sflag:s28] =	ssyncadd.s32 $0xFFFFC000  }
0xac: {  	[spmem:s3] =	stream.indirect.scatter.add.f32 [tilespmem:s23], [sflag:$0x5], $0x80, s7, s22, $0xb8;
	[tilespmem:$0x1CC00] =	vst v63  }
0xad: {  	_ =	swait.ge [sflag:s29], $0x4000  }
0xae: {  	[sflag:s29] =	ssyncset.done $0x0  }
0xaf: {  	[sflag:s29] =	ssyncadd.s32 $0xFFFFC000  }
0xb0: {  	_ =	swait.ge [sflag:s19], $0x400  }
0xb1: {  	[sflag:s19] =	ssyncset.done $0x0  }
0xb2: {  	[sflag:s19] =	ssyncadd.s32 $0xFFFFFC00  }
0xb3: {  	_ =	swait.ge [sflag:s19], $0x400  }
0xb4: {  	[sflag:s19] =	ssyncset.done $0x0  }
0xb5: {  	s7 =	sxor.u32 $0x400, s18;
	[sflag:s19] =	ssyncadd.s32 $0xFFFFFC00  }
0xb6: {  	[tilespmem:s23], [sflag:$0x1] =	stream.indirect.gather [hbm4b:s1+s22], $0x80, s7, s22, $0xb8;
	[tilespmem:$0x1CC00] =	vst v63  }
0xb7: {  	_ =	swait.ge [sflag:s30], $0x4000  }
0xb8: {  	[sflag:s30] =	ssyncset.done $0x0  }
0xb9: {  	p1 =	seq.s32 s2, $0x2000;
	s7 =	sor.u32 $0xB80, s18;
	[sflag:s30] =	ssyncadd.s32 $0xFFFFC000  }
0xba: {  	[spmem:s3] =	stream.indirect.scatter.add.f32 [tilespmem:s24], [sflag:$0x5], $0x80, s7, s22, $0xb8;
	[tilespmem:$0x1CC00] =	vst v63  }
.Ltmp2:
0xbb: {  	_ = 	snop;
	(pc) =	sbr.rel @p1 .LBB2_4-.Ltmp2, $4  }
0xbc: {  	_ =	swait.ge [sflag:s29], $0x4000  }
0xbd: {  	[sflag:s29] =	ssyncset.done $0x0  }
0xbe: {  	s7 =	sxor.u32 $0x480, s18;
	[sflag:s29] =	ssyncadd.s32 $0xFFFFC000  }
0xbf: {  	[tilespmem:s24], [sflag:$0x2] =	stream.indirect.gather [hbm4b:s1+s22], $0x80, s7, s22, $0xb8;
	[tilespmem:$0x1CC00] =	vst v63  }
.Ltmp3:
0xc0: {  	(pc) =	sbr.rel .LBB2_2-.Ltmp3, $4  }
0xc1: {  	[tilespmem:s18], [sflag:$0x3] =	stream.linear.gather [hbm4b:s16+s4], $0x400, $0x38;
	[tilespmem:$0x1CC00] =	vst v63  }
0xc2: {  	_ = 	snop  }
0xc3: {  	[tilespmem:s6], [sflag:$0x3] =	stream.linear.gather [hbm4b:s15+s4], $0x400, $0x38;
	[tilespmem:$0x1CC00] =	vst v63  }
0xc4: {  	s16 =	sadd.s32 $0x80, s16;
	s2 =	sadd.s32 $0x400, s2;
	s15 =	sadd.s32 $0x80, s15  }
.LBB2_5:
0xc5: {  	_ =	sfence.sel $0x180000  }
0xc6: {  	[bflag:$0x0] =	sbarrier.arrive $0xFFFF  }
0xc7: {  	_ =	strace $0x90000047  }
0xc8: {  	s0 =	stileid.u32;
	[bflag:$0x2] =	sbarrier.arrive $0xFFFF  }
0xc9: {  	p0 =	sne.s32 s0, $0x0;
	s0 =	rddreg [dreg:$0x3]  }
0xca: {  	s0 =	sadd.s32 @!p0 $0x100000, s0  }
0xcb: {  	[sflag:s0] =	ssyncadd.tile.s32 @!p0 $0x1;
	_ =	shalt  }
.Lfunc_end2:
_tile_overlayer_lowered:
.L_overlay_start_2:
0xcc: {  	(tag) =	ssettag $0x2  }
0xcd: {  	s0 =	rddreg [dreg:$0x0];
	s2 =	stileid.u32  }
0xce: {  	s1 =	rddreg [dreg:$0x1];
	p0 =	sne.s32 s2, $0x0  }
0xcf: {  	s3 =	rddreg [dreg:$0x2];
	[bflag:$0x3] =	sbarrier.arrive $0xFFFF;
	s2 =	simm.s32 @!p0 $0x1C05  }
0xd0: {  	[timem:s3], [sflag:s2] =	dma.local @!p0 [hbm:s0], s1  }
0xd1: {  	s0 =	simm.s32 @!p0 $0x5  }
0xd2: {  	_ =	swait.ge @!p0 [sflag:s0], s1  }
0xd3: {  	s1 =	ssub.s32 @!p0 $0x0, s1;
	[sflag:s0] =	ssyncset.done @!p0 $0x0  }
0xd4: {  	[sflag:s0] =	ssyncadd.s32 @!p0 s1  }
0xd5: {  	[bflag:$0x3] =	sbarrier.arrive $0xFFFF  }
0xd6: {  	_ =	shalt  }

// kernel: kernel.9.cloned.1.call-start
scs
__scs_entry_jumppad:
0x0: {  	(pc) =	sbr.rel $0x88, $3  }
0x1: {  	(tag) =	ssettag $0x0;
	lr =	simm.s32 $0x1  }
0x2: {  	[smem:$0x3F9B] =	sst lr;
	_ =	strace $0xD0000000  }
0x3: {  	_ = 	snop  }
0x4: {  	_ = 	snop  }
0x5: {  	_ = 	snop  }
0x6: {  	_ = 	snop  }
0x7: {  	_ = 	snop  }
__scs_overlays_trampoline_lowered:
0x8: {  	[smem:$0x3FAA] =	sst s0  }
0x9: {  	[smem:$0x3FAB] =	sst s1  }
0xa: {  	[smem:$0x3FAC] =	sst s2  }
0xb: {  	[smem:$0x3FAD] =	sst s3  }
0xc: {  	[smem:$0x3FAE] =	sst s4  }
0xd: {  	[smem:$0x3FAF] =	sst s5  }
0xe: {  	[smem:$0x3FB0] =	sst s6  }
0xf: {  	[smem:$0x3FB1] =	sst s7  }
0x10: {  	[smem:$0x3FB2] =	sst s8  }
0x11: {  	[smem:$0x3FB3] =	sst s9;
	s0 =	simm.s32 @!p0 $0x0  }
0x12: {  	s1 =	sld [smem:$0x3F99];
	s0 =	simm.s32 @p0 $0x1  }
0x13: {  	[smem:$0x3FB4] =	sst s0;
	s0 =	simm.s32 @!p1 $0x0  }
0x14: {  	s2 =	sld [smem:$0x3F98];
	s0 =	simm.s32 @p1 $0x1  }
0x15: {  	[smem:$0x3FB5] =	sst s0;
	s0 =	simm.s32 @!p2 $0x0  }
0x16: {  	s3 =	sld [smem:$0x3FDB];
	s0 =	simm.s32 @p2 $0x1  }
0x17: {  	s4 =	simm.s32 $0x1BF5;
	[smem:$0x3FB7] =	sst s0  }
0x18: {  	s0 =	sld [smem:$0x3F9A];
	_ =	swait.ge [sflag:s4], $0x0  }
0x19: {  	s7 =	sld [smem:$0x3F9B]  }
0x1a: {  	s8 =	sadd.s32 $0xFFFFE003, lr  }
0x1b: {  	s9 =	sadd.s32 $0xFFFFFEF7, lr;
	s5 =	simm.s32 $0xFFFFFFFF;
	p2 =	slt.u32 s8, $0xFFFFF086  }
0x1c: {  	p1 =	slt.u32 s9, $0xF7A;
	s5 =	simm.s32 @!p2 $0x0  }
0x1d: {  	s5 =	simm.s32 @p1 $0x1;
	p0 =	seq.s32 s7, s2  }
0x1e: {  	s7 =	smul.u32 @!p0 $0xF7A, s2;
	p2 =	seq.s32 @!p0 s5, $0x0  }
0x1f: {  	s9 =	smul.u32 $0xF7A, s1;
	s8 =	simm.s32 @!p0 $0x1BF5;
	p2 =	por !p2, p0  }
0x20: {  	[sflag:s8] =	ssyncset.s32 @!p0 $0xFFFFF086;
	s6 =	sadd.s32 @!p0 s3, s7;
	s7 =	simm.s32 @!p0 $0x108  }
0x21: {  	s3 =	sadd.s32 s3, s9;
	s6 =	sadd.s32 @!p0 $0x88, s6;
	s7 =	simm.s32 @p2 $0x1082  }
0x22: {  	[simem:s7], [sflag:s8] =	dma.local @!p0 [hbm:s6], $0xF7A  }
0x23: {  	s9 =	sor.u32 $0xD0000000, s2;
	s6 =	simm.s32 $0x108;
	_ =	swait.ge @!p0 [sflag:s8], $0x0  }
0x24: {  	s3 =	sadd.s32 $0x88, s3;
	s6 =	simm.s32 @!p1 $0x1082;
	[sflag:s4] =	ssyncset.s32 $0xFFFFF086  }
0x25: {  	[simem:s6], [sflag:s4] =	dma.local [hbm:s3], $0xF7A  }
0x26: {  	[smem:$0x3F9B] =	sst s1;
	(tag) =	ssettag s2;
	_ =	strace s9  }
0x27: {  	s1 =	sld [smem:$0x3FAB]  }
0x28: {  	s2 =	sld [smem:$0x3FAC]  }
0x29: {  	s4 =	sld [smem:$0x3FAE]  }
0x2a: {  	p0 =	seq.s32 s5, $0x0;
	s5 =	sld [smem:$0x3FAF]  }
0x2b: {  	s6 =	sld [smem:$0x3FB0]  }
0x2c: {  	s7 =	sld [smem:$0x3FB1]  }
0x2d: {  	s3 =	simm.s32 $0x108;
	s8 =	sld [smem:$0x3FB2]  }
0x2e: {  	s3 =	simm.s32 @!p0 $0x1082;
	s9 =	sld [smem:$0x3FB3]  }
0x2f: {  	lr =	sadd.s32 s0, s3;
	s0 =	sld [smem:$0x3FAA]  }
0x30: {  	s3 =	sld [smem:$0x3FAD]  }
0x31: {  	[smem:$0x3FB6] =	sst s10  }
0x32: {  	s10 =	sld [smem:$0x3FB4];
	_ =	sdelay $0x3  }
0x33: {  	p0 =	seq.s32 s10, $0x1;
	s10 =	sld [smem:$0x3FB6];
	_ =	sdelay $0x3  }
0x34: {  	[smem:$0x3FB6] =	sst s10  }
0x35: {  	s10 =	sld [smem:$0x3FB5];
	_ =	sdelay $0x3  }
0x36: {  	p1 =	seq.s32 s10, $0x1;
	s10 =	sld [smem:$0x3FB6];
	_ =	sdelay $0x3  }
0x37: {  	[smem:$0x3FB6] =	sst s10  }
0x38: {  	s10 =	sld [smem:$0x3FB7]  }
0x39: {  	_ = 	snop;
	(pc) =	sbr.ind lr, $3  }
0x3a: {  	_ = 	snop  }
0x3b: {  	_ = 	snop  }
0x3c: {  	p2 =	seq.s32 s10, $0x1;
	s10 =	sld [smem:$0x3FB6]  }
0x3d: {  	_ =	shalt  }
0x3e: {  	_ =	shalt  }
0x3f: {  	_ =	shalt  }
0x40: {  	_ =	shalt  }
0x41: {  	_ =	shalt  }
0x42: {  	_ =	shalt  }
0x43: {  	_ =	shalt  }
0x44: {  	_ =	shalt  }
0x45: {  	_ =	shalt  }
0x46: {  	_ =	shalt  }
0x47: {  	_ =	shalt  }
0x48: {  	_ =	shalt  }
0x49: {  	_ =	shalt  }
0x4a: {  	_ =	shalt  }
0x4b: {  	_ =	shalt  }
0x4c: {  	_ =	shalt  }
0x4d: {  	_ =	shalt  }
0x4e: {  	_ =	shalt  }
0x4f: {  	_ =	shalt  }
0x50: {  	_ =	shalt  }
0x51: {  	_ =	shalt  }
0x52: {  	_ =	shalt  }
0x53: {  	_ =	shalt  }
0x54: {  	_ =	shalt  }
0x55: {  	_ =	shalt  }
0x56: {  	_ =	shalt  }
0x57: {  	_ =	shalt  }
0x58: {  	_ =	shalt  }
0x59: {  	_ =	shalt  }
0x5a: {  	_ =	shalt  }
0x5b: {  	_ =	shalt  }
0x5c: {  	_ =	shalt  }
0x5d: {  	_ =	shalt  }
0x5e: {  	_ =	shalt  }
0x5f: {  	_ =	shalt  }
0x60: {  	_ =	shalt  }
0x61: {  	_ =	shalt  }
0x62: {  	_ =	shalt  }
0x63: {  	_ =	shalt  }
0x64: {  	_ =	shalt  }
0x65: {  	_ =	shalt  }
0x66: {  	_ =	shalt  }
0x67: {  	_ =	shalt  }
0x68: {  	_ =	shalt  }
0x69: {  	_ =	shalt  }
0x6a: {  	_ =	shalt  }
0x6b: {  	_ =	shalt  }
0x6c: {  	_ =	shalt  }
0x6d: {  	_ =	shalt  }
0x6e: {  	_ =	shalt  }
0x6f: {  	_ =	shalt  }
0x70: {  	_ =	shalt  }
0x71: {  	_ =	shalt  }
0x72: {  	_ =	shalt  }
0x73: {  	_ =	shalt  }
0x74: {  	_ =	shalt  }
0x75: {  	_ =	shalt  }
0x76: {  	_ =	shalt  }
0x77: {  	_ =	shalt  }
0x78: {  	_ =	shalt  }
0x79: {  	_ =	shalt  }
0x7a: {  	_ =	shalt  }
0x7b: {  	_ =	shalt  }
0x7c: {  	_ =	shalt  }
0x7d: {  	_ =	shalt  }
0x7e: {  	_ =	shalt  }
0x7f: {  	_ =	shalt  }
0x80: {  	_ =	shalt  }
0x81: {  	_ =	shalt  }
0x82: {  	_ =	shalt  }
0x83: {  	_ =	shalt  }
0x84: {  	_ =	shalt  }
0x85: {  	_ =	shalt  }
0x86: {  	_ =	shalt  }
0x87: {  	_ =	shalt  }
.Lfunc_end0:
.L_simem_size_0:
called_computation.1_lowered:
.L_overlay_start_0:
0x88: {  	s2 =	sld [smem:$0x3FD9]  }
0x89: {  	s3 =	sld [smem:$0x3FFE];
	_ =	sdelay $0x1  }
0x8a: {  	s1 =	srdreg.scid  }
0x8b: {  	s0 =	sand.u32 $0x1, s1  }
0x8c: {  	s17 =	sshll.u32 s0, $0xA;
	s2 =	sadd.s32 s3, s2  }
0x8d: {  	s2 =	sadd.s32 s2, s17  }
0x8e: {  	[smem:$0x3FC2] =	sst s2  }
0x8f: {  	_ = 	snop  }
0x90: {  	s2 =	sld [smem:$0x3FD0];
	(tm) =	ssettm $0x1  }
0x91: {  	s18 =	sld [smem:$0x3FFB];
	_ =	sdelay $0x3  }
0x92: {  	_ =	strace s18  }
0x93: {  	s3 =	sld [smem:$0x3FFC];
	_ =	sdelay $0x3  }
0x94: {  	_ =	strace s3  }
0x95: {  	s3 =	sld [smem:$0x3FFD];
	_ =	sdelay $0x3  }
0x96: {  	_ =	strace s3  }
0x97: {  	_ =	strace $0x8FFFFFFF  }
0x98: {  	s19 =	sld [smem:$0x3FDB];
	_ =	sdelay $0x1  }
0x99: {  	s4 =	simm.s32 $_scs_section_size  }
0x9a: {  	s5 =	simm.s32 $_size__tile_overlayer_lowered;
	s6 =	simm.s32 $_tile_overlayer_lowered  }
0x9b: {  	s22 =	simm.s32 $0x1BFF;
	s21 =	sshll.u32 s6, $0x1;
	s3 =	sadd.s32 s4, s19  }
0x9c: {  	s7 =	simm.s32 $0x0;
	s20 =	sshll.u32 s5, $0x1;
	s5 =	sadd.s32 s21, s3  }
0x9d: {  	[timem:s7], [sflag:s22] =	dma.local [hbm:s5], s20  }
0x9e: {  	_ =	swait.ge [sflag:s22], s20  }
0x9f: {  	s4 =	ssub.s32 $0x0, s20;
	[sflag:s22] =	ssyncset.done $0x0  }
0xa0: {  	[sflag:s22] =	ssyncadd.s32 s4;
	_ =	sdelay $0x1  }
0xa1: {  	s23 =	simm.s32 $0x1B8B  }
0xa2: {  	_ =	swait.ge [sflag:s23], $0x1  }
0xa3: {  	[sflag:s23] =	ssyncset.done $0x0  }
0xa4: {  	s25 =	simm.s32 $0x1B8E;
	s24 =	sld [smem:$0x3FFE];
	[sflag:s23] =	ssyncadd.s32 $0xFFFFFFFF  }
0xa5: {  	s26 =	simm.s32 $execute0_lowered;
	[smem:$0x3FD2] =	sst s25  }
0xa6: {  	s5 =	sshll.u32 s26, $0x1;
	_ =	strace $0x80000049;
	[dreg:$0x1] =	wrdreg $0xFFFFFFFF  }
0xa7: {  	s28 =	simm.s32 $_size_execute0_lowered;
	s3 =	sadd.s32 s3, s5;
	[dreg:$0x0] =	wrdreg $0x0  }
0xa8: {  	s5 =	sshll.u32 s28, $0x1;
	[dreg:$0x2] =	wrdreg s3  }
0xa9: {  	[dreg:$0x3] =	wrdreg s5  }
0xaa: {  	[dreg:$0x4] =	wrdreg $0xC0  }
0xab: {  	_ =	task [dreg:s7], $0x5FFFF  }
0xac: {  	[dreg:$0x1] =	wrdreg $0xFFFFFFFF  }
0xad: {  	[dreg:$0x0] =	wrdreg $0x60  }
0xae: {  	[dreg:$0x2] =	wrdreg s2  }
0xaf: {  	[dreg:$0x3] =	wrdreg s24  }
0xb0: {  	[dreg:$0x4] =	wrdreg $0x90000  }
0xb1: {  	[dreg:$0x5] =	wrdreg $0x9  }
0xb2: {  	_ =	task.clear_ibuf [dreg:s7], $0x6FFFF;
	_ =	strace $0x90000049  }
0xb3: {  	s29 =	simm.s32 $0x9;
	_ =	strace $0x8000004B  }
0xb4: {  	_ =	swait.ge [sflag:s29], $0x1  }
0xb5: {  	[sflag:s29] =	ssyncadd.s32 $0xFFFFFFFF  }
0xb6: {  	_ =	strace $0x9000004B  }
0xb7: {  	_ =	sfence  }
0xb8: {  	s30 =	sld [smem:$0x0];
	_ =	sdelay $0x2  }
0xb9: {  	s31 =	sshll.u32 s1, $0xD;
	s1 =	sshrl.u32 s1, $0x2  }
0xba: {  	s3 =	sand.u32 $0x4000, s31;
	s1 =	sadd.s32 s1, s30  }
0xbb: {  	s0 =	sor.u32 s3, s0;
	s1 =	sshll.u32 s1, $0x11  }
0xbc: {  	s0 =	sor.u32 s1, s0  }
0xbd: {  	s0 =	sadd.s32 $0x8F2B, s0  }
0xbe: {  	[sflag:s0] =	ssyncadd.remote.s32 $0x1  }
0xbf: {  	_ =	sfence.sel $0xFFFF  }
0xc0: {  	[dreg:$0x0] =	wrdreg $0xFFFFFFFF;
	(pc) =	sbr.abs _section_cstart, $3  }
0xc1: {  	[dreg:$0x1] =	wrdreg $0xFFFFFFFF  }
0xc2: {  	_ =	task.clear_ibuf [dreg:s7], $0x2FFFF;
	_ =	strace $0x9FFFFFFF  }
0xc3: {  	(tm) =	ssettm $0x7FFFFFFF  }
tec
execute0_lowered:
.L_overlay_start_1:
0x0: {  	(tag) =	ssettag $0x1  }
0x1: {  	s1 =	rddreg [dreg:$0x0]  }
0x2: {  	s0 =	rddreg [dreg:$0x1]  }
0x3: {  	s3 =	rddreg [dreg:$0x2];
	s4 =	simm.s32 $0x0;
	s18 =	stileid.u32  }
0x4: {  	s7 =	srdreg.scid;
	s19 =	simm.s32 $0x3;
	s28 =	simm.s32 $0x1  }
0x5: {  	s29 =	simm.s32 $0x5;
	s30 =	simm.s32 $0x2;
	[smem:$0x7FF] =	sst s4  }
0x6: {  	s2 =	smul.u32 $0x13C00, s18;
	s6 =	sadd.s32 $0xAE00, s0;
	s14 =	sadd.s32 $0xE00, s0  }
0x7: {  	s12 =	sand.u32 $0x1, s7;
	s21 =	smul.u32 $0x4F000, s18;
	s24 =	sshll.u32 s18, $0x6  }
0x8: {  	s25 =	smul.u32 $0x500, s18;
	p0 =	seq.s32 s18, $0xF;
	_ =	strace $0x8000004A  }
0x9: {  	s20 =	ssub.s32 $0x2, s12;
	s9 =	sshll.u32 s12, $0x4;
	s13 =	smul.u32 $0x138800, s12  }
0xa: {  	s7 =	sor.u32 $0x1C04, s24;
	s16 =	smul.u32 $0x5000, s12;
	s24 =	simm.s32 $0x5000  }
0xb: {  	s5 =	sshrl.u32 s2, $0x3;
	s10 =	sshrl.u32 s20, $0x1;
	s9 =	sor.u32 s18, s9  }
0xc: {  	s22 =	sshrl.u32 s21, $0x2;
	[dreg:$0x5] =	wrdreg s7;
	s21 =	simm.s32 $0xC00  }
0xd: {  	s8 =	sadd.s32 s5, s0;
	s0 =	sadd.s32 $0x3C600, s0;
	s15 =	ssub.s32 s20, s10  }
0xe: {  	s9 =	smul.u32 $0x500, s9;
	s5 =	sadd.s32 s22, s3;
	s2 =	sadd.s32 s2, s13  }
0xf: {  	s13 =	sshrl.u32 s13, $0x3;
	s17 =	sadd.s32 s16, s14;
	s22 =	simm.s32 $0x80  }
0x10: {  	s20 =	simm.s32 $0x0;
	s23 =	sadd.s32 $0x14E00, s8;
	s2 =	sshrl.u32 s2, $0x3  }
0x11: {  	s13 =	sadd.s32 s0, s13;
	s26 =	sadd.s32 s25, s17;
	s17 =	sshrl.u32 s5, $0x3  }
0x12: {  	[dreg:$0x4] =	wrdreg s23;
	s11 =	sor.u32 $0x80, s9;
	s8 =	sadd.s32 s6, s9  }
.Ltmp0:
0x13: {  	s9 =	sadd.s32 s14, s9;
	s12 =	sadd.s32 s0, s2;
	(pc) =	sbr.rel .LBB2_1-.Ltmp0, $4  }
0x14: {  	s13 =	sadd.s32 $0x25080, s13;
	s2 =	sadd.s32 $0x128400, s3;
	s0 =	sadd.s32 $0x100, s26  }
0x15: {  	s23 =	simm.s32 $0x1000;
	s10 =	sadd.s32 s6, s11;
	s6 =	sadd.s32 s16, s6  }
0x16: {  	s26 =	simm.s32 $0x4;
	s11 =	sadd.s32 s14, s11;
	s6 =	sadd.s32 s25, s6  }
0x17: {  	s14 =	smax.u32 s15, $0x1;
	s25 =	sshrl.u32 @p0 s2, $0x3;
	s31 =	sadd.s32 $0x100, s6  }
.LBB2_4:
0x18: {  	_ =	swait.ge [sflag:s28], $0x4000  }
0x19: {  	[sflag:s28] =	ssyncset.done $0x0  }
0x1a: {  	[sflag:s28] =	ssyncadd.s32 $0xFFFFC000  }
0x1b: {  	[spmem:s3] =	stream.indirect.scatter.add.f32 [tilespmem:s23], [sflag:$0x5], $0x80, s21, s22, $0xb8;
	[tilespmem:$0x1CC00] =	vst v63  }
0x1c: {  	_ =	swait.ge [sflag:s29], $0x4000  }
0x1d: {  	[sflag:s29] =	ssyncset.done $0x0  }
0x1e: {  	s2 =	simm.s32 $0x500;
	[sflag:s29] =	ssyncadd.s32 $0xFFFFC000  }
0x1f: {  	[tilespmem:s23], [sflag:$0x1] =	stream.indirect.gather [hbm4b:s1+s22], $0x80, s2, s22, $0xb8;
	[tilespmem:$0x1CC00] =	vst v63  }
0x20: {  	_ =	swait.ge [sflag:s30], $0x4000  }
0x21: {  	[sflag:s30] =	ssyncset.done $0x0  }
0x22: {  	s16 =	simm.s32 $0xC80;
	[sflag:s30] =	ssyncadd.s32 $0xFFFFC000  }
0x23: {  	[spmem:s3] =	stream.indirect.scatter.add.f32 [tilespmem:s24], [sflag:$0x5], $0x80, s16, s22, $0xb8;
	[tilespmem:$0x1CC00] =	vst v63  }
0x24: {  	_ =	swait.ge [sflag:s29], $0x4000  }
0x25: {  	[sflag:s29] =	ssyncset.done $0x0  }
0x26: {  	s18 =	simm.s32 $0x580;
	[sflag:s29] =	ssyncadd.s32 $0xFFFFC000  }
0x27: {  	[tilespmem:s24], [sflag:$0x2] =	stream.indirect.gather [hbm4b:s1+s22], $0x80, s18, s22, $0xb8;
	[tilespmem:$0x1CC00] =	vst v63  }
0x28: {  	_ =	swait.ge [sflag:s28], $0x4000  }
0x29: {  	[sflag:s28] =	ssyncset.done $0x0  }
0x2a: {  	s6 =	simm.s32 $0xD00;
	[sflag:s28] =	ssyncadd.s32 $0xFFFFC000  }
0x2b: {  	[spmem:s3] =	stream.indirect.scatter.add.f32 [tilespmem:s23], [sflag:$0x5], $0x80, s6, s22, $0xb8;
	[tilespmem:$0x1CC00] =	vst v63  }
0x2c: {  	_ =	swait.ge [sflag:s29], $0x4000  }
0x2d: {  	[sflag:s29] =	ssyncset.done $0x0  }
0x2e: {  	s7 =	simm.s32 $0x600;
	[sflag:s29] =	ssyncadd.s32 $0xFFFFC000  }
0x2f: {  	[tilespmem:s23], [sflag:$0x1] =	stream.indirect.gather [hbm4b:s1+s22], $0x80, s7, s22, $0xb8;
	[tilespmem:$0x1CC00] =	vst v63  }
0x30: {  	_ =	swait.ge [sflag:s30], $0x4000  }
0x31: {  	[sflag:s30] =	ssyncset.done $0x0  }
0x32: {  	s15 =	simm.s32 $0xD80;
	[sflag:s30] =	ssyncadd.s32 $0xFFFFC000  }
0x33: {  	[spmem:s3] =	stream.indirect.scatter.add.f32 [tilespmem:s24], [sflag:$0x5], $0x80, s15, s22, $0xb8;
	[tilespmem:$0x1CC00] =	vst v63  }
0x34: {  	_ =	swait.ge [sflag:s29], $0x4000  }
0x35: {  	[sflag:s29] =	ssyncset.done $0x0  }
0x36: {  	s16 =	simm.s32 $0x680;
	[sflag:s29] =	ssyncadd.s32 $0xFFFFC000  }
0x37: {  	[tilespmem:s24], [sflag:$0x2] =	stream.indirect.gather [hbm4b:s1+s22], $0x80, s16, s22, $0xb8;
	[tilespmem:$0x1CC00] =	vst v63  }
0x38: {  	_ =	swait.ge [sflag:s28], $0x4000  }
0x39: {  	[sflag:s28] =	ssyncset.done $0x0  }
0x3a: {  	s18 =	simm.s32 $0xE00;
	[sflag:s28] =	ssyncadd.s32 $0xFFFFC000  }
0x3b: {  	[spmem:s3] =	stream.indirect.scatter.add.f32 [tilespmem:s23], [sflag:$0x5], $0x80, s18, s22, $0xb8;
	[tilespmem:$0x1CC00] =	vst v63  }
0x3c: {  	_ =	swait.ge [sflag:s29], $0x4000  }
0x3d: {  	[sflag:s29] =	ssyncset.done $0x0  }
0x3e: {  	s6 =	simm.s32 $0x700;
	[sflag:s29] =	ssyncadd.s32 $0xFFFFC000  }
0x3f: {  	[tilespmem:s23], [sflag:$0x1] =	stream.indirect.gather [hbm4b:s1+s22], $0x80, s6, s22, $0xb8;
	[tilespmem:$0x1CC00] =	vst v63  }
0x40: {  	_ =	swait.ge [sflag:s30], $0x4000  }
0x41: {  	[sflag:s30] =	ssyncset.done $0x0  }
0x42: {  	s7 =	simm.s32 $0xE80;
	[sflag:s30] =	ssyncadd.s32 $0xFFFFC000  }
0x43: {  	[spmem:s3] =	stream.indirect.scatter.add.f32 [tilespmem:s24], [sflag:$0x5], $0x80, s7, s22, $0xb8;
	[tilespmem:$0x1CC00] =	vst v63  }
0x44: {  	_ =	swait.ge [sflag:s29], $0x4000  }
0x45: {  	[sflag:s29] =	ssyncset.done $0x0  }
0x46: {  	s15 =	simm.s32 $0x780;
	[sflag:s29] =	ssyncadd.s32 $0xFFFFC000  }
0x47: {  	[tilespmem:s24], [sflag:$0x2] =	stream.indirect.gather [hbm4b:s1+s22], $0x80, s15, s22, $0xb8;
	[tilespmem:$0x1CC00] =	vst v63  }
0x48: {  	_ =	swait.ge [sflag:s28], $0x4000  }
0x49: {  	[sflag:s28] =	ssyncset.done $0x0  }
0x4a: {  	s16 =	simm.s32 $0xF00;
	[sflag:s28] =	ssyncadd.s32 $0xFFFFC000  }
0x4b: {  	[spmem:s3] =	stream.indirect.scatter.add.f32 [tilespmem:s23], [sflag:$0x5], $0x80, s16, s22, $0xb8;
	[tilespmem:$0x1CC00] =	vst v63  }
0x4c: {  	_ =	swait.ge [sflag:s29], $0x4000  }
0x4d: {  	[sflag:s29] =	ssyncset.done $0x0  }
0x4e: {  	[sflag:s29] =	ssyncadd.s32 $0xFFFFC000  }
0x4f: {  	_ =	swait.ge [sflag:s30], $0x4000  }
0x50: {  	[sflag:s30] =	ssyncset.done $0x0  }
0x51: {  	s18 =	simm.s32 $0xF80;
	[sflag:s30] =	ssyncadd.s32 $0xFFFFC000  }
0x52: {  	[spmem:s3] =	stream.indirect.scatter.add.f32 [tilespmem:s24], [sflag:$0x5], $0x80, s18, s22, $0xb8;
	[tilespmem:$0x1CC00] =	vst v63  }
0x53: {  	_ =	swait.ge [sflag:s29], $0x4000  }
0x54: {  	[sflag:s29] =	ssyncset.done $0x0  }
0x55: {  	[sflag:s29] =	ssyncadd.s32 $0xFFFFC000  }
0x56: {  	s2 =	simm.s32 @p0 $0x1FC5;
	[bflag:$0x0] =	sbarrier.arrive $0xFFFF  }
0x57: {  	[hbm:s13], [sflag:s2] =	dma.local @p0 [spmem:s25], $0x2080  }
0x58: {  	s2 =	simm.s32 @p0 $0x5  }
0x59: {  	s20 =	sadd.s32 $0x1, s20;
	s6 =	stileid.u32;
	_ =	swait.ge @p0 [sflag:s2], $0x2080  }
0x5a: {  	p1 =	sne.s32 s20, s14;
	s6 =	sshll.u32 @!p0 s6, $0x6;
	[sflag:s2] =	ssyncset.done @p0 $0x0  }
0x5b: {  	[sflag:s2] =	ssyncadd.s32 @p0 $0xFFFFDF80;
	s2 =	sor.u32 @!p0 $0x1C05, s6;
	s6 =	sshrl.u32 @!p0 s5, $0x3  }
0x5c: {  	[hbm:s12], [sflag:s2] =	dma.local @!p0 [spmem:s6], $0x2780  }
.Ltmp1:
0x5d: {  	_ = 	snop;
	(pc) =	sbr.rel @!p1 .LBB2_5-.Ltmp1, $4  }
0x5e: {  	s2 =	simm.s32 @!p0 $0x5  }
0x5f: {  	_ =	swait.ge @!p0 [sflag:s2], $0x2780  }
0x60: {  	[sflag:s2] =	ssyncset.done @!p0 $0x0  }
0x61: {  	[sflag:s2] =	ssyncadd.s32 @!p0 $0xFFFFD880  }
.LBB2_1:
0x62: {  	s2 =	rddreg [dreg:$0x4]  }
0x63: {  	s6 =	rddreg [dreg:$0x5]  }
0x64: {  	[spmem:s17], [sflag:s6] =	dma.local [hbm:s2], $0x2780  }
0x65: {  	[tilespmem:s4], [sflag:$0x3] =	stream.linear.gather [hbm4b:s8+s4], $0x400, $0x38;
	[tilespmem:$0x1CC00] =	vst v63  }
0x66: {  	s16 =	simm.s32 $0x800  }
0x67: {  	[tilespmem:s16], [sflag:$0x3] =	stream.linear.gather [hbm4b:s9+s4], $0x400, $0x38;
	[tilespmem:$0x1CC00] =	vst v63  }
0x68: {  	_ =	swait.ge [sflag:s19], $0x400  }
0x69: {  	[sflag:s19] =	ssyncset.done $0x0  }
0x6a: {  	[sflag:s19] =	ssyncadd.s32 $0xFFFFFC00  }
0x6b: {  	_ =	swait.ge [sflag:s19], $0x400  }
0x6c: {  	[sflag:s19] =	ssyncset.done $0x0  }
0x6d: {  	s18 =	simm.s32 $0x400;
	[sflag:s19] =	ssyncadd.s32 $0xFFFFFC00  }
0x6e: {  	[tilespmem:s18], [sflag:$0x3] =	stream.linear.gather [hbm4b:s10+s4], $0x400, $0x38;
	[tilespmem:$0x1CC00] =	vst v63  }
0x6f: {  	_ = 	snop  }
0x70: {  	[tilespmem:s21], [sflag:$0x3] =	stream.linear.gather [hbm4b:s11+s4], $0x400, $0x38;
	[tilespmem:$0x1CC00] =	vst v63  }
0x71: {  	_ = 	snop  }
0x72: {  	[tilespmem:s23], [sflag:$0x1] =	stream.indirect.gather [hbm4b:s1+s22], $0x80, s4, s22, $0xb8;
	[tilespmem:$0x1CC00] =	vst v63  }
0x73: {  	_ = 	snop  }
0x74: {  	[tilespmem:s24], [sflag:$0x2] =	stream.indirect.gather [hbm4b:s1+s22], $0x80, s22, s22, $0xb8;
	[tilespmem:$0x1CC00] =	vst v63  }
0x75: {  	_ =	swait.ge [sflag:s26], $0x2780  }
0x76: {  	[sflag:s26] =	ssyncset.done $0x0  }
0x77: {  	s15 =	smov.u32 s0;
	[sflag:s26] =	ssyncadd.s32 $0xFFFFD880  }
0x78: {  	s2 =	simm.s32 $0x0;
	s16 =	smov.u32 s31;
	[bflag:$0x0] =	sbarrier.arrive $0xFFFF  }
.LBB2_2:
0x79: {  	_ =	swait.ge [sflag:s28], $0x4000  }
0x7a: {  	s18 =	sand.u32 $0x400, s2;
	[sflag:s28] =	ssyncset.done $0x0  }
0x7b: {  	s6 =	sor.u32 $0x800, s18;
	[sflag:s28] =	ssyncadd.s32 $0xFFFFC000  }
0x7c: {  	[spmem:s3] =	stream.indirect.scatter.add.f32 [tilespmem:s23], [sflag:$0x5], $0x80, s6, s22, $0xb8;
	[tilespmem:$0x1CC00] =	vst v63  }
0x7d: {  	_ =	swait.ge [sflag:s29], $0x4000  }
0x7e: {  	[sflag:s29] =	ssyncset.done $0x0  }
0x7f: {  	s7 =	sor.u32 $0x100, s18;
	[sflag:s29] =	ssyncadd.s32 $0xFFFFC000  }
0x80: {  	[tilespmem:s23], [sflag:$0x1] =	stream.indirect.gather [hbm4b:s1+s22], $0x80, s7, s22, $0xb8;
	[tilespmem:$0x1CC00] =	vst v63  }
0x81: {  	_ =	swait.ge [sflag:s30], $0x4000  }
0x82: {  	[sflag:s30] =	ssyncset.done $0x0  }
0x83: {  	s7 =	sor.u32 $0x880, s18;
	[sflag:s30] =	ssyncadd.s32 $0xFFFFC000  }
0x84: {  	[spmem:s3] =	stream.indirect.scatter.add.f32 [tilespmem:s24], [sflag:$0x5], $0x80, s7, s22, $0xb8;
	[tilespmem:$0x1CC00] =	vst v63  }
0x85: {  	_ =	swait.ge [sflag:s29], $0x4000  }
0x86: {  	[sflag:s29] =	ssyncset.done $0x0  }
0x87: {  	s7 =	sor.u32 $0x180, s18;
	[sflag:s29] =	ssyncadd.s32 $0xFFFFC000  }
0x88: {  	[tilespmem:s24], [sflag:$0x2] =	stream.indirect.gather [hbm4b:s1+s22], $0x80, s7, s22, $0xb8;
	[tilespmem:$0x1CC00] =	vst v63  }
0x89: {  	_ =	swait.ge [sflag:s28], $0x4000  }
0x8a: {  	[sflag:s28] =	ssyncset.done $0x0  }
0x8b: {  	s7 =	sor.u32 $0x900, s18;
	[sflag:s28] =	ssyncadd.s32 $0xFFFFC000  }
0x8c: {  	[spmem:s3] =	stream.indirect.scatter.add.f32 [tilespmem:s23], [sflag:$0x5], $0x80, s7, s22, $0xb8;
	[tilespmem:$0x1CC00] =	vst v63  }
0x8d: {  	_ =	swait.ge [sflag:s29], $0x4000  }
0x8e: {  	[sflag:s29] =	ssyncset.done $0x0  }
0x8f: {  	s7 =	sor.u32 $0x200, s18;
	[sflag:s29] =	ssyncadd.s32 $0xFFFFC000  }
0x90: {  	[tilespmem:s23], [sflag:$0x1] =	stream.indirect.gather [hbm4b:s1+s22], $0x80, s7, s22, $0xb8;
	[tilespmem:$0x1CC00] =	vst v63  }
0x91: {  	_ =	swait.ge [sflag:s30], $0x4000  }
0x92: {  	[sflag:s30] =	ssyncset.done $0x0  }
0x93: {  	s7 =	sor.u32 $0x980, s18;
	[sflag:s30] =	ssyncadd.s32 $0xFFFFC000  }
0x94: {  	[spmem:s3] =	stream.indirect.scatter.add.f32 [tilespmem:s24], [sflag:$0x5], $0x80, s7, s22, $0xb8;
	[tilespmem:$0x1CC00] =	vst v63  }
0x95: {  	_ =	swait.ge [sflag:s29], $0x4000  }
0x96: {  	[sflag:s29] =	ssyncset.done $0x0  }
0x97: {  	s7 =	sor.u32 $0x280, s18;
	[sflag:s29] =	ssyncadd.s32 $0xFFFFC000  }
0x98: {  	[tilespmem:s24], [sflag:$0x2] =	stream.indirect.gather [hbm4b:s1+s22], $0x80, s7, s22, $0xb8;
	[tilespmem:$0x1CC00] =	vst v63  }
0x99: {  	_ =	swait.ge [sflag:s28], $0x4000  }
0x9a: {  	[sflag:s28] =	ssyncset.done $0x0  }
0x9b: {  	s7 =	sor.u32 $0xA00, s18;
	[sflag:s28] =	ssyncadd.s32 $0xFFFFC000  }
0x9c: {  	[spmem:s3] =	stream.indirect.scatter.add.f32 [tilespmem:s23], [sflag:$0x5], $0x80, s7, s22, $0xb8;
	[tilespmem:$0x1CC00] =	vst v63  }
0x9d: {  	_ =	swait.ge [sflag:s29], $0x4000  }
0x9e: {  	[sflag:s29] =	ssyncset.done $0x0  }
0x9f: {  	s7 =	sor.u32 $0x300, s18;
	[sflag:s29] =	ssyncadd.s32 $0xFFFFC000  }
0xa0: {  	[tilespmem:s23], [sflag:$0x1] =	stream.indirect.gather [hbm4b:s1+s22], $0x80, s7, s22, $0xb8;
	[tilespmem:$0x1CC00] =	vst v63  }
0xa1: {  	_ =	swait.ge [sflag:s30], $0x4000  }
0xa2: {  	[sflag:s30] =	ssyncset.done $0x0  }
0xa3: {  	s7 =	sor.u32 $0xA80, s18;
	[sflag:s30] =	ssyncadd.s32 $0xFFFFC000  }
0xa4: {  	[spmem:s3] =	stream.indirect.scatter.add.f32 [tilespmem:s24], [sflag:$0x5], $0x80, s7, s22, $0xb8;
	[tilespmem:$0x1CC00] =	vst v63  }
0xa5: {  	_ =	swait.ge [sflag:s29], $0x4000  }
0xa6: {  	[sflag:s29] =	ssyncset.done $0x0  }
0xa7: {  	s7 =	sor.u32 $0x380, s18;
	[sflag:s29] =	ssyncadd.s32 $0xFFFFC000  }
0xa8: {  	[tilespmem:s24], [sflag:$0x2] =	stream.indirect.gather [hbm4b:s1+s22], $0x80, s7, s22, $0xb8;
	[tilespmem:$0x1CC00] =	vst v63  }
0xa9: {  	_ =	swait.ge [sflag:s28], $0x4000  }
0xaa: {  	[sflag:s28] =	ssyncset.done $0x0  }
0xab: {  	s7 =	sor.u32 $0xB00, s18;
	[sflag:s28] =	ssyncadd.s32 $0xFFFFC000  }
0xac: {  	[spmem:s3] =	stream.indirect.scatter.add.f32 [tilespmem:s23], [sflag:$0x5], $0x80, s7, s22, $0xb8;
	[tilespmem:$0x1CC00] =	vst v63  }
0xad: {  	_ =	swait.ge [sflag:s29], $0x4000  }
0xae: {  	[sflag:s29] =	ssyncset.done $0x0  }
0xaf: {  	[sflag:s29] =	ssyncadd.s32 $0xFFFFC000  }
0xb0: {  	_ =	swait.ge [sflag:s19], $0x400  }
0xb1: {  	[sflag:s19] =	ssyncset.done $0x0  }
0xb2: {  	[sflag:s19] =	ssyncadd.s32 $0xFFFFFC00  }
0xb3: {  	_ =	swait.ge [sflag:s19], $0x400  }
0xb4: {  	[sflag:s19] =	ssyncset.done $0x0  }
0xb5: {  	s7 =	sxor.u32 $0x400, s18;
	[sflag:s19] =	ssyncadd.s32 $0xFFFFFC00  }
0xb6: {  	[tilespmem:s23], [sflag:$0x1] =	stream.indirect.gather [hbm4b:s1+s22], $0x80, s7, s22, $0xb8;
	[tilespmem:$0x1CC00] =	vst v63  }
0xb7: {  	_ =	swait.ge [sflag:s30], $0x4000  }
0xb8: {  	[sflag:s30] =	ssyncset.done $0x0  }
0xb9: {  	p1 =	seq.s32 s2, $0x2000;
	s7 =	sor.u32 $0xB80, s18;
	[sflag:s30] =	ssyncadd.s32 $0xFFFFC000  }
0xba: {  	[spmem:s3] =	stream.indirect.scatter.add.f32 [tilespmem:s24], [sflag:$0x5], $0x80, s7, s22, $0xb8;
	[tilespmem:$0x1CC00] =	vst v63  }
.Ltmp2:
0xbb: {  	_ = 	snop;
	(pc) =	sbr.rel @p1 .LBB2_4-.Ltmp2, $4  }
0xbc: {  	_ =	swait.ge [sflag:s29], $0x4000  }
0xbd: {  	[sflag:s29] =	ssyncset.done $0x0  }
0xbe: {  	s7 =	sxor.u32 $0x480, s18;
	[sflag:s29] =	ssyncadd.s32 $0xFFFFC000  }
0xbf: {  	[tilespmem:s24], [sflag:$0x2] =	stream.indirect.gather [hbm4b:s1+s22], $0x80, s7, s22, $0xb8;
	[tilespmem:$0x1CC00] =	vst v63  }
.Ltmp3:
0xc0: {  	(pc) =	sbr.rel .LBB2_2-.Ltmp3, $4  }
0xc1: {  	[tilespmem:s18], [sflag:$0x3] =	stream.linear.gather [hbm4b:s16+s4], $0x400, $0x38;
	[tilespmem:$0x1CC00] =	vst v63  }
0xc2: {  	_ = 	snop  }
0xc3: {  	[tilespmem:s6], [sflag:$0x3] =	stream.linear.gather [hbm4b:s15+s4], $0x400, $0x38;
	[tilespmem:$0x1CC00] =	vst v63  }
0xc4: {  	s16 =	sadd.s32 $0x80, s16;
	s2 =	sadd.s32 $0x400, s2;
	s15 =	sadd.s32 $0x80, s15  }
.LBB2_5:
0xc5: {  	_ =	sfence.sel $0x180000  }
0xc6: {  	[bflag:$0x0] =	sbarrier.arrive $0xFFFF  }
0xc7: {  	_ =	strace $0x9000004A  }
0xc8: {  	s0 =	stileid.u32;
	[bflag:$0x2] =	sbarrier.arrive $0xFFFF  }
0xc9: {  	p0 =	sne.s32 s0, $0x0;
	s0 =	rddreg [dreg:$0x3]  }
0xca: {  	s0 =	sadd.s32 @!p0 $0x100000, s0  }
0xcb: {  	[sflag:s0] =	ssyncadd.tile.s32 @!p0 $0x1;
	_ =	shalt  }
.Lfunc_end2:
_tile_overlayer_lowered:
.L_overlay_start_2:
0xcc: {  	(tag) =	ssettag $0x2  }
0xcd: {  	s0 =	rddreg [dreg:$0x0];
	s2 =	stileid.u32  }
0xce: {  	s1 =	rddreg [dreg:$0x1];
	p0 =	sne.s32 s2, $0x0  }
0xcf: {  	s3 =	rddreg [dreg:$0x2];
	[bflag:$0x3] =	sbarrier.arrive $0xFFFF;
	s2 =	simm.s32 @!p0 $0x1C05  }
0xd0: {  	[timem:s3], [sflag:s2] =	dma.local @!p0 [hbm:s0], s1  }
0xd1: {  	s0 =	simm.s32 @!p0 $0x5  }
0xd2: {  	_ =	swait.ge @!p0 [sflag:s0], s1  }
0xd3: {  	s1 =	ssub.s32 @!p0 $0x0, s1;
	[sflag:s0] =	ssyncset.done @!p0 $0x0  }
0xd4: {  	[sflag:s0] =	ssyncadd.s32 @!p0 s1  }
0xd5: {  	[bflag:$0x3] =	sbarrier.arrive $0xFFFF  }
0xd6: {  	_ =	shalt  }

</sc_bundles>
